<compile_context>
chip_gen: v7x
topology: tpu7x:2x2x1
jax: 0.10.2.dev20260603
libtpu: 0.0.44.dev20260713+nightly
codegen_flags: <defaults>
</compile_context>

<pallas_src>
import functools

import jax
import jax.numpy as jnp
from jax import lax
from jax.experimental import pallas as pl
from jax.experimental.pallas import tpu as pltpu
from jax.experimental.pallas import tpu_sc as plsc

N = 10000
L = 20
V = 30000
DIN = 100
H = 128
H1 = 100
H2 = 100
E = 160000
B = 128

NB = 1000
NBLK = N // NB
WPAD = 128
NPAD = 10240
RPT = NPAD // 16
NW = 32
CH = 80
ECC = 64
EPAD = NW * CH * ECC



def _gru_body(x_ref, h00_ref, h01_ref,
              wih0_ref, whh0_ref, wih1_ref, whh1_ref,
              bih0_ref, bhh0_ref, bih1_ref, bhh1_ref,
              out_ref, ha, hb):
    t = pl.program_id(1)

    @pl.when(t == 0)
    def _init():
        ha[...] = h00_ref[...]
        hb[...] = h01_ref[...]

    def gates(gi, gh, h_prev):
        i_r, i_z, i_n = gi[:, :H], gi[:, H:2 * H], gi[:, 2 * H:]
        h_r, h_z, h_n = gh[:, :H], gh[:, H:2 * H], gh[:, 2 * H:]
        r = jax.nn.sigmoid(i_r + h_r)
        z = jax.nn.sigmoid(i_z + h_z)
        n = jnp.tanh(i_n + r * h_n)
        return (1.0 - z) * n + z * h_prev

    x_t = x_ref[...]
    h_a = ha[...]
    h_b = hb[...]
    gi0 = jnp.dot(x_t, wih0_ref[...], preferred_element_type=jnp.float32) + bih0_ref[...]
    gh0 = jnp.dot(h_a, whh0_ref[...], preferred_element_type=jnp.float32) + bhh0_ref[...]
    h_a = gates(gi0, gh0, h_a)
    gi1 = jnp.dot(h_a, wih1_ref[...], preferred_element_type=jnp.float32) + bih1_ref[...]
    gh1 = jnp.dot(h_b, whh1_ref[...], preferred_element_type=jnp.float32) + bhh1_ref[...]
    h_b = gates(gi1, gh1, h_b)
    ha[...] = h_a
    hb[...] = h_b

    @pl.when(t == L - 1)
    def _fin():
        out_ref[...] = h_b


def _gru(x_all, h00, h01, wih0t, whh0t, wih1t, whh1t, bih0, bhh0, bih1, bhh1):
    grid = (NBLK, L)
    full = lambda shape: pl.BlockSpec(shape, lambda n, t: (0,) * len(shape))
    return pl.pallas_call(
        _gru_body,
        grid=grid,
        in_specs=[
            pl.BlockSpec((NB, WPAD), lambda n, t: (t * NBLK + n, 0)),
            pl.BlockSpec((NB, H), lambda n, t: (n, 0)),
            pl.BlockSpec((NB, H), lambda n, t: (n, 0)),
            full((WPAD, 3 * H)), full((H, 3 * H)), full((H, 3 * H)), full((H, 3 * H)),
            full((1, 3 * H)), full((1, 3 * H)), full((1, 3 * H)), full((1, 3 * H)),
        ],
        out_specs=pl.BlockSpec((NB, H), lambda n, t: (n, 0)),
        out_shape=jax.ShapeDtypeStruct((N, H), jnp.float32),
        scratch_shapes=[pltpu.VMEM((NB, H), jnp.float32),
                        pltpu.VMEM((NB, H), jnp.float32)],
        compiler_params=pltpu.CompilerParams(
            dimension_semantics=("arbitrary", "arbitrary")),
    )(x_all, h00, h01, wih0t, whh0t, wih1t, whh1t, bih0, bhh0, bih1, bhh1)



def _mesh():
    return plsc.VectorSubcoreMesh(core_axis_name="c", subcore_axis_name="s")


def _sc_deg(dst3, ones16, zeros16):
    @functools.partial(
        pl.kernel,
        out_type=jax.ShapeDtypeStruct((2, NPAD, 16), jnp.float32),
        mesh=_mesh(),
        scratch_types=[
            pltpu.VMEM((CH, ECC), jnp.int32),
            pltpu.VMEM((ECC, 16), jnp.float32),
            pltpu.VMEM_SHARED((NPAD, 16), jnp.float32),
        ],
    )
    def k(dst_hbm, ones_hbm, z_hbm, out_hbm, didx, ones_v, acc):
        c = lax.axis_index("c")
        s = lax.axis_index("s")
        wid = s * 2 + c
        r0 = s * RPT
        pltpu.sync_copy(z_hbm.at[pl.ds(r0, RPT)], acc.at[pl.ds(r0, RPT)])
        pltpu.sync_copy(dst_hbm.at[wid], didx)
        pltpu.sync_copy(ones_hbm, ones_v)
        plsc.subcore_barrier()

        def body(j, carry):
            pltpu.sync_copy(ones_v, acc.at[didx.at[j]], add=True)
            return carry

        lax.fori_loop(0, CH, body, 0)
        plsc.subcore_barrier()
        pltpu.sync_copy(acc.at[pl.ds(r0, RPT)], out_hbm.at[c, pl.ds(r0, RPT)])

    return k(dst3, ones16, zeros16)


def _sc_conv(g, src3, dst3, zeros):
    NBUF = 2

    @functools.partial(
        pl.kernel,
        out_type=jax.ShapeDtypeStruct((2, NPAD, WPAD), jnp.float32),
        mesh=_mesh(),
        scratch_types=[
            pltpu.VMEM((CH, ECC), jnp.int32),
            pltpu.VMEM((CH, ECC), jnp.int32),
            pltpu.VMEM((NBUF, ECC, WPAD), jnp.float32),
            pltpu.VMEM_SHARED((NPAD, WPAD), jnp.float32),
            pltpu.SemaphoreType.DMA,
        ],
    )
    def k(g_hbm, src_hbm, dst_hbm, z_hbm, out_hbm, sidx, didx, rows, acc, sem):
        c = lax.axis_index("c")
        s = lax.axis_index("s")
        wid = s * 2 + c
        r0 = s * RPT
        pltpu.sync_copy(z_hbm.at[pl.ds(r0, RPT)], acc.at[pl.ds(r0, RPT)])
        pltpu.sync_copy(src_hbm.at[wid], sidx)
        pltpu.sync_copy(dst_hbm.at[wid], didx)
        plsc.subcore_barrier()
        for b in range(NBUF):
            pltpu.async_copy(g_hbm.at[sidx.at[b]], rows.at[b], sem)

        def grp(i, carry):
            j0 = i * NBUF
            for b in range(NBUF):
                j = j0 + b
                pltpu.make_async_copy(g_hbm.at[sidx.at[j]], rows.at[b], sem).wait()
                pltpu.sync_copy(rows.at[b], acc.at[didx.at[j]], add=True)

                @pl.when(j + NBUF < CH)
                def _():
                    pltpu.async_copy(g_hbm.at[sidx.at[j + NBUF]], rows.at[b], sem)
            return carry

        lax.fori_loop(0, CH // NBUF, grp, 0)
        plsc.subcore_barrier()
        pltpu.sync_copy(acc.at[pl.ds(r0, RPT)], out_hbm.at[c, pl.ds(r0, RPT)])

    return k(g, src3, dst3, zeros)


CHE = 98
ECH = 64
XROWS = N * L + NB


def _sc_emb(emb_table, feat3, ow3):
    NBUF = 7

    @functools.partial(
        pl.kernel,
        out_type=jax.ShapeDtypeStruct((XROWS, WPAD), jnp.float32),
        mesh=_mesh(),
        scratch_types=[
            pltpu.VMEM((CHE, ECH), jnp.int32),
            pltpu.VMEM((CHE, ECH), jnp.int32),
            pltpu.VMEM((NBUF, ECH, WPAD), jnp.float32),
            pltpu.SemaphoreType.DMA,
        ],
    )
    def k(tab_hbm, feat_hbm, ow_hbm, out_hbm, fidx, ow, rows, sem):
        c = lax.axis_index("c")
        s = lax.axis_index("s")
        wid = s * 2 + c
        pltpu.sync_copy(feat_hbm.at[wid], fidx)
        pltpu.sync_copy(ow_hbm.at[wid], ow)
        for b in range(NBUF):
            pltpu.async_copy(tab_hbm.at[fidx.at[b]], rows.at[b], sem)

        def grp(i, carry):
            j0 = i * NBUF
            for b in range(NBUF):
                j = j0 + b
                pltpu.make_async_copy(tab_hbm.at[fidx.at[j]], rows.at[b], sem).wait()
                pltpu.sync_copy(rows.at[b], out_hbm.at[ow.at[j]])

                @pl.when(j + NBUF < CHE)
                def _():
                    pltpu.async_copy(tab_hbm.at[fidx.at[j + NBUF]], rows.at[b], sem)
            return carry

        lax.fori_loop(0, CHE // NBUF, grp, 0)

    return k(emb_table, feat3, ow3)



def _scale_body(x_ref, deg_ref, w_ref, out_ref):
    deg = deg_ref[0, :, :] + deg_ref[1, :, :] + 1.0
    dinv = lax.rsqrt(deg[:, 0:1])
    h = jnp.dot(x_ref[...], w_ref[...], preferred_element_type=jnp.float32)
    out_ref[...] = h * dinv


def _tc_scale(x, deg, w):
    kdim = w.shape[0]
    return pl.pallas_call(
        _scale_body,
        grid=(NBLK,),
        in_specs=[
            pl.BlockSpec((NB, kdim), lambda n: (n, 0)),
            pl.BlockSpec((2, NB, 16), lambda n: (0, n, 0)),
            pl.BlockSpec((kdim, WPAD), lambda n: (0, 0)),
        ],
        out_specs=pl.BlockSpec((NB, WPAD), lambda n: (n, 0)),
        out_shape=jax.ShapeDtypeStruct((NPAD, WPAD), jnp.float32),
    )(x, deg, w)


def _combine1_body(g_ref, acc_ref, deg_ref, xr_ref, idx_ref, b1_ref, w2_ref,
                   out_ref):
    deg = deg_ref[0, :, :] + deg_ref[1, :, :] + 1.0
    dinv = lax.rsqrt(deg[:, 0:1])
    agg = g_ref[...] + acc_ref[0, :, :] + acc_ref[1, :, :]
    c1 = agg * dinv + b1_ref[...]
    idx = idx_ref[0, 0, :]
    onehot = (idx[:, None] == lax.broadcasted_iota(jnp.int32, (NB, B), 1)
              ).astype(jnp.float32)
    root = jnp.dot(onehot, xr_ref[...], preferred_element_type=jnp.float32)
    z = jnp.concatenate([c1, root], axis=1)
    z = jnp.where(z > 0, z, jnp.exp(z) - 1.0)
    g2 = jnp.dot(z, w2_ref[...], preferred_element_type=jnp.float32)
    out_ref[...] = g2 * dinv


def _tc_combine1(g1, acc1, deg, x, idx3, b1p, w2p):
    return pl.pallas_call(
        _combine1_body,
        grid=(NBLK,),
        in_specs=[
            pl.BlockSpec((NB, WPAD), lambda n: (n, 0)),
            pl.BlockSpec((2, NB, WPAD), lambda n: (0, n, 0)),
            pl.BlockSpec((2, NB, 16), lambda n: (0, n, 0)),
            pl.BlockSpec((B, H), lambda n: (0, 0)),
            pl.BlockSpec((1, 1, NB), lambda n: (n, 0, 0)),
            pl.BlockSpec((1, WPAD), lambda n: (0, 0)),
            pl.BlockSpec((2 * WPAD, WPAD), lambda n: (0, 0)),
        ],
        out_specs=pl.BlockSpec((NB, WPAD), lambda n: (n, 0)),
        out_shape=jax.ShapeDtypeStruct((NPAD, WPAD), jnp.float32),
    )(g1, acc1, deg, x, idx3, b1p, w2p)


def _pool_body(g_ref, acc_ref, deg_ref, idx_ref, b2_ref, out_ref,
               seg_acc, cnt_acc):
    n = pl.program_id(0)
    deg = deg_ref[0, :, :] + deg_ref[1, :, :] + 1.0
    dinv = lax.rsqrt(deg[:, 0:1])
    agg = g_ref[...] + acc_ref[0, :, :] + acc_ref[1, :, :]
    y = agg * dinv + b2_ref[...]
    y = jnp.where(y > 0, y, jnp.exp(y) - 1.0)
    idx = idx_ref[0, 0, :]
    onehot = (idx[:, None] == lax.broadcasted_iota(jnp.int32, (NB, B), 1)
              ).astype(jnp.float32)
    dn = (((0,), (0,)), ((), ()))
    seg = lax.dot_general(onehot, y, dn, preferred_element_type=jnp.float32)
    ones = jnp.ones((NB, WPAD), dtype=jnp.float32)
    cnt = lax.dot_general(onehot, ones, dn, preferred_element_type=jnp.float32)

    @pl.when(n == 0)
    def _z():
        seg_acc[...] = jnp.zeros_like(seg_acc)
        cnt_acc[...] = jnp.zeros_like(cnt_acc)

    seg_acc[...] += seg
    cnt_acc[...] += cnt

    @pl.when(n == NBLK - 1)
    def _f():
        out_ref[...] = (seg_acc[:, :H2] /
                        jnp.maximum(cnt_acc[:, :H2], 1.0))


def _tc_pool(g2, acc2, deg, idx3, b2p):
    return pl.pallas_call(
        _pool_body,
        grid=(NBLK,),
        in_specs=[
            pl.BlockSpec((NB, WPAD), lambda n: (n, 0)),
            pl.BlockSpec((2, NB, WPAD), lambda n: (0, n, 0)),
            pl.BlockSpec((2, NB, 16), lambda n: (0, n, 0)),
            pl.BlockSpec((1, 1, NB), lambda n: (n, 0, 0)),
            pl.BlockSpec((1, WPAD), lambda n: (0, 0)),
        ],
        out_specs=pl.BlockSpec((B, H2), lambda n: (0, 0)),
        out_shape=jax.ShapeDtypeStruct((B, H2), jnp.float32),
        scratch_shapes=[pltpu.VMEM((B, WPAD), jnp.float32),
                        pltpu.VMEM((B, WPAD), jnp.float32)],
        compiler_params=pltpu.CompilerParams(
            dimension_semantics=("arbitrary",)),
    )(g2, acc2, deg, idx3, b2p)



def _pad_edges(e):
    pad = jnp.full((EPAD - E,), N, dtype=jnp.int32)
    return jnp.concatenate([e.astype(jnp.int32), pad]).reshape(NW, CH, ECC)


def kernel(merged_tree_feature, merged_tree_edge_index, indices, emb_table, h0,
           W_ih0, W_hh0, b_ih0, b_hh0, W_ih1, W_hh1, b_ih1, b_hh1,
           W1, b1, W2, b2):
    f32 = jnp.float32
    i32 = jnp.int32
    fpad = NW * CHE * ECH - N * L
    feat3 = jnp.concatenate(
        [merged_tree_feature.astype(i32).reshape(-1),
         jnp.zeros((fpad,), i32)]).reshape(NW, CHE, ECH)
    p = jnp.arange(NW * CHE * ECH, dtype=i32)
    ow3 = jnp.where(p < N * L, (p % L) * N + p // L, N * L).reshape(NW, CHE, ECH)
    x_all = _sc_emb(jnp.pad(emb_table, ((0, 0), (0, WPAD - DIN))), feat3, ow3)
    x = _gru(x_all, h0[0], h0[1],
             jnp.pad(W_ih0.T, ((0, WPAD - DIN), (0, 0))),
             W_hh0.T, W_ih1.T, W_hh1.T,
             b_ih0.reshape(1, -1), b_hh0.reshape(1, -1),
             b_ih1.reshape(1, -1), b_hh1.reshape(1, -1))

    src3 = _pad_edges(merged_tree_edge_index[1])
    dst3 = _pad_edges(merged_tree_edge_index[0])
    idx3 = indices.astype(jnp.int32).reshape(NBLK, 1, NB)

    ones16 = jnp.ones((ECC, 16), f32)
    zeros16 = jnp.zeros((NPAD, 16), f32)
    zerosW = jnp.zeros((NPAD, WPAD), f32)

    w1p = jnp.pad(W1, ((0, 0), (0, WPAD - H1)))
    b1p = jnp.pad(b1, (0, WPAD - H1)).reshape(1, WPAD)
    w2p = jnp.zeros((2 * WPAD, WPAD), f32)
    w2p = w2p.at[:H1, :H2].set(W2[:H1])
    w2p = w2p.at[WPAD:WPAD + H, :H2].set(W2[H1:])
    b2p = jnp.pad(b2, (0, WPAD - H2)).reshape(1, WPAD)

    deg = _sc_deg(dst3, ones16, zeros16)
    g1 = _tc_scale(x, deg, w1p)
    acc1 = _sc_conv(g1, src3, dst3, zerosW)
    g2 = _tc_combine1(g1, acc1, deg, x, idx3, b1p, w2p)
    acc2 = _sc_conv(g2, src3, dst3, zerosW)
    return _tc_pool(g2, acc2, deg, idx3, b2p)

# --- scband reference (transcript-rebuilt; emitter-appended) ---
"""Pipeline reference for scband-tree-gcn-69810398429653 (READ-ONLY COPY).

The authoritative reference and input builder live on the scoring server;
editing this copy changes nothing except your own understanding.
"""

import jax, jax.numpy as jnp
import numpy as np

N = 10000
L = 20
V = 30000
DIN = 100
H = 128
H1 = 100
H2 = 100
E = 160000
B = 128


def gru_layer(x_seq, h0, W_ih, W_hh, b_ih, b_hh):
    def step(h, x_t):
        gi = x_t @ W_ih.T + b_ih
        gh = h @ W_hh.T + b_hh
        i_r, i_z, i_n = jnp.split(gi, 3, axis=-1)
        h_r, h_z, h_n = jnp.split(gh, 3, axis=-1)
        r = jax.nn.sigmoid(i_r + h_r)
        z = jax.nn.sigmoid(i_z + h_z)
        n = jnp.tanh(i_n + r * h_n)
        h_new = (1.0 - z) * n + z * h
        return h_new, h_new
    h_last, outs = jax.lax.scan(step, h0, x_seq)
    return outs, h_last


def gcn_conv(x, src, dst, W, b, n_nodes):
    loop = jnp.arange(n_nodes)
    s = jnp.concatenate([src, loop])
    d = jnp.concatenate([dst, loop])
    ew = jnp.ones(s.shape[0], dtype=x.dtype)
    deg = jnp.zeros(n_nodes, dtype=x.dtype).at[d].add(ew)
    dinv = jnp.where(deg > 0, deg ** -0.5, 0.0)
    norm = dinv[s] * dinv[d]
    h = x @ W
    msg = h[s] * norm[:, None]
    out = jnp.zeros((n_nodes, W.shape[1]), dtype=x.dtype).at[d].add(msg)
    return out + b


def setup_inputs(seed: int = 0):
    key = jax.random.key(seed)
    ks = jax.random.split(key, 16)
    inp = {}
    inp['merged_tree_feature'] = jax.random.randint(ks[0], (N, L), 0, V)
    inp['merged_tree_edge_index'] = jax.random.randint(ks[1], (2, E), 0, N)
    inp['indices'] = jnp.sort(jax.random.randint(ks[2], (N,), 0, B))
    inp['emb_table'] = jax.random.normal(ks[3], (V, DIN), dtype=jnp.float32) * 0.1
    inp['h0'] = jax.random.normal(ks[4], (2, N, H), dtype=jnp.float32)
    sc = lambda k, sh: jax.random.normal(k, sh, dtype=jnp.float32) * 0.05
    inp['W_ih0'] = sc(ks[5], (3 * H, DIN))
    inp['W_hh0'] = sc(ks[6], (3 * H, H))
    inp['b_ih0'] = jnp.zeros(3 * H, dtype=jnp.float32)
    inp['b_hh0'] = jnp.zeros(3 * H, dtype=jnp.float32)
    inp['W_ih1'] = sc(ks[7], (3 * H, H))
    inp['W_hh1'] = sc(ks[8], (3 * H, H))
    inp['b_ih1'] = jnp.zeros(3 * H, dtype=jnp.float32)
    inp['b_hh1'] = jnp.zeros(3 * H, dtype=jnp.float32)
    inp['W1'] = sc(ks[9], (H, H1))
    inp['b1'] = jnp.zeros(H1, dtype=jnp.float32)
    inp['W2'] = sc(ks[10], (H + H1, H2))
    inp['b2'] = jnp.zeros(H2, dtype=jnp.float32)
    return inp


def reference(merged_tree_feature, merged_tree_edge_index, indices, emb_table, h0,
              W_ih0, W_hh0, b_ih0, b_hh0, W_ih1, W_hh1, b_ih1, b_hh1,
              W1, b1, W2, b2):
    emb = emb_table[merged_tree_feature]            # [N, L, DIN]
    x_seq = jnp.transpose(emb, (1, 0, 2))           # [L, N, DIN]
    out1, h1 = gru_layer(x_seq, h0[0], W_ih0, W_hh0, b_ih0, b_hh0)
    out2, h2 = gru_layer(out1, h0[1], W_ih1, W_hh1, b_ih1, b_hh1)
    x = h2                                          # [N, H]
    # direction == 'bu': swap edge rows
    src = merged_tree_edge_index[1]
    dst = merged_tree_edge_index[0]
    x1 = x
    x = gcn_conv(x, src, dst, W1, b1, N)            # [N, H1]
    root_extend = x1[indices]                       # [N, H] (root of each tree = node id == batch id)
    x = jnp.concatenate([x, root_extend], axis=1)   # [N, H1+H]
    x = jax.nn.elu(x)
    # dropout in eval mode: identity
    x = gcn_conv(x, src, dst, W2, b2, N)            # [N, H2]
    x = jax.nn.elu(x)
    seg_sum = jax.ops.segment_sum(x, indices, num_segments=B)
    counts = jax.ops.segment_sum(jnp.ones((N,), dtype=x.dtype), indices, num_segments=B)
    out = seg_sum / jnp.clip(counts, 1.0)[:, None]
    return out

if __name__ == "__main__":
    import jax
    _d = setup_inputs()
    print(jax.jit(kernel)(*tuple(_d.values())))

</pallas_src>

<mosaic_0001>
#map = affine_map<(d0, d1) -> (0, 0)>
#map1 = affine_map<(d0, d1) -> (0, 0, 0)>
module attributes {stable_mosaic.version = 14 : i64} {
  func.func @k(%arg0: i32, %arg1: i32, %arg2: memref<10240x128xf32, #tpu.memory_space<hbm>>, %arg3: memref<32x80x64xi32, #tpu.memory_space<hbm>>, %arg4: memref<32x80x64xi32, #tpu.memory_space<hbm>>, %arg5: memref<10240x128xf32, #tpu.memory_space<hbm>>, %arg6: memref<2x10240x128xf32, #tpu.memory_space<hbm>>, %arg7: memref<80x64xi32, #tpu.memory_space<vmem>>, %arg8: memref<80x64xi32, #tpu.memory_space<vmem>>, %arg9: memref<2x64x128xf32, #tpu.memory_space<vmem>>, %arg10: memref<10240x128xf32, #tpu.memory_space<vmem_shared>>, %arg11: memref<!tpu.dma_semaphore, #tpu.memory_space<semaphore_mem>>) attributes {dimension_semantics = [#tpu.dimension_semantics<core_parallel>, #tpu.dimension_semantics<subcore_parallel>], iteration_bounds = array<i64: 2, 16>, scalar_prefetch = 0 : i64, scratch_operands = 5 : i64, tpu.core_type = #tpu.core_type<sc_vector_subcore>, window_params = [{transform_indices = #map}, {transform_indices = #map1}, {transform_indices = #map1}, {transform_indices = #map}, {transform_indices = #map1}]} {
    %mul3A = arith.constant 2 : i32
    %mul3A_0 = arith.muli %arg1, %mul3A : i32
    %add3A = arith.addi %mul3A_0, %arg0 : i32
    %mul3A_1 = arith.constant 640 : i32
    %mul3A_2 = arith.muli %arg1, %mul3A_1 : i32
    "tpu.region"() ({
      %run_scoped3A = tpu.sem_alloc : memref<!tpu.dma_semaphore, #tpu.memory_space<semaphore_mem>>
      %dma_start3A_32 = arith.constant 0 : i32
      %dma_start3A_33 = tpu.memref_slice %arg10[%mul3A_2, %dma_start3A_32] : memref<10240x128xf32, #tpu.memory_space<vmem_shared>> -> memref<640x128xf32, #tpu.memory_space<vmem_shared>>
      %dma_start3A_34 = arith.constant 0 : i32
      %dma_start3A_35 = tpu.memref_slice %arg5[%mul3A_2, %dma_start3A_34] : memref<10240x128xf32, #tpu.memory_space<hbm>> -> memref<640x128xf32, #tpu.memory_space<hbm>>
      tpu.enqueue_dma source(%dma_start3A_35 : memref<640x128xf32, #tpu.memory_space<hbm>>) target(%dma_start3A_33 : memref<640x128xf32, #tpu.memory_space<vmem_shared>>) target_semaphore(%run_scoped3A : memref<!tpu.dma_semaphore, #tpu.memory_space<semaphore_mem>>)
      %dma_wait3A = arith.constant 0 : i32
      %dma_wait3A_36 = tpu.memref_slice %arg10[%mul3A_2, %dma_wait3A] : memref<10240x128xf32, #tpu.memory_space<vmem_shared>> -> memref<640x128xf32, #tpu.memory_space<vmem_shared>>
      %dma_wait3A_37 = arith.constant 0 : i32
      %dma_wait3A_38 = tpu.memref_slice %arg5[%mul3A_2, %dma_wait3A_37] : memref<10240x128xf32, #tpu.memory_space<hbm>> -> memref<640x128xf32, #tpu.memory_space<hbm>>
      tpu.wait_dma2 semaphore(%run_scoped3A : memref<!tpu.dma_semaphore, #tpu.memory_space<semaphore_mem>>) src(%dma_wait3A_38 : memref<640x128xf32, #tpu.memory_space<hbm>>) dst(%dma_wait3A_36 : memref<640x128xf32, #tpu.memory_space<vmem_shared>>)
      tpu.yield
    }) : () -> ()
    "tpu.region"() ({
      %run_scoped3A = tpu.sem_alloc : memref<!tpu.dma_semaphore, #tpu.memory_space<semaphore_mem>>
      %dma_start3A_32 = arith.constant 0 : i32
      %dma_start3A_33 = arith.constant 0 : i32
      %dma_start3A_34 = tpu.memref_slice %arg3[%add3A, %dma_start3A_32, %dma_start3A_33] : memref<32x80x64xi32, #tpu.memory_space<hbm>> -> memref<1x80x64xi32, #tpu.memory_space<hbm>>
      %dma_start3A_35 = tpu.memref_squeeze %dma_start3A_34 : memref<1x80x64xi32, #tpu.memory_space<hbm>> -> memref<80x64xi32, #tpu.memory_space<hbm>>
      %dma_start3A_36 = arith.constant 0 : i32
      %dma_start3A_37 = arith.constant 0 : i32
      %dma_start3A_38 = tpu.memref_slice %arg3[%add3A, %dma_start3A_36, %dma_start3A_37] : memref<32x80x64xi32, #tpu.memory_space<hbm>> -> memref<1x80x64xi32, #tpu.memory_space<hbm>>
      %dma_start3A_39 = tpu.memref_squeeze %dma_start3A_38 : memref<1x80x64xi32, #tpu.memory_space<hbm>> -> memref<80x64xi32, #tpu.memory_space<hbm>>
      tpu.enqueue_dma source(%dma_start3A_39 : memref<80x64xi32, #tpu.memory_space<hbm>>) target(%arg7 : memref<80x64xi32, #tpu.memory_space<vmem>>) target_semaphore(%run_scoped3A : memref<!tpu.dma_semaphore, #tpu.memory_space<semaphore_mem>>)
      %dma_wait3A = arith.constant 0 : i32
      %dma_wait3A_40 = arith.constant 0 : i32
      %dma_wait3A_41 = tpu.memref_slice %arg3[%add3A, %dma_wait3A, %dma_wait3A_40] : memref<32x80x64xi32, #tpu.memory_space<hbm>> -> memref<1x80x64xi32, #tpu.memory_space<hbm>>
      %dma_wait3A_42 = tpu.memref_squeeze %dma_wait3A_41 : memref<1x80x64xi32, #tpu.memory_space<hbm>> -> memref<80x64xi32, #tpu.memory_space<hbm>>
      %dma_wait3A_43 = arith.constant 0 : i32
      %dma_wait3A_44 = arith.constant 0 : i32
      %dma_wait3A_45 = tpu.memref_slice %arg3[%add3A, %dma_wait3A_43, %dma_wait3A_44] : memref<32x80x64xi32, #tpu.memory_space<hbm>> -> memref<1x80x64xi32, #tpu.memory_space<hbm>>
      %dma_wait3A_46 = tpu.memref_squeeze %dma_wait3A_45 : memref<1x80x64xi32, #tpu.memory_space<hbm>> -> memref<80x64xi32, #tpu.memory_space<hbm>>
      tpu.wait_dma2 semaphore(%run_scoped3A : memref<!tpu.dma_semaphore, #tpu.memory_space<semaphore_mem>>) src(%dma_wait3A_46 : memref<80x64xi32, #tpu.memory_space<hbm>>) dst(%arg7 : memref<80x64xi32, #tpu.memory_space<vmem>>)
      tpu.yield
    }) : () -> ()
    "tpu.region"() ({
      %run_scoped3A = tpu.sem_alloc : memref<!tpu.dma_semaphore, #tpu.memory_space<semaphore_mem>>
      %dma_start3A_32 = arith.constant 0 : i32
      %dma_start3A_33 = arith.constant 0 : i32
      %dma_start3A_34 = tpu.memref_slice %arg4[%add3A, %dma_start3A_32, %dma_start3A_33] : memref<32x80x64xi32, #tpu.memory_space<hbm>> -> memref<1x80x64xi32, #tpu.memory_space<hbm>>
      %dma_start3A_35 = tpu.memref_squeeze %dma_start3A_34 : memref<1x80x64xi32, #tpu.memory_space<hbm>> -> memref<80x64xi32, #tpu.memory_space<hbm>>
      %dma_start3A_36 = arith.constant 0 : i32
      %dma_start3A_37 = arith.constant 0 : i32
      %dma_start3A_38 = tpu.memref_slice %arg4[%add3A, %dma_start3A_36, %dma_start3A_37] : memref<32x80x64xi32, #tpu.memory_space<hbm>> -> memref<1x80x64xi32, #tpu.memory_space<hbm>>
      %dma_start3A_39 = tpu.memref_squeeze %dma_start3A_38 : memref<1x80x64xi32, #tpu.memory_space<hbm>> -> memref<80x64xi32, #tpu.memory_space<hbm>>
      tpu.enqueue_dma source(%dma_start3A_39 : memref<80x64xi32, #tpu.memory_space<hbm>>) target(%arg8 : memref<80x64xi32, #tpu.memory_space<vmem>>) target_semaphore(%run_scoped3A : memref<!tpu.dma_semaphore, #tpu.memory_space<semaphore_mem>>)
      %dma_wait3A = arith.constant 0 : i32
      %dma_wait3A_40 = arith.constant 0 : i32
      %dma_wait3A_41 = tpu.memref_slice %arg4[%add3A, %dma_wait3A, %dma_wait3A_40] : memref<32x80x64xi32, #tpu.memory_space<hbm>> -> memref<1x80x64xi32, #tpu.memory_space<hbm>>
      %dma_wait3A_42 = tpu.memref_squeeze %dma_wait3A_41 : memref<1x80x64xi32, #tpu.memory_space<hbm>> -> memref<80x64xi32, #tpu.memory_space<hbm>>
      %dma_wait3A_43 = arith.constant 0 : i32
      %dma_wait3A_44 = arith.constant 0 : i32
      %dma_wait3A_45 = tpu.memref_slice %arg4[%add3A, %dma_wait3A_43, %dma_wait3A_44] : memref<32x80x64xi32, #tpu.memory_space<hbm>> -> memref<1x80x64xi32, #tpu.memory_space<hbm>>
      %dma_wait3A_46 = tpu.memref_squeeze %dma_wait3A_45 : memref<1x80x64xi32, #tpu.memory_space<hbm>> -> memref<80x64xi32, #tpu.memory_space<hbm>>
      tpu.wait_dma2 semaphore(%run_scoped3A : memref<!tpu.dma_semaphore, #tpu.memory_space<semaphore_mem>>) src(%dma_wait3A_46 : memref<80x64xi32, #tpu.memory_space<hbm>>) dst(%arg8 : memref<80x64xi32, #tpu.memory_space<vmem>>)
      tpu.yield
    }) : () -> ()
    %barrier3A = arith.constant 0 : index
    tpu.barrier barrier_id(%barrier3A)
    %dma_start3A = arith.constant 0 : i32
    %dma_start3A_3 = arith.constant 0 : i32
    %dma_start3A_4 = arith.constant 0 : i32
    %dma_start3A_5 = arith.constant 0 : i32
    %dma_start3A_6 = tpu.memref_slice %arg9[%dma_start3A_3, %dma_start3A_4, %dma_start3A_5] : memref<2x64x128xf32, #tpu.memory_space<vmem>> -> memref<1x64x128xf32, #tpu.memory_space<vmem>>
    %dma_start3A_7 = tpu.memref_squeeze %dma_start3A_6 : memref<1x64x128xf32, #tpu.memory_space<vmem>> -> memref<64x128xf32, #tpu.memory_space<vmem>>
    %dma_start3A_8 = arith.constant 0 : i32
    %dma_start3A_9 = tpu.memref_slice %arg7[%dma_start3A, %dma_start3A_8] : memref<80x64xi32, #tpu.memory_space<vmem>> -> memref<1x64xi32, #tpu.memory_space<vmem>>
    %dma_start3A_10 = tpu.memref_squeeze %dma_start3A_9 : memref<1x64xi32, #tpu.memory_space<vmem>> -> memref<64xi32, #tpu.memory_space<vmem>>
    %dma_start3A_11 = arith.constant 0 : i32
    %dma_start3A_12 = arith.constant 0 : i32
    %dma_start3A_13 = tpu.memref_slice %arg2[%dma_start3A_11, %dma_start3A_12] : memref<10240x128xf32, #tpu.memory_space<hbm>> -> memref<10240x128xf32, #tpu.memory_space<hbm>>
    tpu.enqueue_indirect_dma source(%dma_start3A_13 : memref<10240x128xf32, #tpu.memory_space<hbm>>) target(%dma_start3A_7 : memref<64x128xf32, #tpu.memory_space<vmem>>) offsets(%dma_start3A_10 : memref<64xi32, #tpu.memory_space<vmem>>) semaphore(%arg11 : memref<!tpu.dma_semaphore, #tpu.memory_space<semaphore_mem>>)
    %dma_start3A_14 = arith.constant 1 : i32
    %dma_start3A_15 = arith.constant 1 : i32
    %dma_start3A_16 = arith.constant 0 : i32
    %dma_start3A_17 = arith.constant 0 : i32
    %dma_start3A_18 = tpu.memref_slice %arg9[%dma_start3A_15, %dma_start3A_16, %dma_start3A_17] : memref<2x64x128xf32, #tpu.memory_space<vmem>> -> memref<1x64x128xf32, #tpu.memory_space<vmem>>
    %dma_start3A_19 = tpu.memref_squeeze %dma_start3A_18 : memref<1x64x128xf32, #tpu.memory_space<vmem>> -> memref<64x128xf32, #tpu.memory_space<vmem>>
    %dma_start3A_20 = arith.constant 0 : i32
    %dma_start3A_21 = tpu.memref_slice %arg7[%dma_start3A_14, %dma_start3A_20] : memref<80x64xi32, #tpu.memory_space<vmem>> -> memref<1x64xi32, #tpu.memory_space<vmem>>
    %dma_start3A_22 = tpu.memref_squeeze %dma_start3A_21 : memref<1x64xi32, #tpu.memory_space<vmem>> -> memref<64xi32, #tpu.memory_space<vmem>>
    %dma_start3A_23 = arith.constant 0 : i32
    %dma_start3A_24 = arith.constant 0 : i32
    %dma_start3A_25 = tpu.memref_slice %arg2[%dma_start3A_23, %dma_start3A_24] : memref<10240x128xf32, #tpu.memory_space<hbm>> -> memref<10240x128xf32, #tpu.memory_space<hbm>>
    tpu.enqueue_indirect_dma source(%dma_start3A_25 : memref<10240x128xf32, #tpu.memory_space<hbm>>) target(%dma_start3A_19 : memref<64x128xf32, #tpu.memory_space<vmem>>) offsets(%dma_start3A_22 : memref<64xi32, #tpu.memory_space<vmem>>) semaphore(%arg11 : memref<!tpu.dma_semaphore, #tpu.memory_space<semaphore_mem>>)
    %scan3A = arith.constant 0 : i32
    %scan3A_26 = arith.constant 0 : i32
    %scan3A_27 = arith.constant 40 : i32
    %scan3A_28 = arith.addi %scan3A_26, %scan3A_27 : i32
    %scan3A_29 = arith.constant 1 : i32
    scf.for %scan3A_32 = %scan3A_26 to %scan3A_28 step %scan3A_29  : i32 {
      %mul3A_33 = arith.constant 2 : i32
      %mul3A_34 = arith.muli %scan3A_32, %mul3A_33 : i32
      %add3A_35 = arith.constant 0 : i32
      %add3A_36 = arith.addi %mul3A_34, %add3A_35 : i32
      %dma_wait3A = arith.constant 0 : i32
      %dma_wait3A_37 = arith.constant 0 : i32
      %dma_wait3A_38 = arith.constant 0 : i32
      %dma_wait3A_39 = tpu.memref_slice %arg9[%dma_wait3A, %dma_wait3A_37, %dma_wait3A_38] : memref<2x64x128xf32, #tpu.memory_space<vmem>> -> memref<1x64x128xf32, #tpu.memory_space<vmem>>
      %dma_wait3A_40 = tpu.memref_squeeze %dma_wait3A_39 : memref<1x64x128xf32, #tpu.memory_space<vmem>> -> memref<64x128xf32, #tpu.memory_space<vmem>>
      %dma_wait3A_41 = arith.constant 0 : i32
      %dma_wait3A_42 = tpu.memref_slice %arg7[%add3A_36, %dma_wait3A_41] : memref<80x64xi32, #tpu.memory_space<vmem>> -> memref<1x64xi32, #tpu.memory_space<vmem>>
      %dma_wait3A_43 = tpu.memref_squeeze %dma_wait3A_42 : memref<1x64xi32, #tpu.memory_space<vmem>> -> memref<64xi32, #tpu.memory_space<vmem>>
      %dma_wait3A_44 = arith.constant 0 : i32
      %dma_wait3A_45 = arith.constant 0 : i32
      %dma_wait3A_46 = tpu.memref_slice %arg2[%dma_wait3A_44, %dma_wait3A_45] : memref<10240x128xf32, #tpu.memory_space<hbm>> -> memref<10240x128xf32, #tpu.memory_space<hbm>>
      tpu.wait_indirect_dma semaphore(%arg11 : memref<!tpu.dma_semaphore, #tpu.memory_space<semaphore_mem>>) src(%dma_wait3A_46 : memref<10240x128xf32, #tpu.memory_space<hbm>>) dst(%dma_wait3A_40 : memref<64x128xf32, #tpu.memory_space<vmem>>)
      %run_scoped3A = arith.constant 0 : i32
      "tpu.region"() ({
        %run_scoped3A_72 = tpu.sem_alloc : memref<!tpu.dma_semaphore, #tpu.memory_space<semaphore_mem>>
        %dma_start3A_73 = arith.constant 0 : i32
        %dma_start3A_74 = arith.constant 0 : i32
        %dma_start3A_75 = tpu.memref_slice %arg9[%run_scoped3A, %dma_start3A_73, %dma_start3A_74] : memref<2x64x128xf32, #tpu.memory_space<vmem>> -> memref<1x64x128xf32, #tpu.memory_space<vmem>>
        %dma_start3A_76 = tpu.memref_squeeze %dma_start3A_75 : memref<1x64x128xf32, #tpu.memory_space<vmem>> -> memref<64x128xf32, #tpu.memory_space<vmem>>
        %dma_start3A_77 = arith.constant 0 : i32
        %dma_start3A_78 = tpu.memref_slice %arg8[%add3A_36, %dma_start3A_77] : memref<80x64xi32, #tpu.memory_space<vmem>> -> memref<1x64xi32, #tpu.memory_space<vmem>>
        %dma_start3A_79 = tpu.memref_squeeze %dma_start3A_78 : memref<1x64xi32, #tpu.memory_space<vmem>> -> memref<64xi32, #tpu.memory_space<vmem>>
        %dma_start3A_80 = arith.constant 0 : i32
        %dma_start3A_81 = arith.constant 0 : i32
        %dma_start3A_82 = tpu.memref_slice %arg10[%dma_start3A_80, %dma_start3A_81] : memref<10240x128xf32, #tpu.memory_space<vmem_shared>> -> memref<10240x128xf32, #tpu.memory_space<vmem_shared>>
        tpu.enqueue_indirect_dma source(%dma_start3A_76 : memref<64x128xf32, #tpu.memory_space<vmem>>) target(%dma_start3A_82 : memref<10240x128xf32, #tpu.memory_space<vmem_shared>>) offsets(%dma_start3A_79 : memref<64xi32, #tpu.memory_space<vmem>>) semaphore(%run_scoped3A_72 : memref<!tpu.dma_semaphore, #tpu.memory_space<semaphore_mem>>) {add = true}
        %dma_wait3A_83 = arith.constant 0 : i32
        %dma_wait3A_84 = arith.constant 0 : i32
        %dma_wait3A_85 = tpu.memref_slice %arg9[%run_scoped3A, %dma_wait3A_83, %dma_wait3A_84] : memref<2x64x128xf32, #tpu.memory_space<vmem>> -> memref<1x64x128xf32, #tpu.memory_space<vmem>>
        %dma_wait3A_86 = tpu.memref_squeeze %dma_wait3A_85 : memref<1x64x128xf32, #tpu.memory_space<vmem>> -> memref<64x128xf32, #tpu.memory_space<vmem>>
        %dma_wait3A_87 = arith.constant 0 : i32
        %dma_wait3A_88 = tpu.memref_slice %arg8[%add3A_36, %dma_wait3A_87] : memref<80x64xi32, #tpu.memory_space<vmem>> -> memref<1x64xi32, #tpu.memory_space<vmem>>
        %dma_wait3A_89 = tpu.memref_squeeze %dma_wait3A_88 : memref<1x64xi32, #tpu.memory_space<vmem>> -> memref<64xi32, #tpu.memory_space<vmem>>
        %dma_wait3A_90 = arith.constant 0 : i32
        %dma_wait3A_91 = arith.constant 0 : i32
        %dma_wait3A_92 = tpu.memref_slice %arg10[%dma_wait3A_90, %dma_wait3A_91] : memref<10240x128xf32, #tpu.memory_space<vmem_shared>> -> memref<10240x128xf32, #tpu.memory_space<vmem_shared>>
        tpu.wait_indirect_dma semaphore(%run_scoped3A_72 : memref<!tpu.dma_semaphore, #tpu.memory_space<semaphore_mem>>) src(%dma_wait3A_86 : memref<64x128xf32, #tpu.memory_space<vmem>>) dst(%dma_wait3A_92 : memref<10240x128xf32, #tpu.memory_space<vmem_shared>>)
        tpu.yield
      }) : () -> ()
      %add3A_47 = arith.constant 2 : i32
      %add3A_48 = arith.addi %add3A_36, %add3A_47 : i32
      %lt3A = arith.constant 80 : i32
      %lt3A_49 = arith.cmpi slt, %add3A_48, %lt3A : i32
      %convert_element_type3A = arith.extui %lt3A_49 : i1 to i32
      %cond3A = arith.constant 0 : i32
      %cond3A_50 = arith.cmpi ne, %convert_element_type3A, %cond3A : i32
      scf.if %cond3A_50 {
        %add3A_72 = arith.constant 2 : i32
        %add3A_73 = arith.addi %add3A_36, %add3A_72 : i32
        %dma_start3A_74 = arith.constant 0 : i32
        %dma_start3A_75 = arith.constant 0 : i32
        %dma_start3A_76 = arith.constant 0 : i32
        %dma_start3A_77 = tpu.memref_slice %arg9[%dma_start3A_74, %dma_start3A_75, %dma_start3A_76] : memref<2x64x128xf32, #tpu.memory_space<vmem>> -> memref<1x64x128xf32, #tpu.memory_space<vmem>>
        %dma_start3A_78 = tpu.memref_squeeze %dma_start3A_77 : memref<1x64x128xf32, #tpu.memory_space<vmem>> -> memref<64x128xf32, #tpu.memory_space<vmem>>
        %dma_start3A_79 = arith.constant 0 : i32
        %dma_start3A_80 = tpu.memref_slice %arg7[%add3A_73, %dma_start3A_79] : memref<80x64xi32, #tpu.memory_space<vmem>> -> memref<1x64xi32, #tpu.memory_space<vmem>>
        %dma_start3A_81 = tpu.memref_squeeze %dma_start3A_80 : memref<1x64xi32, #tpu.memory_space<vmem>> -> memref<64xi32, #tpu.memory_space<vmem>>
        %dma_start3A_82 = arith.constant 0 : i32
        %dma_start3A_83 = arith.constant 0 : i32
        %dma_start3A_84 = tpu.memref_slice %arg2[%dma_start3A_82, %dma_start3A_83] : memref<10240x128xf32, #tpu.memory_space<hbm>> -> memref<10240x128xf32, #tpu.memory_space<hbm>>
        tpu.enqueue_indirect_dma source(%dma_start3A_84 : memref<10240x128xf32, #tpu.memory_space<hbm>>) target(%dma_start3A_78 : memref<64x128xf32, #tpu.memory_space<vmem>>) offsets(%dma_start3A_81 : memref<64xi32, #tpu.memory_space<vmem>>) semaphore(%arg11 : memref<!tpu.dma_semaphore, #tpu.memory_space<semaphore_mem>>)
      } else {
      }
      %add3A_51 = arith.constant 1 : i32
      %add3A_52 = arith.addi %mul3A_34, %add3A_51 : i32
      %dma_wait3A_53 = arith.constant 1 : i32
      %dma_wait3A_54 = arith.constant 0 : i32
      %dma_wait3A_55 = arith.constant 0 : i32
      %dma_wait3A_56 = tpu.memref_slice %arg9[%dma_wait3A_53, %dma_wait3A_54, %dma_wait3A_55] : memref<2x64x128xf32, #tpu.memory_space<vmem>> -> memref<1x64x128xf32, #tpu.memory_space<vmem>>
      %dma_wait3A_57 = tpu.memref_squeeze %dma_wait3A_56 : memref<1x64x128xf32, #tpu.memory_space<vmem>> -> memref<64x128xf32, #tpu.memory_space<vmem>>
      %dma_wait3A_58 = arith.constant 0 : i32
      %dma_wait3A_59 = tpu.memref_slice %arg7[%add3A_52, %dma_wait3A_58] : memref<80x64xi32, #tpu.memory_space<vmem>> -> memref<1x64xi32, #tpu.memory_space<vmem>>
      %dma_wait3A_60 = tpu.memref_squeeze %dma_wait3A_59 : memref<1x64xi32, #tpu.memory_space<vmem>> -> memref<64xi32, #tpu.memory_space<vmem>>
      %dma_wait3A_61 = arith.constant 0 : i32
      %dma_wait3A_62 = arith.constant 0 : i32
      %dma_wait3A_63 = tpu.memref_slice %arg2[%dma_wait3A_61, %dma_wait3A_62] : memref<10240x128xf32, #tpu.memory_space<hbm>> -> memref<10240x128xf32, #tpu.memory_space<hbm>>
      tpu.wait_indirect_dma semaphore(%arg11 : memref<!tpu.dma_semaphore, #tpu.memory_space<semaphore_mem>>) src(%dma_wait3A_63 : memref<10240x128xf32, #tpu.memory_space<hbm>>) dst(%dma_wait3A_57 : memref<64x128xf32, #tpu.memory_space<vmem>>)
      %run_scoped3A_64 = arith.constant 1 : i32
      "tpu.region"() ({
        %run_scoped3A_72 = tpu.sem_alloc : memref<!tpu.dma_semaphore, #tpu.memory_space<semaphore_mem>>
        %dma_start3A_73 = arith.constant 0 : i32
        %dma_start3A_74 = arith.constant 0 : i32
        %dma_start3A_75 = tpu.memref_slice %arg9[%run_scoped3A_64, %dma_start3A_73, %dma_start3A_74] : memref<2x64x128xf32, #tpu.memory_space<vmem>> -> memref<1x64x128xf32, #tpu.memory_space<vmem>>
        %dma_start3A_76 = tpu.memref_squeeze %dma_start3A_75 : memref<1x64x128xf32, #tpu.memory_space<vmem>> -> memref<64x128xf32, #tpu.memory_space<vmem>>
        %dma_start3A_77 = arith.constant 0 : i32
        %dma_start3A_78 = tpu.memref_slice %arg8[%add3A_52, %dma_start3A_77] : memref<80x64xi32, #tpu.memory_space<vmem>> -> memref<1x64xi32, #tpu.memory_space<vmem>>
        %dma_start3A_79 = tpu.memref_squeeze %dma_start3A_78 : memref<1x64xi32, #tpu.memory_space<vmem>> -> memref<64xi32, #tpu.memory_space<vmem>>
        %dma_start3A_80 = arith.constant 0 : i32
        %dma_start3A_81 = arith.constant 0 : i32
        %dma_start3A_82 = tpu.memref_slice %arg10[%dma_start3A_80, %dma_start3A_81] : memref<10240x128xf32, #tpu.memory_space<vmem_shared>> -> memref<10240x128xf32, #tpu.memory_space<vmem_shared>>
        tpu.enqueue_indirect_dma source(%dma_start3A_76 : memref<64x128xf32, #tpu.memory_space<vmem>>) target(%dma_start3A_82 : memref<10240x128xf32, #tpu.memory_space<vmem_shared>>) offsets(%dma_start3A_79 : memref<64xi32, #tpu.memory_space<vmem>>) semaphore(%run_scoped3A_72 : memref<!tpu.dma_semaphore, #tpu.memory_space<semaphore_mem>>) {add = true}
        %dma_wait3A_83 = arith.constant 0 : i32
        %dma_wait3A_84 = arith.constant 0 : i32
        %dma_wait3A_85 = tpu.memref_slice %arg9[%run_scoped3A_64, %dma_wait3A_83, %dma_wait3A_84] : memref<2x64x128xf32, #tpu.memory_space<vmem>> -> memref<1x64x128xf32, #tpu.memory_space<vmem>>
        %dma_wait3A_86 = tpu.memref_squeeze %dma_wait3A_85 : memref<1x64x128xf32, #tpu.memory_space<vmem>> -> memref<64x128xf32, #tpu.memory_space<vmem>>
        %dma_wait3A_87 = arith.constant 0 : i32
        %dma_wait3A_88 = tpu.memref_slice %arg8[%add3A_52, %dma_wait3A_87] : memref<80x64xi32, #tpu.memory_space<vmem>> -> memref<1x64xi32, #tpu.memory_space<vmem>>
        %dma_wait3A_89 = tpu.memref_squeeze %dma_wait3A_88 : memref<1x64xi32, #tpu.memory_space<vmem>> -> memref<64xi32, #tpu.memory_space<vmem>>
        %dma_wait3A_90 = arith.constant 0 : i32
        %dma_wait3A_91 = arith.constant 0 : i32
        %dma_wait3A_92 = tpu.memref_slice %arg10[%dma_wait3A_90, %dma_wait3A_91] : memref<10240x128xf32, #tpu.memory_space<vmem_shared>> -> memref<10240x128xf32, #tpu.memory_space<vmem_shared>>
        tpu.wait_indirect_dma semaphore(%run_scoped3A_72 : memref<!tpu.dma_semaphore, #tpu.memory_space<semaphore_mem>>) src(%dma_wait3A_86 : memref<64x128xf32, #tpu.memory_space<vmem>>) dst(%dma_wait3A_92 : memref<10240x128xf32, #tpu.memory_space<vmem_shared>>)
        tpu.yield
      }) : () -> ()
      %add3A_65 = arith.constant 2 : i32
      %add3A_66 = arith.addi %add3A_52, %add3A_65 : i32
      %lt3A_67 = arith.constant 80 : i32
      %lt3A_68 = arith.cmpi slt, %add3A_66, %lt3A_67 : i32
      %convert_element_type3A_69 = arith.extui %lt3A_68 : i1 to i32
      %cond3A_70 = arith.constant 0 : i32
      %cond3A_71 = arith.cmpi ne, %convert_element_type3A_69, %cond3A_70 : i32
      scf.if %cond3A_71 {
        %add3A_72 = arith.constant 2 : i32
        %add3A_73 = arith.addi %add3A_52, %add3A_72 : i32
        %dma_start3A_74 = arith.constant 1 : i32
        %dma_start3A_75 = arith.constant 0 : i32
        %dma_start3A_76 = arith.constant 0 : i32
        %dma_start3A_77 = tpu.memref_slice %arg9[%dma_start3A_74, %dma_start3A_75, %dma_start3A_76] : memref<2x64x128xf32, #tpu.memory_space<vmem>> -> memref<1x64x128xf32, #tpu.memory_space<vmem>>
        %dma_start3A_78 = tpu.memref_squeeze %dma_start3A_77 : memref<1x64x128xf32, #tpu.memory_space<vmem>> -> memref<64x128xf32, #tpu.memory_space<vmem>>
        %dma_start3A_79 = arith.constant 0 : i32
        %dma_start3A_80 = tpu.memref_slice %arg7[%add3A_73, %dma_start3A_79] : memref<80x64xi32, #tpu.memory_space<vmem>> -> memref<1x64xi32, #tpu.memory_space<vmem>>
        %dma_start3A_81 = tpu.memref_squeeze %dma_start3A_80 : memref<1x64xi32, #tpu.memory_space<vmem>> -> memref<64xi32, #tpu.memory_space<vmem>>
        %dma_start3A_82 = arith.constant 0 : i32
        %dma_start3A_83 = arith.constant 0 : i32
        %dma_start3A_84 = tpu.memref_slice %arg2[%dma_start3A_82, %dma_start3A_83] : memref<10240x128xf32, #tpu.memory_space<hbm>> -> memref<10240x128xf32, #tpu.memory_space<hbm>>
        tpu.enqueue_indirect_dma source(%dma_start3A_84 : memref<10240x128xf32, #tpu.memory_space<hbm>>) target(%dma_start3A_78 : memref<64x128xf32, #tpu.memory_space<vmem>>) offsets(%dma_start3A_81 : memref<64xi32, #tpu.memory_space<vmem>>) semaphore(%arg11 : memref<!tpu.dma_semaphore, #tpu.memory_space<semaphore_mem>>)
      } else {
      }
    }
    %scan3A_30 = arith.constant 40 : i32
    %barrier3A_31 = arith.constant 0 : index
    tpu.barrier barrier_id(%barrier3A_31)
    "tpu.region"() ({
      %run_scoped3A = tpu.sem_alloc : memref<!tpu.dma_semaphore, #tpu.memory_space<semaphore_mem>>
      %dma_start3A_32 = arith.constant 0 : i32
      %dma_start3A_33 = tpu.memref_slice %arg6[%arg0, %mul3A_2, %dma_start3A_32] : memref<2x10240x128xf32, #tpu.memory_space<hbm>> -> memref<1x640x128xf32, #tpu.memory_space<hbm>>
      %dma_start3A_34 = tpu.memref_squeeze %dma_start3A_33 : memref<1x640x128xf32, #tpu.memory_space<hbm>> -> memref<640x128xf32, #tpu.memory_space<hbm>>
      %dma_start3A_35 = arith.constant 0 : i32
      %dma_start3A_36 = tpu.memref_slice %arg10[%mul3A_2, %dma_start3A_35] : memref<10240x128xf32, #tpu.memory_space<vmem_shared>> -> memref<640x128xf32, #tpu.memory_space<vmem_shared>>
      tpu.enqueue_dma source(%dma_start3A_36 : memref<640x128xf32, #tpu.memory_space<vmem_shared>>) target(%dma_start3A_34 : memref<640x128xf32, #tpu.memory_space<hbm>>) target_semaphore(%run_scoped3A : memref<!tpu.dma_semaphore, #tpu.memory_space<semaphore_mem>>)
      %dma_wait3A = arith.constant 0 : i32
      %dma_wait3A_37 = tpu.memref_slice %arg6[%arg0, %mul3A_2, %dma_wait3A] : memref<2x10240x128xf32, #tpu.memory_space<hbm>> -> memref<1x640x128xf32, #tpu.memory_space<hbm>>
      %dma_wait3A_38 = tpu.memref_squeeze %dma_wait3A_37 : memref<1x640x128xf32, #tpu.memory_space<hbm>> -> memref<640x128xf32, #tpu.memory_space<hbm>>
      %dma_wait3A_39 = arith.constant 0 : i32
      %dma_wait3A_40 = tpu.memref_slice %arg10[%mul3A_2, %dma_wait3A_39] : memref<10240x128xf32, #tpu.memory_space<vmem_shared>> -> memref<640x128xf32, #tpu.memory_space<vmem_shared>>
      tpu.wait_dma2 semaphore(%run_scoped3A : memref<!tpu.dma_semaphore, #tpu.memory_space<semaphore_mem>>) src(%dma_wait3A_40 : memref<640x128xf32, #tpu.memory_space<vmem_shared>>) dst(%dma_wait3A_38 : memref<640x128xf32, #tpu.memory_space<hbm>>)
      tpu.yield
    }) : () -> ()
    return
  }
}

#map = affine_map<(d0, d1) -> (0, 0)>
#map1 = affine_map<(d0, d1) -> (0, 0, 0)>
module attributes {stable_mosaic.version = 14 : i64} {
  func.func @k(%arg0: i32, %arg1: i32, %arg2: memref<30000x128xf32, #tpu.memory_space<hbm>>, %arg3: memref<32x98x64xi32, #tpu.memory_space<hbm>>, %arg4: memref<32x98x64xi32, #tpu.memory_space<hbm>>, %arg5: memref<201000x128xf32, #tpu.memory_space<hbm>>, %arg6: memref<98x64xi32, #tpu.memory_space<vmem>>, %arg7: memref<98x64xi32, #tpu.memory_space<vmem>>, %arg8: memref<7x64x128xf32, #tpu.memory_space<vmem>>, %arg9: memref<!tpu.dma_semaphore, #tpu.memory_space<semaphore_mem>>) attributes {dimension_semantics = [#tpu.dimension_semantics<core_parallel>, #tpu.dimension_semantics<subcore_parallel>], iteration_bounds = array<i64: 2, 16>, scalar_prefetch = 0 : i64, scratch_operands = 4 : i64, tpu.core_type = #tpu.core_type<sc_vector_subcore>, window_params = [{transform_indices = #map}, {transform_indices = #map1}, {transform_indices = #map1}, {transform_indices = #map}]} {
    %mul3A = arith.constant 2 : i32
    %mul3A_0 = arith.muli %arg1, %mul3A : i32
    %add3A = arith.addi %mul3A_0, %arg0 : i32
    "tpu.region"() ({
      %run_scoped3A = tpu.sem_alloc : memref<!tpu.dma_semaphore, #tpu.memory_space<semaphore_mem>>
      %dma_start3A_89 = arith.constant 0 : i32
      %dma_start3A_90 = arith.constant 0 : i32
      %dma_start3A_91 = tpu.memref_slice %arg3[%add3A, %dma_start3A_89, %dma_start3A_90] : memref<32x98x64xi32, #tpu.memory_space<hbm>> -> memref<1x98x64xi32, #tpu.memory_space<hbm>>
      %dma_start3A_92 = tpu.memref_squeeze %dma_start3A_91 : memref<1x98x64xi32, #tpu.memory_space<hbm>> -> memref<98x64xi32, #tpu.memory_space<hbm>>
      %dma_start3A_93 = arith.constant 0 : i32
      %dma_start3A_94 = arith.constant 0 : i32
      %dma_start3A_95 = tpu.memref_slice %arg3[%add3A, %dma_start3A_93, %dma_start3A_94] : memref<32x98x64xi32, #tpu.memory_space<hbm>> -> memref<1x98x64xi32, #tpu.memory_space<hbm>>
      %dma_start3A_96 = tpu.memref_squeeze %dma_start3A_95 : memref<1x98x64xi32, #tpu.memory_space<hbm>> -> memref<98x64xi32, #tpu.memory_space<hbm>>
      tpu.enqueue_dma source(%dma_start3A_96 : memref<98x64xi32, #tpu.memory_space<hbm>>) target(%arg6 : memref<98x64xi32, #tpu.memory_space<vmem>>) target_semaphore(%run_scoped3A : memref<!tpu.dma_semaphore, #tpu.memory_space<semaphore_mem>>)
      %dma_wait3A = arith.constant 0 : i32
      %dma_wait3A_97 = arith.constant 0 : i32
      %dma_wait3A_98 = tpu.memref_slice %arg3[%add3A, %dma_wait3A, %dma_wait3A_97] : memref<32x98x64xi32, #tpu.memory_space<hbm>> -> memref<1x98x64xi32, #tpu.memory_space<hbm>>
      %dma_wait3A_99 = tpu.memref_squeeze %dma_wait3A_98 : memref<1x98x64xi32, #tpu.memory_space<hbm>> -> memref<98x64xi32, #tpu.memory_space<hbm>>
      %dma_wait3A_100 = arith.constant 0 : i32
      %dma_wait3A_101 = arith.constant 0 : i32
      %dma_wait3A_102 = tpu.memref_slice %arg3[%add3A, %dma_wait3A_100, %dma_wait3A_101] : memref<32x98x64xi32, #tpu.memory_space<hbm>> -> memref<1x98x64xi32, #tpu.memory_space<hbm>>
      %dma_wait3A_103 = tpu.memref_squeeze %dma_wait3A_102 : memref<1x98x64xi32, #tpu.memory_space<hbm>> -> memref<98x64xi32, #tpu.memory_space<hbm>>
      tpu.wait_dma2 semaphore(%run_scoped3A : memref<!tpu.dma_semaphore, #tpu.memory_space<semaphore_mem>>) src(%dma_wait3A_103 : memref<98x64xi32, #tpu.memory_space<hbm>>) dst(%arg6 : memref<98x64xi32, #tpu.memory_space<vmem>>)
      tpu.yield
    }) : () -> ()
    "tpu.region"() ({
      %run_scoped3A = tpu.sem_alloc : memref<!tpu.dma_semaphore, #tpu.memory_space<semaphore_mem>>
      %dma_start3A_89 = arith.constant 0 : i32
      %dma_start3A_90 = arith.constant 0 : i32
      %dma_start3A_91 = tpu.memref_slice %arg4[%add3A, %dma_start3A_89, %dma_start3A_90] : memref<32x98x64xi32, #tpu.memory_space<hbm>> -> memref<1x98x64xi32, #tpu.memory_space<hbm>>
      %dma_start3A_92 = tpu.memref_squeeze %dma_start3A_91 : memref<1x98x64xi32, #tpu.memory_space<hbm>> -> memref<98x64xi32, #tpu.memory_space<hbm>>
      %dma_start3A_93 = arith.constant 0 : i32
      %dma_start3A_94 = arith.constant 0 : i32
      %dma_start3A_95 = tpu.memref_slice %arg4[%add3A, %dma_start3A_93, %dma_start3A_94] : memref<32x98x64xi32, #tpu.memory_space<hbm>> -> memref<1x98x64xi32, #tpu.memory_space<hbm>>
      %dma_start3A_96 = tpu.memref_squeeze %dma_start3A_95 : memref<1x98x64xi32, #tpu.memory_space<hbm>> -> memref<98x64xi32, #tpu.memory_space<hbm>>
      tpu.enqueue_dma source(%dma_start3A_96 : memref<98x64xi32, #tpu.memory_space<hbm>>) target(%arg7 : memref<98x64xi32, #tpu.memory_space<vmem>>) target_semaphore(%run_scoped3A : memref<!tpu.dma_semaphore, #tpu.memory_space<semaphore_mem>>)
      %dma_wait3A = arith.constant 0 : i32
      %dma_wait3A_97 = arith.constant 0 : i32
      %dma_wait3A_98 = tpu.memref_slice %arg4[%add3A, %dma_wait3A, %dma_wait3A_97] : memref<32x98x64xi32, #tpu.memory_space<hbm>> -> memref<1x98x64xi32, #tpu.memory_space<hbm>>
      %dma_wait3A_99 = tpu.memref_squeeze %dma_wait3A_98 : memref<1x98x64xi32, #tpu.memory_space<hbm>> -> memref<98x64xi32, #tpu.memory_space<hbm>>
      %dma_wait3A_100 = arith.constant 0 : i32
      %dma_wait3A_101 = arith.constant 0 : i32
      %dma_wait3A_102 = tpu.memref_slice %arg4[%add3A, %dma_wait3A_100, %dma_wait3A_101] : memref<32x98x64xi32, #tpu.memory_space<hbm>> -> memref<1x98x64xi32, #tpu.memory_space<hbm>>
      %dma_wait3A_103 = tpu.memref_squeeze %dma_wait3A_102 : memref<1x98x64xi32, #tpu.memory_space<hbm>> -> memref<98x64xi32, #tpu.memory_space<hbm>>
      tpu.wait_dma2 semaphore(%run_scoped3A : memref<!tpu.dma_semaphore, #tpu.memory_space<semaphore_mem>>) src(%dma_wait3A_103 : memref<98x64xi32, #tpu.memory_space<hbm>>) dst(%arg7 : memref<98x64xi32, #tpu.memory_space<vmem>>)
      tpu.yield
    }) : () -> ()
    %dma_start3A = arith.constant 0 : i32
    %dma_start3A_1 = arith.constant 0 : i32
    %dma_start3A_2 = arith.constant 0 : i32
    %dma_start3A_3 = arith.constant 0 : i32
    %dma_start3A_4 = tpu.memref_slice %arg8[%dma_start3A_1, %dma_start3A_2, %dma_start3A_3] : memref<7x64x128xf32, #tpu.memory_space<vmem>> -> memref<1x64x128xf32, #tpu.memory_space<vmem>>
    %dma_start3A_5 = tpu.memref_squeeze %dma_start3A_4 : memref<1x64x128xf32, #tpu.memory_space<vmem>> -> memref<64x128xf32, #tpu.memory_space<vmem>>
    %dma_start3A_6 = arith.constant 0 : i32
    %dma_start3A_7 = tpu.memref_slice %arg6[%dma_start3A, %dma_start3A_6] : memref<98x64xi32, #tpu.memory_space<vmem>> -> memref<1x64xi32, #tpu.memory_space<vmem>>
    %dma_start3A_8 = tpu.memref_squeeze %dma_start3A_7 : memref<1x64xi32, #tpu.memory_space<vmem>> -> memref<64xi32, #tpu.memory_space<vmem>>
    %dma_start3A_9 = arith.constant 0 : i32
    %dma_start3A_10 = arith.constant 0 : i32
    %dma_start3A_11 = tpu.memref_slice %arg2[%dma_start3A_9, %dma_start3A_10] : memref<30000x128xf32, #tpu.memory_space<hbm>> -> memref<30000x128xf32, #tpu.memory_space<hbm>>
    tpu.enqueue_indirect_dma source(%dma_start3A_11 : memref<30000x128xf32, #tpu.memory_space<hbm>>) target(%dma_start3A_5 : memref<64x128xf32, #tpu.memory_space<vmem>>) offsets(%dma_start3A_8 : memref<64xi32, #tpu.memory_space<vmem>>) semaphore(%arg9 : memref<!tpu.dma_semaphore, #tpu.memory_space<semaphore_mem>>)
    %dma_start3A_12 = arith.constant 1 : i32
    %dma_start3A_13 = arith.constant 1 : i32
    %dma_start3A_14 = arith.constant 0 : i32
    %dma_start3A_15 = arith.constant 0 : i32
    %dma_start3A_16 = tpu.memref_slice %arg8[%dma_start3A_13, %dma_start3A_14, %dma_start3A_15] : memref<7x64x128xf32, #tpu.memory_space<vmem>> -> memref<1x64x128xf32, #tpu.memory_space<vmem>>
    %dma_start3A_17 = tpu.memref_squeeze %dma_start3A_16 : memref<1x64x128xf32, #tpu.memory_space<vmem>> -> memref<64x128xf32, #tpu.memory_space<vmem>>
    %dma_start3A_18 = arith.constant 0 : i32
    %dma_start3A_19 = tpu.memref_slice %arg6[%dma_start3A_12, %dma_start3A_18] : memref<98x64xi32, #tpu.memory_space<vmem>> -> memref<1x64xi32, #tpu.memory_space<vmem>>
    %dma_start3A_20 = tpu.memref_squeeze %dma_start3A_19 : memref<1x64xi32, #tpu.memory_space<vmem>> -> memref<64xi32, #tpu.memory_space<vmem>>
    %dma_start3A_21 = arith.constant 0 : i32
    %dma_start3A_22 = arith.constant 0 : i32
    %dma_start3A_23 = tpu.memref_slice %arg2[%dma_start3A_21, %dma_start3A_22] : memref<30000x128xf32, #tpu.memory_space<hbm>> -> memref<30000x128xf32, #tpu.memory_space<hbm>>
    tpu.enqueue_indirect_dma source(%dma_start3A_23 : memref<30000x128xf32, #tpu.memory_space<hbm>>) target(%dma_start3A_17 : memref<64x128xf32, #tpu.memory_space<vmem>>) offsets(%dma_start3A_20 : memref<64xi32, #tpu.memory_space<vmem>>) semaphore(%arg9 : memref<!tpu.dma_semaphore, #tpu.memory_space<semaphore_mem>>)
    %dma_start3A_24 = arith.constant 2 : i32
    %dma_start3A_25 = arith.constant 2 : i32
    %dma_start3A_26 = arith.constant 0 : i32
    %dma_start3A_27 = arith.constant 0 : i32
    %dma_start3A_28 = tpu.memref_slice %arg8[%dma_start3A_25, %dma_start3A_26, %dma_start3A_27] : memref<7x64x128xf32, #tpu.memory_space<vmem>> -> memref<1x64x128xf32, #tpu.memory_space<vmem>>
    %dma_start3A_29 = tpu.memref_squeeze %dma_start3A_28 : memref<1x64x128xf32, #tpu.memory_space<vmem>> -> memref<64x128xf32, #tpu.memory_space<vmem>>
    %dma_start3A_30 = arith.constant 0 : i32
    %dma_start3A_31 = tpu.memref_slice %arg6[%dma_start3A_24, %dma_start3A_30] : memref<98x64xi32, #tpu.memory_space<vmem>> -> memref<1x64xi32, #tpu.memory_space<vmem>>
    %dma_start3A_32 = tpu.memref_squeeze %dma_start3A_31 : memref<1x64xi32, #tpu.memory_space<vmem>> -> memref<64xi32, #tpu.memory_space<vmem>>
    %dma_start3A_33 = arith.constant 0 : i32
    %dma_start3A_34 = arith.constant 0 : i32
    %dma_start3A_35 = tpu.memref_slice %arg2[%dma_start3A_33, %dma_start3A_34] : memref<30000x128xf32, #tpu.memory_space<hbm>> -> memref<30000x128xf32, #tpu.memory_space<hbm>>
    tpu.enqueue_indirect_dma source(%dma_start3A_35 : memref<30000x128xf32, #tpu.memory_space<hbm>>) target(%dma_start3A_29 : memref<64x128xf32, #tpu.memory_space<vmem>>) offsets(%dma_start3A_32 : memref<64xi32, #tpu.memory_space<vmem>>) semaphore(%arg9 : memref<!tpu.dma_semaphore, #tpu.memory_space<semaphore_mem>>)
    %dma_start3A_36 = arith.constant 3 : i32
    %dma_start3A_37 = arith.constant 3 : i32
    %dma_start3A_38 = arith.constant 0 : i32
    %dma_start3A_39 = arith.constant 0 : i32
    %dma_start3A_40 = tpu.memref_slice %arg8[%dma_start3A_37, %dma_start3A_38, %dma_start3A_39] : memref<7x64x128xf32, #tpu.memory_space<vmem>> -> memref<1x64x128xf32, #tpu.memory_space<vmem>>
    %dma_start3A_41 = tpu.memref_squeeze %dma_start3A_40 : memref<1x64x128xf32, #tpu.memory_space<vmem>> -> memref<64x128xf32, #tpu.memory_space<vmem>>
    %dma_start3A_42 = arith.constant 0 : i32
    %dma_start3A_43 = tpu.memref_slice %arg6[%dma_start3A_36, %dma_start3A_42] : memref<98x64xi32, #tpu.memory_space<vmem>> -> memref<1x64xi32, #tpu.memory_space<vmem>>
    %dma_start3A_44 = tpu.memref_squeeze %dma_start3A_43 : memref<1x64xi32, #tpu.memory_space<vmem>> -> memref<64xi32, #tpu.memory_space<vmem>>
    %dma_start3A_45 = arith.constant 0 : i32
    %dma_start3A_46 = arith.constant 0 : i32
    %dma_start3A_47 = tpu.memref_slice %arg2[%dma_start3A_45, %dma_start3A_46] : memref<30000x128xf32, #tpu.memory_space<hbm>> -> memref<30000x128xf32, #tpu.memory_space<hbm>>
    tpu.enqueue_indirect_dma source(%dma_start3A_47 : memref<30000x128xf32, #tpu.memory_space<hbm>>) target(%dma_start3A_41 : memref<64x128xf32, #tpu.memory_space<vmem>>) offsets(%dma_start3A_44 : memref<64xi32, #tpu.memory_space<vmem>>) semaphore(%arg9 : memref<!tpu.dma_semaphore, #tpu.memory_space<semaphore_mem>>)
    %dma_start3A_48 = arith.constant 4 : i32
    %dma_start3A_49 = arith.constant 4 : i32
    %dma_start3A_50 = arith.constant 0 : i32
    %dma_start3A_51 = arith.constant 0 : i32
    %dma_start3A_52 = tpu.memref_slice %arg8[%dma_start3A_49, %dma_start3A_50, %dma_start3A_51] : memref<7x64x128xf32, #tpu.memory_space<vmem>> -> memref<1x64x128xf32, #tpu.memory_space<vmem>>
    %dma_start3A_53 = tpu.memref_squeeze %dma_start3A_52 : memref<1x64x128xf32, #tpu.memory_space<vmem>> -> memref<64x128xf32, #tpu.memory_space<vmem>>
    %dma_start3A_54 = arith.constant 0 : i32
    %dma_start3A_55 = tpu.memref_slice %arg6[%dma_start3A_48, %dma_start3A_54] : memref<98x64xi32, #tpu.memory_space<vmem>> -> memref<1x64xi32, #tpu.memory_space<vmem>>
    %dma_start3A_56 = tpu.memref_squeeze %dma_start3A_55 : memref<1x64xi32, #tpu.memory_space<vmem>> -> memref<64xi32, #tpu.memory_space<vmem>>
    %dma_start3A_57 = arith.constant 0 : i32
    %dma_start3A_58 = arith.constant 0 : i32
    %dma_start3A_59 = tpu.memref_slice %arg2[%dma_start3A_57, %dma_start3A_58] : memref<30000x128xf32, #tpu.memory_space<hbm>> -> memref<30000x128xf32, #tpu.memory_space<hbm>>
    tpu.enqueue_indirect_dma source(%dma_start3A_59 : memref<30000x128xf32, #tpu.memory_space<hbm>>) target(%dma_start3A_53 : memref<64x128xf32, #tpu.memory_space<vmem>>) offsets(%dma_start3A_56 : memref<64xi32, #tpu.memory_space<vmem>>) semaphore(%arg9 : memref<!tpu.dma_semaphore, #tpu.memory_space<semaphore_mem>>)
    %dma_start3A_60 = arith.constant 5 : i32
    %dma_start3A_61 = arith.constant 5 : i32
    %dma_start3A_62 = arith.constant 0 : i32
    %dma_start3A_63 = arith.constant 0 : i32
    %dma_start3A_64 = tpu.memref_slice %arg8[%dma_start3A_61, %dma_start3A_62, %dma_start3A_63] : memref<7x64x128xf32, #tpu.memory_space<vmem>> -> memref<1x64x128xf32, #tpu.memory_space<vmem>>
    %dma_start3A_65 = tpu.memref_squeeze %dma_start3A_64 : memref<1x64x128xf32, #tpu.memory_space<vmem>> -> memref<64x128xf32, #tpu.memory_space<vmem>>
    %dma_start3A_66 = arith.constant 0 : i32
    %dma_start3A_67 = tpu.memref_slice %arg6[%dma_start3A_60, %dma_start3A_66] : memref<98x64xi32, #tpu.memory_space<vmem>> -> memref<1x64xi32, #tpu.memory_space<vmem>>
    %dma_start3A_68 = tpu.memref_squeeze %dma_start3A_67 : memref<1x64xi32, #tpu.memory_space<vmem>> -> memref<64xi32, #tpu.memory_space<vmem>>
    %dma_start3A_69 = arith.constant 0 : i32
    %dma_start3A_70 = arith.constant 0 : i32
    %dma_start3A_71 = tpu.memref_slice %arg2[%dma_start3A_69, %dma_start3A_70] : memref<30000x128xf32, #tpu.memory_space<hbm>> -> memref<30000x128xf32, #tpu.memory_space<hbm>>
    tpu.enqueue_indirect_dma source(%dma_start3A_71 : memref<30000x128xf32, #tpu.memory_space<hbm>>) target(%dma_start3A_65 : memref<64x128xf32, #tpu.memory_space<vmem>>) offsets(%dma_start3A_68 : memref<64xi32, #tpu.memory_space<vmem>>) semaphore(%arg9 : memref<!tpu.dma_semaphore, #tpu.memory_space<semaphore_mem>>)
    %dma_start3A_72 = arith.constant 6 : i32
    %dma_start3A_73 = arith.constant 6 : i32
    %dma_start3A_74 = arith.constant 0 : i32
    %dma_start3A_75 = arith.constant 0 : i32
    %dma_start3A_76 = tpu.memref_slice %arg8[%dma_start3A_73, %dma_start3A_74, %dma_start3A_75] : memref<7x64x128xf32, #tpu.memory_space<vmem>> -> memref<1x64x128xf32, #tpu.memory_space<vmem>>
    %dma_start3A_77 = tpu.memref_squeeze %dma_start3A_76 : memref<1x64x128xf32, #tpu.memory_space<vmem>> -> memref<64x128xf32, #tpu.memory_space<vmem>>
    %dma_start3A_78 = arith.constant 0 : i32
    %dma_start3A_79 = tpu.memref_slice %arg6[%dma_start3A_72, %dma_start3A_78] : memref<98x64xi32, #tpu.memory_space<vmem>> -> memref<1x64xi32, #tpu.memory_space<vmem>>
    %dma_start3A_80 = tpu.memref_squeeze %dma_start3A_79 : memref<1x64xi32, #tpu.memory_space<vmem>> -> memref<64xi32, #tpu.memory_space<vmem>>
    %dma_start3A_81 = arith.constant 0 : i32
    %dma_start3A_82 = arith.constant 0 : i32
    %dma_start3A_83 = tpu.memref_slice %arg2[%dma_start3A_81, %dma_start3A_82] : memref<30000x128xf32, #tpu.memory_space<hbm>> -> memref<30000x128xf32, #tpu.memory_space<hbm>>
    tpu.enqueue_indirect_dma source(%dma_start3A_83 : memref<30000x128xf32, #tpu.memory_space<hbm>>) target(%dma_start3A_77 : memref<64x128xf32, #tpu.memory_space<vmem>>) offsets(%dma_start3A_80 : memref<64xi32, #tpu.memory_space<vmem>>) semaphore(%arg9 : memref<!tpu.dma_semaphore, #tpu.memory_space<semaphore_mem>>)
    %scan3A = arith.constant 0 : i32
    %scan3A_84 = arith.constant 0 : i32
    %scan3A_85 = arith.constant 14 : i32
    %scan3A_86 = arith.addi %scan3A_84, %scan3A_85 : i32
    %scan3A_87 = arith.constant 1 : i32
    scf.for %scan3A_89 = %scan3A_84 to %scan3A_86 step %scan3A_87  : i32 {
      %mul3A_90 = arith.constant 7 : i32
      %mul3A_91 = arith.muli %scan3A_89, %mul3A_90 : i32
      %add3A_92 = arith.constant 0 : i32
      %add3A_93 = arith.addi %mul3A_91, %add3A_92 : i32
      %dma_wait3A = arith.constant 0 : i32
      %dma_wait3A_94 = arith.constant 0 : i32
      %dma_wait3A_95 = arith.constant 0 : i32
      %dma_wait3A_96 = tpu.memref_slice %arg8[%dma_wait3A, %dma_wait3A_94, %dma_wait3A_95] : memref<7x64x128xf32, #tpu.memory_space<vmem>> -> memref<1x64x128xf32, #tpu.memory_space<vmem>>
      %dma_wait3A_97 = tpu.memref_squeeze %dma_wait3A_96 : memref<1x64x128xf32, #tpu.memory_space<vmem>> -> memref<64x128xf32, #tpu.memory_space<vmem>>
      %dma_wait3A_98 = arith.constant 0 : i32
      %dma_wait3A_99 = tpu.memref_slice %arg6[%add3A_93, %dma_wait3A_98] : memref<98x64xi32, #tpu.memory_space<vmem>> -> memref<1x64xi32, #tpu.memory_space<vmem>>
      %dma_wait3A_100 = tpu.memref_squeeze %dma_wait3A_99 : memref<1x64xi32, #tpu.memory_space<vmem>> -> memref<64xi32, #tpu.memory_space<vmem>>
      %dma_wait3A_101 = arith.constant 0 : i32
      %dma_wait3A_102 = arith.constant 0 : i32
      %dma_wait3A_103 = tpu.memref_slice %arg2[%dma_wait3A_101, %dma_wait3A_102] : memref<30000x128xf32, #tpu.memory_space<hbm>> -> memref<30000x128xf32, #tpu.memory_space<hbm>>
      tpu.wait_indirect_dma semaphore(%arg9 : memref<!tpu.dma_semaphore, #tpu.memory_space<semaphore_mem>>) src(%dma_wait3A_103 : memref<30000x128xf32, #tpu.memory_space<hbm>>) dst(%dma_wait3A_97 : memref<64x128xf32, #tpu.memory_space<vmem>>)
      %run_scoped3A = arith.constant 0 : i32
      "tpu.region"() ({
        %run_scoped3A_234 = tpu.sem_alloc : memref<!tpu.dma_semaphore, #tpu.memory_space<semaphore_mem>>
        %dma_start3A_235 = arith.constant 0 : i32
        %dma_start3A_236 = arith.constant 0 : i32
        %dma_start3A_237 = tpu.memref_slice %arg8[%run_scoped3A, %dma_start3A_235, %dma_start3A_236] : memref<7x64x128xf32, #tpu.memory_space<vmem>> -> memref<1x64x128xf32, #tpu.memory_space<vmem>>
        %dma_start3A_238 = tpu.memref_squeeze %dma_start3A_237 : memref<1x64x128xf32, #tpu.memory_space<vmem>> -> memref<64x128xf32, #tpu.memory_space<vmem>>
        %dma_start3A_239 = arith.constant 0 : i32
        %dma_start3A_240 = tpu.memref_slice %arg7[%add3A_93, %dma_start3A_239] : memref<98x64xi32, #tpu.memory_space<vmem>> -> memref<1x64xi32, #tpu.memory_space<vmem>>
        %dma_start3A_241 = tpu.memref_squeeze %dma_start3A_240 : memref<1x64xi32, #tpu.memory_space<vmem>> -> memref<64xi32, #tpu.memory_space<vmem>>
        %dma_start3A_242 = arith.constant 0 : i32
        %dma_start3A_243 = arith.constant 0 : i32
        %dma_start3A_244 = tpu.memref_slice %arg5[%dma_start3A_242, %dma_start3A_243] : memref<201000x128xf32, #tpu.memory_space<hbm>> -> memref<201000x128xf32, #tpu.memory_space<hbm>>
        tpu.enqueue_indirect_dma source(%dma_start3A_238 : memref<64x128xf32, #tpu.memory_space<vmem>>) target(%dma_start3A_244 : memref<201000x128xf32, #tpu.memory_space<hbm>>) offsets(%dma_start3A_241 : memref<64xi32, #tpu.memory_space<vmem>>) semaphore(%run_scoped3A_234 : memref<!tpu.dma_semaphore, #tpu.memory_space<semaphore_mem>>)
        %dma_wait3A_245 = arith.constant 0 : i32
        %dma_wait3A_246 = arith.constant 0 : i32
        %dma_wait3A_247 = tpu.memref_slice %arg8[%run_scoped3A, %dma_wait3A_245, %dma_wait3A_246] : memref<7x64x128xf32, #tpu.memory_space<vmem>> -> memref<1x64x128xf32, #tpu.memory_space<vmem>>
        %dma_wait3A_248 = tpu.memref_squeeze %dma_wait3A_247 : memref<1x64x128xf32, #tpu.memory_space<vmem>> -> memref<64x128xf32, #tpu.memory_space<vmem>>
        %dma_wait3A_249 = arith.constant 0 : i32
        %dma_wait3A_250 = tpu.memref_slice %arg7[%add3A_93, %dma_wait3A_249] : memref<98x64xi32, #tpu.memory_space<vmem>> -> memref<1x64xi32, #tpu.memory_space<vmem>>
        %dma_wait3A_251 = tpu.memref_squeeze %dma_wait3A_250 : memref<1x64xi32, #tpu.memory_space<vmem>> -> memref<64xi32, #tpu.memory_space<vmem>>
        %dma_wait3A_252 = arith.constant 0 : i32
        %dma_wait3A_253 = arith.constant 0 : i32
        %dma_wait3A_254 = tpu.memref_slice %arg5[%dma_wait3A_252, %dma_wait3A_253] : memref<201000x128xf32, #tpu.memory_space<hbm>> -> memref<201000x128xf32, #tpu.memory_space<hbm>>
        tpu.wait_indirect_dma semaphore(%run_scoped3A_234 : memref<!tpu.dma_semaphore, #tpu.memory_space<semaphore_mem>>) src(%dma_wait3A_248 : memref<64x128xf32, #tpu.memory_space<vmem>>) dst(%dma_wait3A_254 : memref<201000x128xf32, #tpu.memory_space<hbm>>)
        tpu.yield
      }) : () -> ()
      %add3A_104 = arith.constant 7 : i32
      %add3A_105 = arith.addi %add3A_93, %add3A_104 : i32
      %lt3A = arith.constant 98 : i32
      %lt3A_106 = arith.cmpi slt, %add3A_105, %lt3A : i32
      %convert_element_type3A = arith.extui %lt3A_106 : i1 to i32
      %cond3A = arith.constant 0 : i32
      %cond3A_107 = arith.cmpi ne, %convert_element_type3A, %cond3A : i32
      scf.if %cond3A_107 {
        %add3A_234 = arith.constant 7 : i32
        %add3A_235 = arith.addi %add3A_93, %add3A_234 : i32
        %dma_start3A_236 = arith.constant 0 : i32
        %dma_start3A_237 = arith.constant 0 : i32
        %dma_start3A_238 = arith.constant 0 : i32
        %dma_start3A_239 = tpu.memref_slice %arg8[%dma_start3A_236, %dma_start3A_237, %dma_start3A_238] : memref<7x64x128xf32, #tpu.memory_space<vmem>> -> memref<1x64x128xf32, #tpu.memory_space<vmem>>
        %dma_start3A_240 = tpu.memref_squeeze %dma_start3A_239 : memref<1x64x128xf32, #tpu.memory_space<vmem>> -> memref<64x128xf32, #tpu.memory_space<vmem>>
        %dma_start3A_241 = arith.constant 0 : i32
        %dma_start3A_242 = tpu.memref_slice %arg6[%add3A_235, %dma_start3A_241] : memref<98x64xi32, #tpu.memory_space<vmem>> -> memref<1x64xi32, #tpu.memory_space<vmem>>
        %dma_start3A_243 = tpu.memref_squeeze %dma_start3A_242 : memref<1x64xi32, #tpu.memory_space<vmem>> -> memref<64xi32, #tpu.memory_space<vmem>>
        %dma_start3A_244 = arith.constant 0 : i32
        %dma_start3A_245 = arith.constant 0 : i32
        %dma_start3A_246 = tpu.memref_slice %arg2[%dma_start3A_244, %dma_start3A_245] : memref<30000x128xf32, #tpu.memory_space<hbm>> -> memref<30000x128xf32, #tpu.memory_space<hbm>>
        tpu.enqueue_indirect_dma source(%dma_start3A_246 : memref<30000x128xf32, #tpu.memory_space<hbm>>) target(%dma_start3A_240 : memref<64x128xf32, #tpu.memory_space<vmem>>) offsets(%dma_start3A_243 : memref<64xi32, #tpu.memory_space<vmem>>) semaphore(%arg9 : memref<!tpu.dma_semaphore, #tpu.memory_space<semaphore_mem>>)
      } else {
      }
      %add3A_108 = arith.constant 1 : i32
      %add3A_109 = arith.addi %mul3A_91, %add3A_108 : i32
      %dma_wait3A_110 = arith.constant 1 : i32
      %dma_wait3A_111 = arith.constant 0 : i32
      %dma_wait3A_112 = arith.constant 0 : i32
      %dma_wait3A_113 = tpu.memref_slice %arg8[%dma_wait3A_110, %dma_wait3A_111, %dma_wait3A_112] : memref<7x64x128xf32, #tpu.memory_space<vmem>> -> memref<1x64x128xf32, #tpu.memory_space<vmem>>
      %dma_wait3A_114 = tpu.memref_squeeze %dma_wait3A_113 : memref<1x64x128xf32, #tpu.memory_space<vmem>> -> memref<64x128xf32, #tpu.memory_space<vmem>>
      %dma_wait3A_115 = arith.constant 0 : i32
      %dma_wait3A_116 = tpu.memref_slice %arg6[%add3A_109, %dma_wait3A_115] : memref<98x64xi32, #tpu.memory_space<vmem>> -> memref<1x64xi32, #tpu.memory_space<vmem>>
      %dma_wait3A_117 = tpu.memref_squeeze %dma_wait3A_116 : memref<1x64xi32, #tpu.memory_space<vmem>> -> memref<64xi32, #tpu.memory_space<vmem>>
      %dma_wait3A_118 = arith.constant 0 : i32
      %dma_wait3A_119 = arith.constant 0 : i32
      %dma_wait3A_120 = tpu.memref_slice %arg2[%dma_wait3A_118, %dma_wait3A_119] : memref<30000x128xf32, #tpu.memory_space<hbm>> -> memref<30000x128xf32, #tpu.memory_space<hbm>>
      tpu.wait_indirect_dma semaphore(%arg9 : memref<!tpu.dma_semaphore, #tpu.memory_space<semaphore_mem>>) src(%dma_wait3A_120 : memref<30000x128xf32, #tpu.memory_space<hbm>>) dst(%dma_wait3A_114 : memref<64x128xf32, #tpu.memory_space<vmem>>)
      %run_scoped3A_121 = arith.constant 1 : i32
      "tpu.region"() ({
        %run_scoped3A_234 = tpu.sem_alloc : memref<!tpu.dma_semaphore, #tpu.memory_space<semaphore_mem>>
        %dma_start3A_235 = arith.constant 0 : i32
        %dma_start3A_236 = arith.constant 0 : i32
        %dma_start3A_237 = tpu.memref_slice %arg8[%run_scoped3A_121, %dma_start3A_235, %dma_start3A_236] : memref<7x64x128xf32, #tpu.memory_space<vmem>> -> memref<1x64x128xf32, #tpu.memory_space<vmem>>
        %dma_start3A_238 = tpu.memref_squeeze %dma_start3A_237 : memref<1x64x128xf32, #tpu.memory_space<vmem>> -> memref<64x128xf32, #tpu.memory_space<vmem>>
        %dma_start3A_239 = arith.constant 0 : i32
        %dma_start3A_240 = tpu.memref_slice %arg7[%add3A_109, %dma_start3A_239] : memref<98x64xi32, #tpu.memory_space<vmem>> -> memref<1x64xi32, #tpu.memory_space<vmem>>
        %dma_start3A_241 = tpu.memref_squeeze %dma_start3A_240 : memref<1x64xi32, #tpu.memory_space<vmem>> -> memref<64xi32, #tpu.memory_space<vmem>>
        %dma_start3A_242 = arith.constant 0 : i32
        %dma_start3A_243 = arith.constant 0 : i32
        %dma_start3A_244 = tpu.memref_slice %arg5[%dma_start3A_242, %dma_start3A_243] : memref<201000x128xf32, #tpu.memory_space<hbm>> -> memref<201000x128xf32, #tpu.memory_space<hbm>>
        tpu.enqueue_indirect_dma source(%dma_start3A_238 : memref<64x128xf32, #tpu.memory_space<vmem>>) target(%dma_start3A_244 : memref<201000x128xf32, #tpu.memory_space<hbm>>) offsets(%dma_start3A_241 : memref<64xi32, #tpu.memory_space<vmem>>) semaphore(%run_scoped3A_234 : memref<!tpu.dma_semaphore, #tpu.memory_space<semaphore_mem>>)
        %dma_wait3A_245 = arith.constant 0 : i32
        %dma_wait3A_246 = arith.constant 0 : i32
        %dma_wait3A_247 = tpu.memref_slice %arg8[%run_scoped3A_121, %dma_wait3A_245, %dma_wait3A_246] : memref<7x64x128xf32, #tpu.memory_space<vmem>> -> memref<1x64x128xf32, #tpu.memory_space<vmem>>
        %dma_wait3A_248 = tpu.memref_squeeze %dma_wait3A_247 : memref<1x64x128xf32, #tpu.memory_space<vmem>> -> memref<64x128xf32, #tpu.memory_space<vmem>>
        %dma_wait3A_249 = arith.constant 0 : i32
        %dma_wait3A_250 = tpu.memref_slice %arg7[%add3A_109, %dma_wait3A_249] : memref<98x64xi32, #tpu.memory_space<vmem>> -> memref<1x64xi32, #tpu.memory_space<vmem>>
        %dma_wait3A_251 = tpu.memref_squeeze %dma_wait3A_250 : memref<1x64xi32, #tpu.memory_space<vmem>> -> memref<64xi32, #tpu.memory_space<vmem>>
        %dma_wait3A_252 = arith.constant 0 : i32
        %dma_wait3A_253 = arith.constant 0 : i32
        %dma_wait3A_254 = tpu.memref_slice %arg5[%dma_wait3A_252, %dma_wait3A_253] : memref<201000x128xf32, #tpu.memory_space<hbm>> -> memref<201000x128xf32, #tpu.memory_space<hbm>>
        tpu.wait_indirect_dma semaphore(%run_scoped3A_234 : memref<!tpu.dma_semaphore, #tpu.memory_space<semaphore_mem>>) src(%dma_wait3A_248 : memref<64x128xf32, #tpu.memory_space<vmem>>) dst(%dma_wait3A_254 : memref<201000x128xf32, #tpu.memory_space<hbm>>)
        tpu.yield
      }) : () -> ()
      %add3A_122 = arith.constant 7 : i32
      %add3A_123 = arith.addi %add3A_109, %add3A_122 : i32
      %lt3A_124 = arith.constant 98 : i32
      %lt3A_125 = arith.cmpi slt, %add3A_123, %lt3A_124 : i32
      %convert_element_type3A_126 = arith.extui %lt3A_125 : i1 to i32
      %cond3A_127 = arith.constant 0 : i32
      %cond3A_128 = arith.cmpi ne, %convert_element_type3A_126, %cond3A_127 : i32
      scf.if %cond3A_128 {
        %add3A_234 = arith.constant 7 : i32
        %add3A_235 = arith.addi %add3A_109, %add3A_234 : i32
        %dma_start3A_236 = arith.constant 1 : i32
        %dma_start3A_237 = arith.constant 0 : i32
        %dma_start3A_238 = arith.constant 0 : i32
        %dma_start3A_239 = tpu.memref_slice %arg8[%dma_start3A_236, %dma_start3A_237, %dma_start3A_238] : memref<7x64x128xf32, #tpu.memory_space<vmem>> -> memref<1x64x128xf32, #tpu.memory_space<vmem>>
        %dma_start3A_240 = tpu.memref_squeeze %dma_start3A_239 : memref<1x64x128xf32, #tpu.memory_space<vmem>> -> memref<64x128xf32, #tpu.memory_space<vmem>>
        %dma_start3A_241 = arith.constant 0 : i32
        %dma_start3A_242 = tpu.memref_slice %arg6[%add3A_235, %dma_start3A_241] : memref<98x64xi32, #tpu.memory_space<vmem>> -> memref<1x64xi32, #tpu.memory_space<vmem>>
        %dma_start3A_243 = tpu.memref_squeeze %dma_start3A_242 : memref<1x64xi32, #tpu.memory_space<vmem>> -> memref<64xi32, #tpu.memory_space<vmem>>
        %dma_start3A_244 = arith.constant 0 : i32
        %dma_start3A_245 = arith.constant 0 : i32
        %dma_start3A_246 = tpu.memref_slice %arg2[%dma_start3A_244, %dma_start3A_245] : memref<30000x128xf32, #tpu.memory_space<hbm>> -> memref<30000x128xf32, #tpu.memory_space<hbm>>
        tpu.enqueue_indirect_dma source(%dma_start3A_246 : memref<30000x128xf32, #tpu.memory_space<hbm>>) target(%dma_start3A_240 : memref<64x128xf32, #tpu.memory_space<vmem>>) offsets(%dma_start3A_243 : memref<64xi32, #tpu.memory_space<vmem>>) semaphore(%arg9 : memref<!tpu.dma_semaphore, #tpu.memory_space<semaphore_mem>>)
      } else {
      }
      %add3A_129 = arith.constant 2 : i32
      %add3A_130 = arith.addi %mul3A_91, %add3A_129 : i32
      %dma_wait3A_131 = arith.constant 2 : i32
      %dma_wait3A_132 = arith.constant 0 : i32
      %dma_wait3A_133 = arith.constant 0 : i32
      %dma_wait3A_134 = tpu.memref_slice %arg8[%dma_wait3A_131, %dma_wait3A_132, %dma_wait3A_133] : memref<7x64x128xf32, #tpu.memory_space<vmem>> -> memref<1x64x128xf32, #tpu.memory_space<vmem>>
      %dma_wait3A_135 = tpu.memref_squeeze %dma_wait3A_134 : memref<1x64x128xf32, #tpu.memory_space<vmem>> -> memref<64x128xf32, #tpu.memory_space<vmem>>
      %dma_wait3A_136 = arith.constant 0 : i32
      %dma_wait3A_137 = tpu.memref_slice %arg6[%add3A_130, %dma_wait3A_136] : memref<98x64xi32, #tpu.memory_space<vmem>> -> memref<1x64xi32, #tpu.memory_space<vmem>>
      %dma_wait3A_138 = tpu.memref_squeeze %dma_wait3A_137 : memref<1x64xi32, #tpu.memory_space<vmem>> -> memref<64xi32, #tpu.memory_space<vmem>>
      %dma_wait3A_139 = arith.constant 0 : i32
      %dma_wait3A_140 = arith.constant 0 : i32
      %dma_wait3A_141 = tpu.memref_slice %arg2[%dma_wait3A_139, %dma_wait3A_140] : memref<30000x128xf32, #tpu.memory_space<hbm>> -> memref<30000x128xf32, #tpu.memory_space<hbm>>
      tpu.wait_indirect_dma semaphore(%arg9 : memref<!tpu.dma_semaphore, #tpu.memory_space<semaphore_mem>>) src(%dma_wait3A_141 : memref<30000x128xf32, #tpu.memory_space<hbm>>) dst(%dma_wait3A_135 : memref<64x128xf32, #tpu.memory_space<vmem>>)
      %run_scoped3A_142 = arith.constant 2 : i32
      "tpu.region"() ({
        %run_scoped3A_234 = tpu.sem_alloc : memref<!tpu.dma_semaphore, #tpu.memory_space<semaphore_mem>>
        %dma_start3A_235 = arith.constant 0 : i32
        %dma_start3A_236 = arith.constant 0 : i32
        %dma_start3A_237 = tpu.memref_slice %arg8[%run_scoped3A_142, %dma_start3A_235, %dma_start3A_236] : memref<7x64x128xf32, #tpu.memory_space<vmem>> -> memref<1x64x128xf32, #tpu.memory_space<vmem>>
        %dma_start3A_238 = tpu.memref_squeeze %dma_start3A_237 : memref<1x64x128xf32, #tpu.memory_space<vmem>> -> memref<64x128xf32, #tpu.memory_space<vmem>>
        %dma_start3A_239 = arith.constant 0 : i32
        %dma_start3A_240 = tpu.memref_slice %arg7[%add3A_130, %dma_start3A_239] : memref<98x64xi32, #tpu.memory_space<vmem>> -> memref<1x64xi32, #tpu.memory_space<vmem>>
        %dma_start3A_241 = tpu.memref_squeeze %dma_start3A_240 : memref<1x64xi32, #tpu.memory_space<vmem>> -> memref<64xi32, #tpu.memory_space<vmem>>
        %dma_start3A_242 = arith.constant 0 : i32
        %dma_start3A_243 = arith.constant 0 : i32
        %dma_start3A_244 = tpu.memref_slice %arg5[%dma_start3A_242, %dma_start3A_243] : memref<201000x128xf32, #tpu.memory_space<hbm>> -> memref<201000x128xf32, #tpu.memory_space<hbm>>
        tpu.enqueue_indirect_dma source(%dma_start3A_238 : memref<64x128xf32, #tpu.memory_space<vmem>>) target(%dma_start3A_244 : memref<201000x128xf32, #tpu.memory_space<hbm>>) offsets(%dma_start3A_241 : memref<64xi32, #tpu.memory_space<vmem>>) semaphore(%run_scoped3A_234 : memref<!tpu.dma_semaphore, #tpu.memory_space<semaphore_mem>>)
        %dma_wait3A_245 = arith.constant 0 : i32
        %dma_wait3A_246 = arith.constant 0 : i32
        %dma_wait3A_247 = tpu.memref_slice %arg8[%run_scoped3A_142, %dma_wait3A_245, %dma_wait3A_246] : memref<7x64x128xf32, #tpu.memory_space<vmem>> -> memref<1x64x128xf32, #tpu.memory_space<vmem>>
        %dma_wait3A_248 = tpu.memref_squeeze %dma_wait3A_247 : memref<1x64x128xf32, #tpu.memory_space<vmem>> -> memref<64x128xf32, #tpu.memory_space<vmem>>
        %dma_wait3A_249 = arith.constant 0 : i32
        %dma_wait3A_250 = tpu.memref_slice %arg7[%add3A_130, %dma_wait3A_249] : memref<98x64xi32, #tpu.memory_space<vmem>> -> memref<1x64xi32, #tpu.memory_space<vmem>>
        %dma_wait3A_251 = tpu.memref_squeeze %dma_wait3A_250 : memref<1x64xi32, #tpu.memory_space<vmem>> -> memref<64xi32, #tpu.memory_space<vmem>>
        %dma_wait3A_252 = arith.constant 0 : i32
        %dma_wait3A_253 = arith.constant 0 : i32
        %dma_wait3A_254 = tpu.memref_slice %arg5[%dma_wait3A_252, %dma_wait3A_253] : memref<201000x128xf32, #tpu.memory_space<hbm>> -> memref<201000x128xf32, #tpu.memory_space<hbm>>
        tpu.wait_indirect_dma semaphore(%run_scoped3A_234 : memref<!tpu.dma_semaphore, #tpu.memory_space<semaphore_mem>>) src(%dma_wait3A_248 : memref<64x128xf32, #tpu.memory_space<vmem>>) dst(%dma_wait3A_254 : memref<201000x128xf32, #tpu.memory_space<hbm>>)
        tpu.yield
      }) : () -> ()
      %add3A_143 = arith.constant 7 : i32
      %add3A_144 = arith.addi %add3A_130, %add3A_143 : i32
      %lt3A_145 = arith.constant 98 : i32
      %lt3A_146 = arith.cmpi slt, %add3A_144, %lt3A_145 : i32
      %convert_element_type3A_147 = arith.extui %lt3A_146 : i1 to i32
      %cond3A_148 = arith.constant 0 : i32
      %cond3A_149 = arith.cmpi ne, %convert_element_type3A_147, %cond3A_148 : i32
      scf.if %cond3A_149 {
        %add3A_234 = arith.constant 7 : i32
        %add3A_235 = arith.addi %add3A_130, %add3A_234 : i32
        %dma_start3A_236 = arith.constant 2 : i32
        %dma_start3A_237 = arith.constant 0 : i32
        %dma_start3A_238 = arith.constant 0 : i32
        %dma_start3A_239 = tpu.memref_slice %arg8[%dma_start3A_236, %dma_start3A_237, %dma_start3A_238] : memref<7x64x128xf32, #tpu.memory_space<vmem>> -> memref<1x64x128xf32, #tpu.memory_space<vmem>>
        %dma_start3A_240 = tpu.memref_squeeze %dma_start3A_239 : memref<1x64x128xf32, #tpu.memory_space<vmem>> -> memref<64x128xf32, #tpu.memory_space<vmem>>
        %dma_start3A_241 = arith.constant 0 : i32
        %dma_start3A_242 = tpu.memref_slice %arg6[%add3A_235, %dma_start3A_241] : memref<98x64xi32, #tpu.memory_space<vmem>> -> memref<1x64xi32, #tpu.memory_space<vmem>>
        %dma_start3A_243 = tpu.memref_squeeze %dma_start3A_242 : memref<1x64xi32, #tpu.memory_space<vmem>> -> memref<64xi32, #tpu.memory_space<vmem>>
        %dma_start3A_244 = arith.constant 0 : i32
        %dma_start3A_245 = arith.constant 0 : i32
        %dma_start3A_246 = tpu.memref_slice %arg2[%dma_start3A_244, %dma_start3A_245] : memref<30000x128xf32, #tpu.memory_space<hbm>> -> memref<30000x128xf32, #tpu.memory_space<hbm>>
        tpu.enqueue_indirect_dma source(%dma_start3A_246 : memref<30000x128xf32, #tpu.memory_space<hbm>>) target(%dma_start3A_240 : memref<64x128xf32, #tpu.memory_space<vmem>>) offsets(%dma_start3A_243 : memref<64xi32, #tpu.memory_space<vmem>>) semaphore(%arg9 : memref<!tpu.dma_semaphore, #tpu.memory_space<semaphore_mem>>)
      } else {
      }
      %add3A_150 = arith.constant 3 : i32
      %add3A_151 = arith.addi %mul3A_91, %add3A_150 : i32
      %dma_wait3A_152 = arith.constant 3 : i32
      %dma_wait3A_153 = arith.constant 0 : i32
      %dma_wait3A_154 = arith.constant 0 : i32
      %dma_wait3A_155 = tpu.memref_slice %arg8[%dma_wait3A_152, %dma_wait3A_153, %dma_wait3A_154] : memref<7x64x128xf32, #tpu.memory_space<vmem>> -> memref<1x64x128xf32, #tpu.memory_space<vmem>>
      %dma_wait3A_156 = tpu.memref_squeeze %dma_wait3A_155 : memref<1x64x128xf32, #tpu.memory_space<vmem>> -> memref<64x128xf32, #tpu.memory_space<vmem>>
      %dma_wait3A_157 = arith.constant 0 : i32
      %dma_wait3A_158 = tpu.memref_slice %arg6[%add3A_151, %dma_wait3A_157] : memref<98x64xi32, #tpu.memory_space<vmem>> -> memref<1x64xi32, #tpu.memory_space<vmem>>
      %dma_wait3A_159 = tpu.memref_squeeze %dma_wait3A_158 : memref<1x64xi32, #tpu.memory_space<vmem>> -> memref<64xi32, #tpu.memory_space<vmem>>
      %dma_wait3A_160 = arith.constant 0 : i32
      %dma_wait3A_161 = arith.constant 0 : i32
      %dma_wait3A_162 = tpu.memref_slice %arg2[%dma_wait3A_160, %dma_wait3A_161] : memref<30000x128xf32, #tpu.memory_space<hbm>> -> memref<30000x128xf32, #tpu.memory_space<hbm>>
      tpu.wait_indirect_dma semaphore(%arg9 : memref<!tpu.dma_semaphore, #tpu.memory_space<semaphore_mem>>) src(%dma_wait3A_162 : memref<30000x128xf32, #tpu.memory_space<hbm>>) dst(%dma_wait3A_156 : memref<64x128xf32, #tpu.memory_space<vmem>>)
      %run_scoped3A_163 = arith.constant 3 : i32
      "tpu.region"() ({
        %run_scoped3A_234 = tpu.sem_alloc : memref<!tpu.dma_semaphore, #tpu.memory_space<semaphore_mem>>
        %dma_start3A_235 = arith.constant 0 : i32
        %dma_start3A_236 = arith.constant 0 : i32
        %dma_start3A_237 = tpu.memref_slice %arg8[%run_scoped3A_163, %dma_start3A_235, %dma_start3A_236] : memref<7x64x128xf32, #tpu.memory_space<vmem>> -> memref<1x64x128xf32, #tpu.memory_space<vmem>>
        %dma_start3A_238 = tpu.memref_squeeze %dma_start3A_237 : memref<1x64x128xf32, #tpu.memory_space<vmem>> -> memref<64x128xf32, #tpu.memory_space<vmem>>
        %dma_start3A_239 = arith.constant 0 : i32
        %dma_start3A_240 = tpu.memref_slice %arg7[%add3A_151, %dma_start3A_239] : memref<98x64xi32, #tpu.memory_space<vmem>> -> memref<1x64xi32, #tpu.memory_space<vmem>>
        %dma_start3A_241 = tpu.memref_squeeze %dma_start3A_240 : memref<1x64xi32, #tpu.memory_space<vmem>> -> memref<64xi32, #tpu.memory_space<vmem>>
        %dma_start3A_242 = arith.constant 0 : i32
        %dma_start3A_243 = arith.constant 0 : i32
        %dma_start3A_244 = tpu.memref_slice %arg5[%dma_start3A_242, %dma_start3A_243] : memref<201000x128xf32, #tpu.memory_space<hbm>> -> memref<201000x128xf32, #tpu.memory_space<hbm>>
        tpu.enqueue_indirect_dma source(%dma_start3A_238 : memref<64x128xf32, #tpu.memory_space<vmem>>) target(%dma_start3A_244 : memref<201000x128xf32, #tpu.memory_space<hbm>>) offsets(%dma_start3A_241 : memref<64xi32, #tpu.memory_space<vmem>>) semaphore(%run_scoped3A_234 : memref<!tpu.dma_semaphore, #tpu.memory_space<semaphore_mem>>)
        %dma_wait3A_245 = arith.constant 0 : i32
        %dma_wait3A_246 = arith.constant 0 : i32
        %dma_wait3A_247 = tpu.memref_slice %arg8[%run_scoped3A_163, %dma_wait3A_245, %dma_wait3A_246] : memref<7x64x128xf32, #tpu.memory_space<vmem>> -> memref<1x64x128xf32, #tpu.memory_space<vmem>>
        %dma_wait3A_248 = tpu.memref_squeeze %dma_wait3A_247 : memref<1x64x128xf32, #tpu.memory_space<vmem>> -> memref<64x128xf32, #tpu.memory_space<vmem>>
        %dma_wait3A_249 = arith.constant 0 : i32
        %dma_wait3A_250 = tpu.memref_slice %arg7[%add3A_151, %dma_wait3A_249] : memref<98x64xi32, #tpu.memory_space<vmem>> -> memref<1x64xi32, #tpu.memory_space<vmem>>
        %dma_wait3A_251 = tpu.memref_squeeze %dma_wait3A_250 : memref<1x64xi32, #tpu.memory_space<vmem>> -> memref<64xi32, #tpu.memory_space<vmem>>
        %dma_wait3A_252 = arith.constant 0 : i32
        %dma_wait3A_253 = arith.constant 0 : i32
        %dma_wait3A_254 = tpu.memref_slice %arg5[%dma_wait3A_252, %dma_wait3A_253] : memref<201000x128xf32, #tpu.memory_space<hbm>> -> memref<201000x128xf32, #tpu.memory_space<hbm>>
        tpu.wait_indirect_dma semaphore(%run_scoped3A_234 : memref<!tpu.dma_semaphore, #tpu.memory_space<semaphore_mem>>) src(%dma_wait3A_248 : memref<64x128xf32, #tpu.memory_space<vmem>>) dst(%dma_wait3A_254 : memref<201000x128xf32, #tpu.memory_space<hbm>>)
        tpu.yield
      }) : () -> ()
      %add3A_164 = arith.constant 7 : i32
      %add3A_165 = arith.addi %add3A_151, %add3A_164 : i32
      %lt3A_166 = arith.constant 98 : i32
      %lt3A_167 = arith.cmpi slt, %add3A_165, %lt3A_166 : i32
      %convert_element_type3A_168 = arith.extui %lt3A_167 : i1 to i32
      %cond3A_169 = arith.constant 0 : i32
      %cond3A_170 = arith.cmpi ne, %convert_element_type3A_168, %cond3A_169 : i32
      scf.if %cond3A_170 {
        %add3A_234 = arith.constant 7 : i32
        %add3A_235 = arith.addi %add3A_151, %add3A_234 : i32
        %dma_start3A_236 = arith.constant 3 : i32
        %dma_start3A_237 = arith.constant 0 : i32
        %dma_start3A_238 = arith.constant 0 : i32
        %dma_start3A_239 = tpu.memref_slice %arg8[%dma_start3A_236, %dma_start3A_237, %dma_start3A_238] : memref<7x64x128xf32, #tpu.memory_space<vmem>> -> memref<1x64x128xf32, #tpu.memory_space<vmem>>
        %dma_start3A_240 = tpu.memref_squeeze %dma_start3A_239 : memref<1x64x128xf32, #tpu.memory_space<vmem>> -> memref<64x128xf32, #tpu.memory_space<vmem>>
        %dma_start3A_241 = arith.constant 0 : i32
        %dma_start3A_242 = tpu.memref_slice %arg6[%add3A_235, %dma_start3A_241] : memref<98x64xi32, #tpu.memory_space<vmem>> -> memref<1x64xi32, #tpu.memory_space<vmem>>
        %dma_start3A_243 = tpu.memref_squeeze %dma_start3A_242 : memref<1x64xi32, #tpu.memory_space<vmem>> -> memref<64xi32, #tpu.memory_space<vmem>>
        %dma_start3A_244 = arith.constant 0 : i32
        %dma_start3A_245 = arith.constant 0 : i32
        %dma_start3A_246 = tpu.memref_slice %arg2[%dma_start3A_244, %dma_start3A_245] : memref<30000x128xf32, #tpu.memory_space<hbm>> -> memref<30000x128xf32, #tpu.memory_space<hbm>>
        tpu.enqueue_indirect_dma source(%dma_start3A_246 : memref<30000x128xf32, #tpu.memory_space<hbm>>) target(%dma_start3A_240 : memref<64x128xf32, #tpu.memory_space<vmem>>) offsets(%dma_start3A_243 : memref<64xi32, #tpu.memory_space<vmem>>) semaphore(%arg9 : memref<!tpu.dma_semaphore, #tpu.memory_space<semaphore_mem>>)
      } else {
      }
      %add3A_171 = arith.constant 4 : i32
      %add3A_172 = arith.addi %mul3A_91, %add3A_171 : i32
      %dma_wait3A_173 = arith.constant 4 : i32
      %dma_wait3A_174 = arith.constant 0 : i32
      %dma_wait3A_175 = arith.constant 0 : i32
      %dma_wait3A_176 = tpu.memref_slice %arg8[%dma_wait3A_173, %dma_wait3A_174, %dma_wait3A_175] : memref<7x64x128xf32, #tpu.memory_space<vmem>> -> memref<1x64x128xf32, #tpu.memory_space<vmem>>
      %dma_wait3A_177 = tpu.memref_squeeze %dma_wait3A_176 : memref<1x64x128xf32, #tpu.memory_space<vmem>> -> memref<64x128xf32, #tpu.memory_space<vmem>>
      %dma_wait3A_178 = arith.constant 0 : i32
      %dma_wait3A_179 = tpu.memref_slice %arg6[%add3A_172, %dma_wait3A_178] : memref<98x64xi32, #tpu.memory_space<vmem>> -> memref<1x64xi32, #tpu.memory_space<vmem>>
      %dma_wait3A_180 = tpu.memref_squeeze %dma_wait3A_179 : memref<1x64xi32, #tpu.memory_space<vmem>> -> memref<64xi32, #tpu.memory_space<vmem>>
      %dma_wait3A_181 = arith.constant 0 : i32
      %dma_wait3A_182 = arith.constant 0 : i32
      %dma_wait3A_183 = tpu.memref_slice %arg2[%dma_wait3A_181, %dma_wait3A_182] : memref<30000x128xf32, #tpu.memory_space<hbm>> -> memref<30000x128xf32, #tpu.memory_space<hbm>>
      tpu.wait_indirect_dma semaphore(%arg9 : memref<!tpu.dma_semaphore, #tpu.memory_space<semaphore_mem>>) src(%dma_wait3A_183 : memref<30000x128xf32, #tpu.memory_space<hbm>>) dst(%dma_wait3A_177 : memref<64x128xf32, #tpu.memory_space<vmem>>)
      %run_scoped3A_184 = arith.constant 4 : i32
      "tpu.region"() ({
        %run_scoped3A_234 = tpu.sem_alloc : memref<!tpu.dma_semaphore, #tpu.memory_space<semaphore_mem>>
        %dma_start3A_235 = arith.constant 0 : i32
        %dma_start3A_236 = arith.constant 0 : i32
        %dma_start3A_237 = tpu.memref_slice %arg8[%run_scoped3A_184, %dma_start3A_235, %dma_start3A_236] : memref<7x64x128xf32, #tpu.memory_space<vmem>> -> memref<1x64x128xf32, #tpu.memory_space<vmem>>
        %dma_start3A_238 = tpu.memref_squeeze %dma_start3A_237 : memref<1x64x128xf32, #tpu.memory_space<vmem>> -> memref<64x128xf32, #tpu.memory_space<vmem>>
        %dma_start3A_239 = arith.constant 0 : i32
        %dma_start3A_240 = tpu.memref_slice %arg7[%add3A_172, %dma_start3A_239] : memref<98x64xi32, #tpu.memory_space<vmem>> -> memref<1x64xi32, #tpu.memory_space<vmem>>
        %dma_start3A_241 = tpu.memref_squeeze %dma_start3A_240 : memref<1x64xi32, #tpu.memory_space<vmem>> -> memref<64xi32, #tpu.memory_space<vmem>>
        %dma_start3A_242 = arith.constant 0 : i32
        %dma_start3A_243 = arith.constant 0 : i32
        %dma_start3A_244 = tpu.memref_slice %arg5[%dma_start3A_242, %dma_start3A_243] : memref<201000x128xf32, #tpu.memory_space<hbm>> -> memref<201000x128xf32, #tpu.memory_space<hbm>>
        tpu.enqueue_indirect_dma source(%dma_start3A_238 : memref<64x128xf32, #tpu.memory_space<vmem>>) target(%dma_start3A_244 : memref<201000x128xf32, #tpu.memory_space<hbm>>) offsets(%dma_start3A_241 : memref<64xi32, #tpu.memory_space<vmem>>) semaphore(%run_scoped3A_234 : memref<!tpu.dma_semaphore, #tpu.memory_space<semaphore_mem>>)
        %dma_wait3A_245 = arith.constant 0 : i32
        %dma_wait3A_246 = arith.constant 0 : i32
        %dma_wait3A_247 = tpu.memref_slice %arg8[%run_scoped3A_184, %dma_wait3A_245, %dma_wait3A_246] : memref<7x64x128xf32, #tpu.memory_space<vmem>> -> memref<1x64x128xf32, #tpu.memory_space<vmem>>
        %dma_wait3A_248 = tpu.memref_squeeze %dma_wait3A_247 : memref<1x64x128xf32, #tpu.memory_space<vmem>> -> memref<64x128xf32, #tpu.memory_space<vmem>>
        %dma_wait3A_249 = arith.constant 0 : i32
        %dma_wait3A_250 = tpu.memref_slice %arg7[%add3A_172, %dma_wait3A_249] : memref<98x64xi32, #tpu.memory_space<vmem>> -> memref<1x64xi32, #tpu.memory_space<vmem>>
        %dma_wait3A_251 = tpu.memref_squeeze %dma_wait3A_250 : memref<1x64xi32, #tpu.memory_space<vmem>> -> memref<64xi32, #tpu.memory_space<vmem>>
        %dma_wait3A_252 = arith.constant 0 : i32
        %dma_wait3A_253 = arith.constant 0 : i32
        %dma_wait3A_254 = tpu.memref_slice %arg5[%dma_wait3A_252, %dma_wait3A_253] : memref<201000x128xf32, #tpu.memory_space<hbm>> -> memref<201000x128xf32, #tpu.memory_space<hbm>>
        tpu.wait_indirect_dma semaphore(%run_scoped3A_234 : memref<!tpu.dma_semaphore, #tpu.memory_space<semaphore_mem>>) src(%dma_wait3A_248 : memref<64x128xf32, #tpu.memory_space<vmem>>) dst(%dma_wait3A_254 : memref<201000x128xf32, #tpu.memory_space<hbm>>)
        tpu.yield
      }) : () -> ()
      %add3A_185 = arith.constant 7 : i32
      %add3A_186 = arith.addi %add3A_172, %add3A_185 : i32
      %lt3A_187 = arith.constant 98 : i32
      %lt3A_188 = arith.cmpi slt, %add3A_186, %lt3A_187 : i32
      %convert_element_type3A_189 = arith.extui %lt3A_188 : i1 to i32
      %cond3A_190 = arith.constant 0 : i32
      %cond3A_191 = arith.cmpi ne, %convert_element_type3A_189, %cond3A_190 : i32
      scf.if %cond3A_191 {
        %add3A_234 = arith.constant 7 : i32
        %add3A_235 = arith.addi %add3A_172, %add3A_234 : i32
        %dma_start3A_236 = arith.constant 4 : i32
        %dma_start3A_237 = arith.constant 0 : i32
        %dma_start3A_238 = arith.constant 0 : i32
        %dma_start3A_239 = tpu.memref_slice %arg8[%dma_start3A_236, %dma_start3A_237, %dma_start3A_238] : memref<7x64x128xf32, #tpu.memory_space<vmem>> -> memref<1x64x128xf32, #tpu.memory_space<vmem>>
        %dma_start3A_240 = tpu.memref_squeeze %dma_start3A_239 : memref<1x64x128xf32, #tpu.memory_space<vmem>> -> memref<64x128xf32, #tpu.memory_space<vmem>>
        %dma_start3A_241 = arith.constant 0 : i32
        %dma_start3A_242 = tpu.memref_slice %arg6[%add3A_235, %dma_start3A_241] : memref<98x64xi32, #tpu.memory_space<vmem>> -> memref<1x64xi32, #tpu.memory_space<vmem>>
        %dma_start3A_243 = tpu.memref_squeeze %dma_start3A_242 : memref<1x64xi32, #tpu.memory_space<vmem>> -> memref<64xi32, #tpu.memory_space<vmem>>
        %dma_start3A_244 = arith.constant 0 : i32
        %dma_start3A_245 = arith.constant 0 : i32
        %dma_start3A_246 = tpu.memref_slice %arg2[%dma_start3A_244, %dma_start3A_245] : memref<30000x128xf32, #tpu.memory_space<hbm>> -> memref<30000x128xf32, #tpu.memory_space<hbm>>
        tpu.enqueue_indirect_dma source(%dma_start3A_246 : memref<30000x128xf32, #tpu.memory_space<hbm>>) target(%dma_start3A_240 : memref<64x128xf32, #tpu.memory_space<vmem>>) offsets(%dma_start3A_243 : memref<64xi32, #tpu.memory_space<vmem>>) semaphore(%arg9 : memref<!tpu.dma_semaphore, #tpu.memory_space<semaphore_mem>>)
      } else {
      }
      %add3A_192 = arith.constant 5 : i32
      %add3A_193 = arith.addi %mul3A_91, %add3A_192 : i32
      %dma_wait3A_194 = arith.constant 5 : i32
      %dma_wait3A_195 = arith.constant 0 : i32
      %dma_wait3A_196 = arith.constant 0 : i32
      %dma_wait3A_197 = tpu.memref_slice %arg8[%dma_wait3A_194, %dma_wait3A_195, %dma_wait3A_196] : memref<7x64x128xf32, #tpu.memory_space<vmem>> -> memref<1x64x128xf32, #tpu.memory_space<vmem>>
      %dma_wait3A_198 = tpu.memref_squeeze %dma_wait3A_197 : memref<1x64x128xf32, #tpu.memory_space<vmem>> -> memref<64x128xf32, #tpu.memory_space<vmem>>
      %dma_wait3A_199 = arith.constant 0 : i32
      %dma_wait3A_200 = tpu.memref_slice %arg6[%add3A_193, %dma_wait3A_199] : memref<98x64xi32, #tpu.memory_space<vmem>> -> memref<1x64xi32, #tpu.memory_space<vmem>>
      %dma_wait3A_201 = tpu.memref_squeeze %dma_wait3A_200 : memref<1x64xi32, #tpu.memory_space<vmem>> -> memref<64xi32, #tpu.memory_space<vmem>>
      %dma_wait3A_202 = arith.constant 0 : i32
      %dma_wait3A_203 = arith.constant 0 : i32
      %dma_wait3A_204 = tpu.memref_slice %arg2[%dma_wait3A_202, %dma_wait3A_203] : memref<30000x128xf32, #tpu.memory_space<hbm>> -> memref<30000x128xf32, #tpu.memory_space<hbm>>
      tpu.wait_indirect_dma semaphore(%arg9 : memref<!tpu.dma_semaphore, #tpu.memory_space<semaphore_mem>>) src(%dma_wait3A_204 : memref<30000x128xf32, #tpu.memory_space<hbm>>) dst(%dma_wait3A_198 : memref<64x128xf32, #tpu.memory_space<vmem>>)
      %run_scoped3A_205 = arith.constant 5 : i32
      "tpu.region"() ({
        %run_scoped3A_234 = tpu.sem_alloc : memref<!tpu.dma_semaphore, #tpu.memory_space<semaphore_mem>>
        %dma_start3A_235 = arith.constant 0 : i32
        %dma_start3A_236 = arith.constant 0 : i32
        %dma_start3A_237 = tpu.memref_slice %arg8[%run_scoped3A_205, %dma_start3A_235, %dma_start3A_236] : memref<7x64x128xf32, #tpu.memory_space<vmem>> -> memref<1x64x128xf32, #tpu.memory_space<vmem>>
        %dma_start3A_238 = tpu.memref_squeeze %dma_start3A_237 : memref<1x64x128xf32, #tpu.memory_space<vmem>> -> memref<64x128xf32, #tpu.memory_space<vmem>>
        %dma_start3A_239 = arith.constant 0 : i32
        %dma_start3A_240 = tpu.memref_slice %arg7[%add3A_193, %dma_start3A_239] : memref<98x64xi32, #tpu.memory_space<vmem>> -> memref<1x64xi32, #tpu.memory_space<vmem>>
        %dma_start3A_241 = tpu.memref_squeeze %dma_start3A_240 : memref<1x64xi32, #tpu.memory_space<vmem>> -> memref<64xi32, #tpu.memory_space<vmem>>
        %dma_start3A_242 = arith.constant 0 : i32
        %dma_start3A_243 = arith.constant 0 : i32
        %dma_start3A_244 = tpu.memref_slice %arg5[%dma_start3A_242, %dma_start3A_243] : memref<201000x128xf32, #tpu.memory_space<hbm>> -> memref<201000x128xf32, #tpu.memory_space<hbm>>
        tpu.enqueue_indirect_dma source(%dma_start3A_238 : memref<64x128xf32, #tpu.memory_space<vmem>>) target(%dma_start3A_244 : memref<201000x128xf32, #tpu.memory_space<hbm>>) offsets(%dma_start3A_241 : memref<64xi32, #tpu.memory_space<vmem>>) semaphore(%run_scoped3A_234 : memref<!tpu.dma_semaphore, #tpu.memory_space<semaphore_mem>>)
        %dma_wait3A_245 = arith.constant 0 : i32
        %dma_wait3A_246 = arith.constant 0 : i32
        %dma_wait3A_247 = tpu.memref_slice %arg8[%run_scoped3A_205, %dma_wait3A_245, %dma_wait3A_246] : memref<7x64x128xf32, #tpu.memory_space<vmem>> -> memref<1x64x128xf32, #tpu.memory_space<vmem>>
        %dma_wait3A_248 = tpu.memref_squeeze %dma_wait3A_247 : memref<1x64x128xf32, #tpu.memory_space<vmem>> -> memref<64x128xf32, #tpu.memory_space<vmem>>
        %dma_wait3A_249 = arith.constant 0 : i32
        %dma_wait3A_250 = tpu.memref_slice %arg7[%add3A_193, %dma_wait3A_249] : memref<98x64xi32, #tpu.memory_space<vmem>> -> memref<1x64xi32, #tpu.memory_space<vmem>>
        %dma_wait3A_251 = tpu.memref_squeeze %dma_wait3A_250 : memref<1x64xi32, #tpu.memory_space<vmem>> -> memref<64xi32, #tpu.memory_space<vmem>>
        %dma_wait3A_252 = arith.constant 0 : i32
        %dma_wait3A_253 = arith.constant 0 : i32
        %dma_wait3A_254 = tpu.memref_slice %arg5[%dma_wait3A_252, %dma_wait3A_253] : memref<201000x128xf32, #tpu.memory_space<hbm>> -> memref<201000x128xf32, #tpu.memory_space<hbm>>
        tpu.wait_indirect_dma semaphore(%run_scoped3A_234 : memref<!tpu.dma_semaphore, #tpu.memory_space<semaphore_mem>>) src(%dma_wait3A_248 : memref<64x128xf32, #tpu.memory_space<vmem>>) dst(%dma_wait3A_254 : memref<201000x128xf32, #tpu.memory_space<hbm>>)
        tpu.yield
      }) : () -> ()
      %add3A_206 = arith.constant 7 : i32
      %add3A_207 = arith.addi %add3A_193, %add3A_206 : i32
      %lt3A_208 = arith.constant 98 : i32
      %lt3A_209 = arith.cmpi slt, %add3A_207, %lt3A_208 : i32
      %convert_element_type3A_210 = arith.extui %lt3A_209 : i1 to i32
      %cond3A_211 = arith.constant 0 : i32
      %cond3A_212 = arith.cmpi ne, %convert_element_type3A_210, %cond3A_211 : i32
      scf.if %cond3A_212 {
        %add3A_234 = arith.constant 7 : i32
        %add3A_235 = arith.addi %add3A_193, %add3A_234 : i32
        %dma_start3A_236 = arith.constant 5 : i32
        %dma_start3A_237 = arith.constant 0 : i32
        %dma_start3A_238 = arith.constant 0 : i32
        %dma_start3A_239 = tpu.memref_slice %arg8[%dma_start3A_236, %dma_start3A_237, %dma_start3A_238] : memref<7x64x128xf32, #tpu.memory_space<vmem>> -> memref<1x64x128xf32, #tpu.memory_space<vmem>>
        %dma_start3A_240 = tpu.memref_squeeze %dma_start3A_239 : memref<1x64x128xf32, #tpu.memory_space<vmem>> -> memref<64x128xf32, #tpu.memory_space<vmem>>
        %dma_start3A_241 = arith.constant 0 : i32
        %dma_start3A_242 = tpu.memref_slice %arg6[%add3A_235, %dma_start3A_241] : memref<98x64xi32, #tpu.memory_space<vmem>> -> memref<1x64xi32, #tpu.memory_space<vmem>>
        %dma_start3A_243 = tpu.memref_squeeze %dma_start3A_242 : memref<1x64xi32, #tpu.memory_space<vmem>> -> memref<64xi32, #tpu.memory_space<vmem>>
        %dma_start3A_244 = arith.constant 0 : i32
        %dma_start3A_245 = arith.constant 0 : i32
        %dma_start3A_246 = tpu.memref_slice %arg2[%dma_start3A_244, %dma_start3A_245] : memref<30000x128xf32, #tpu.memory_space<hbm>> -> memref<30000x128xf32, #tpu.memory_space<hbm>>
        tpu.enqueue_indirect_dma source(%dma_start3A_246 : memref<30000x128xf32, #tpu.memory_space<hbm>>) target(%dma_start3A_240 : memref<64x128xf32, #tpu.memory_space<vmem>>) offsets(%dma_start3A_243 : memref<64xi32, #tpu.memory_space<vmem>>) semaphore(%arg9 : memref<!tpu.dma_semaphore, #tpu.memory_space<semaphore_mem>>)
      } else {
      }
      %add3A_213 = arith.constant 6 : i32
      %add3A_214 = arith.addi %mul3A_91, %add3A_213 : i32
      %dma_wait3A_215 = arith.constant 6 : i32
      %dma_wait3A_216 = arith.constant 0 : i32
      %dma_wait3A_217 = arith.constant 0 : i32
      %dma_wait3A_218 = tpu.memref_slice %arg8[%dma_wait3A_215, %dma_wait3A_216, %dma_wait3A_217] : memref<7x64x128xf32, #tpu.memory_space<vmem>> -> memref<1x64x128xf32, #tpu.memory_space<vmem>>
      %dma_wait3A_219 = tpu.memref_squeeze %dma_wait3A_218 : memref<1x64x128xf32, #tpu.memory_space<vmem>> -> memref<64x128xf32, #tpu.memory_space<vmem>>
      %dma_wait3A_220 = arith.constant 0 : i32
      %dma_wait3A_221 = tpu.memref_slice %arg6[%add3A_214, %dma_wait3A_220] : memref<98x64xi32, #tpu.memory_space<vmem>> -> memref<1x64xi32, #tpu.memory_space<vmem>>
      %dma_wait3A_222 = tpu.memref_squeeze %dma_wait3A_221 : memref<1x64xi32, #tpu.memory_space<vmem>> -> memref<64xi32, #tpu.memory_space<vmem>>
      %dma_wait3A_223 = arith.constant 0 : i32
      %dma_wait3A_224 = arith.constant 0 : i32
      %dma_wait3A_225 = tpu.memref_slice %arg2[%dma_wait3A_223, %dma_wait3A_224] : memref<30000x128xf32, #tpu.memory_space<hbm>> -> memref<30000x128xf32, #tpu.memory_space<hbm>>
      tpu.wait_indirect_dma semaphore(%arg9 : memref<!tpu.dma_semaphore, #tpu.memory_space<semaphore_mem>>) src(%dma_wait3A_225 : memref<30000x128xf32, #tpu.memory_space<hbm>>) dst(%dma_wait3A_219 : memref<64x128xf32, #tpu.memory_space<vmem>>)
      %run_scoped3A_226 = arith.constant 6 : i32
      "tpu.region"() ({
        %run_scoped3A_234 = tpu.sem_alloc : memref<!tpu.dma_semaphore, #tpu.memory_space<semaphore_mem>>
        %dma_start3A_235 = arith.constant 0 : i32
        %dma_start3A_236 = arith.constant 0 : i32
        %dma_start3A_237 = tpu.memref_slice %arg8[%run_scoped3A_226, %dma_start3A_235, %dma_start3A_236] : memref<7x64x128xf32, #tpu.memory_space<vmem>> -> memref<1x64x128xf32, #tpu.memory_space<vmem>>
        %dma_start3A_238 = tpu.memref_squeeze %dma_start3A_237 : memref<1x64x128xf32, #tpu.memory_space<vmem>> -> memref<64x128xf32, #tpu.memory_space<vmem>>
        %dma_start3A_239 = arith.constant 0 : i32
        %dma_start3A_240 = tpu.memref_slice %arg7[%add3A_214, %dma_start3A_239] : memref<98x64xi32, #tpu.memory_space<vmem>> -> memref<1x64xi32, #tpu.memory_space<vmem>>
        %dma_start3A_241 = tpu.memref_squeeze %dma_start3A_240 : memref<1x64xi32, #tpu.memory_space<vmem>> -> memref<64xi32, #tpu.memory_space<vmem>>
        %dma_start3A_242 = arith.constant 0 : i32
        %dma_start3A_243 = arith.constant 0 : i32
        %dma_start3A_244 = tpu.memref_slice %arg5[%dma_start3A_242, %dma_start3A_243] : memref<201000x128xf32, #tpu.memory_space<hbm>> -> memref<201000x128xf32, #tpu.memory_space<hbm>>
        tpu.enqueue_indirect_dma source(%dma_start3A_238 : memref<64x128xf32, #tpu.memory_space<vmem>>) target(%dma_start3A_244 : memref<201000x128xf32, #tpu.memory_space<hbm>>) offsets(%dma_start3A_241 : memref<64xi32, #tpu.memory_space<vmem>>) semaphore(%run_scoped3A_234 : memref<!tpu.dma_semaphore, #tpu.memory_space<semaphore_mem>>)
        %dma_wait3A_245 = arith.constant 0 : i32
        %dma_wait3A_246 = arith.constant 0 : i32
        %dma_wait3A_247 = tpu.memref_slice %arg8[%run_scoped3A_226, %dma_wait3A_245, %dma_wait3A_246] : memref<7x64x128xf32, #tpu.memory_space<vmem>> -> memref<1x64x128xf32, #tpu.memory_space<vmem>>
        %dma_wait3A_248 = tpu.memref_squeeze %dma_wait3A_247 : memref<1x64x128xf32, #tpu.memory_space<vmem>> -> memref<64x128xf32, #tpu.memory_space<vmem>>
        %dma_wait3A_249 = arith.constant 0 : i32
        %dma_wait3A_250 = tpu.memref_slice %arg7[%add3A_214, %dma_wait3A_249] : memref<98x64xi32, #tpu.memory_space<vmem>> -> memref<1x64xi32, #tpu.memory_space<vmem>>
        %dma_wait3A_251 = tpu.memref_squeeze %dma_wait3A_250 : memref<1x64xi32, #tpu.memory_space<vmem>> -> memref<64xi32, #tpu.memory_space<vmem>>
        %dma_wait3A_252 = arith.constant 0 : i32
        %dma_wait3A_253 = arith.constant 0 : i32
        %dma_wait3A_254 = tpu.memref_slice %arg5[%dma_wait3A_252, %dma_wait3A_253] : memref<201000x128xf32, #tpu.memory_space<hbm>> -> memref<201000x128xf32, #tpu.memory_space<hbm>>
        tpu.wait_indirect_dma semaphore(%run_scoped3A_234 : memref<!tpu.dma_semaphore, #tpu.memory_space<semaphore_mem>>) src(%dma_wait3A_248 : memref<64x128xf32, #tpu.memory_space<vmem>>) dst(%dma_wait3A_254 : memref<201000x128xf32, #tpu.memory_space<hbm>>)
        tpu.yield
      }) : () -> ()
      %add3A_227 = arith.constant 7 : i32
      %add3A_228 = arith.addi %add3A_214, %add3A_227 : i32
      %lt3A_229 = arith.constant 98 : i32
      %lt3A_230 = arith.cmpi slt, %add3A_228, %lt3A_229 : i32
      %convert_element_type3A_231 = arith.extui %lt3A_230 : i1 to i32
      %cond3A_232 = arith.constant 0 : i32
      %cond3A_233 = arith.cmpi ne, %convert_element_type3A_231, %cond3A_232 : i32
      scf.if %cond3A_233 {
        %add3A_234 = arith.constant 7 : i32
        %add3A_235 = arith.addi %add3A_214, %add3A_234 : i32
        %dma_start3A_236 = arith.constant 6 : i32
        %dma_start3A_237 = arith.constant 0 : i32
        %dma_start3A_238 = arith.constant 0 : i32
        %dma_start3A_239 = tpu.memref_slice %arg8[%dma_start3A_236, %dma_start3A_237, %dma_start3A_238] : memref<7x64x128xf32, #tpu.memory_space<vmem>> -> memref<1x64x128xf32, #tpu.memory_space<vmem>>
        %dma_start3A_240 = tpu.memref_squeeze %dma_start3A_239 : memref<1x64x128xf32, #tpu.memory_space<vmem>> -> memref<64x128xf32, #tpu.memory_space<vmem>>
        %dma_start3A_241 = arith.constant 0 : i32
        %dma_start3A_242 = tpu.memref_slice %arg6[%add3A_235, %dma_start3A_241] : memref<98x64xi32, #tpu.memory_space<vmem>> -> memref<1x64xi32, #tpu.memory_space<vmem>>
        %dma_start3A_243 = tpu.memref_squeeze %dma_start3A_242 : memref<1x64xi32, #tpu.memory_space<vmem>> -> memref<64xi32, #tpu.memory_space<vmem>>
        %dma_start3A_244 = arith.constant 0 : i32
        %dma_start3A_245 = arith.constant 0 : i32
        %dma_start3A_246 = tpu.memref_slice %arg2[%dma_start3A_244, %dma_start3A_245] : memref<30000x128xf32, #tpu.memory_space<hbm>> -> memref<30000x128xf32, #tpu.memory_space<hbm>>
        tpu.enqueue_indirect_dma source(%dma_start3A_246 : memref<30000x128xf32, #tpu.memory_space<hbm>>) target(%dma_start3A_240 : memref<64x128xf32, #tpu.memory_space<vmem>>) offsets(%dma_start3A_243 : memref<64xi32, #tpu.memory_space<vmem>>) semaphore(%arg9 : memref<!tpu.dma_semaphore, #tpu.memory_space<semaphore_mem>>)
      } else {
      }
    }
    %scan3A_88 = arith.constant 14 : i32
    return
  }
}

#map = affine_map<(d0, d1) -> (0, 0, 0)>
#map1 = affine_map<(d0, d1) -> (0, 0)>
module attributes {stable_mosaic.version = 14 : i64} {
  func.func @k(%arg0: i32, %arg1: i32, %arg2: memref<32x80x64xi32, #tpu.memory_space<hbm>>, %arg3: memref<64x16xf32, #tpu.memory_space<hbm>>, %arg4: memref<10240x16xf32, #tpu.memory_space<hbm>>, %arg5: memref<2x10240x16xf32, #tpu.memory_space<hbm>>, %arg6: memref<80x64xi32, #tpu.memory_space<vmem>>, %arg7: memref<64x16xf32, #tpu.memory_space<vmem>>, %arg8: memref<10240x16xf32, #tpu.memory_space<vmem_shared>>) attributes {dimension_semantics = [#tpu.dimension_semantics<core_parallel>, #tpu.dimension_semantics<subcore_parallel>], iteration_bounds = array<i64: 2, 16>, scalar_prefetch = 0 : i64, scratch_operands = 3 : i64, tpu.core_type = #tpu.core_type<sc_vector_subcore>, window_params = [{transform_indices = #map}, {transform_indices = #map1}, {transform_indices = #map1}, {transform_indices = #map}]} {
    %mul3A = arith.constant 2 : i32
    %mul3A_0 = arith.muli %arg1, %mul3A : i32
    %add3A = arith.addi %mul3A_0, %arg0 : i32
    %mul3A_1 = arith.constant 640 : i32
    %mul3A_2 = arith.muli %arg1, %mul3A_1 : i32
    "tpu.region"() ({
      %run_scoped3A = tpu.sem_alloc : memref<!tpu.dma_semaphore, #tpu.memory_space<semaphore_mem>>
      %dma_start3A = arith.constant 0 : i32
      %dma_start3A_9 = tpu.memref_slice %arg8[%mul3A_2, %dma_start3A] : memref<10240x16xf32, #tpu.memory_space<vmem_shared>> -> memref<640x16xf32, #tpu.memory_space<vmem_shared>>
      %dma_start3A_10 = arith.constant 0 : i32
      %dma_start3A_11 = tpu.memref_slice %arg4[%mul3A_2, %dma_start3A_10] : memref<10240x16xf32, #tpu.memory_space<hbm>> -> memref<640x16xf32, #tpu.memory_space<hbm>>
      tpu.enqueue_dma source(%dma_start3A_11 : memref<640x16xf32, #tpu.memory_space<hbm>>) target(%dma_start3A_9 : memref<640x16xf32, #tpu.memory_space<vmem_shared>>) target_semaphore(%run_scoped3A : memref<!tpu.dma_semaphore, #tpu.memory_space<semaphore_mem>>)
      %dma_wait3A = arith.constant 0 : i32
      %dma_wait3A_12 = tpu.memref_slice %arg8[%mul3A_2, %dma_wait3A] : memref<10240x16xf32, #tpu.memory_space<vmem_shared>> -> memref<640x16xf32, #tpu.memory_space<vmem_shared>>
      %dma_wait3A_13 = arith.constant 0 : i32
      %dma_wait3A_14 = tpu.memref_slice %arg4[%mul3A_2, %dma_wait3A_13] : memref<10240x16xf32, #tpu.memory_space<hbm>> -> memref<640x16xf32, #tpu.memory_space<hbm>>
      tpu.wait_dma2 semaphore(%run_scoped3A : memref<!tpu.dma_semaphore, #tpu.memory_space<semaphore_mem>>) src(%dma_wait3A_14 : memref<640x16xf32, #tpu.memory_space<hbm>>) dst(%dma_wait3A_12 : memref<640x16xf32, #tpu.memory_space<vmem_shared>>)
      tpu.yield
    }) : () -> ()
    "tpu.region"() ({
      %run_scoped3A = tpu.sem_alloc : memref<!tpu.dma_semaphore, #tpu.memory_space<semaphore_mem>>
      %dma_start3A = arith.constant 0 : i32
      %dma_start3A_9 = arith.constant 0 : i32
      %dma_start3A_10 = tpu.memref_slice %arg2[%add3A, %dma_start3A, %dma_start3A_9] : memref<32x80x64xi32, #tpu.memory_space<hbm>> -> memref<1x80x64xi32, #tpu.memory_space<hbm>>
      %dma_start3A_11 = tpu.memref_squeeze %dma_start3A_10 : memref<1x80x64xi32, #tpu.memory_space<hbm>> -> memref<80x64xi32, #tpu.memory_space<hbm>>
      %dma_start3A_12 = arith.constant 0 : i32
      %dma_start3A_13 = arith.constant 0 : i32
      %dma_start3A_14 = tpu.memref_slice %arg2[%add3A, %dma_start3A_12, %dma_start3A_13] : memref<32x80x64xi32, #tpu.memory_space<hbm>> -> memref<1x80x64xi32, #tpu.memory_space<hbm>>
      %dma_start3A_15 = tpu.memref_squeeze %dma_start3A_14 : memref<1x80x64xi32, #tpu.memory_space<hbm>> -> memref<80x64xi32, #tpu.memory_space<hbm>>
      tpu.enqueue_dma source(%dma_start3A_15 : memref<80x64xi32, #tpu.memory_space<hbm>>) target(%arg6 : memref<80x64xi32, #tpu.memory_space<vmem>>) target_semaphore(%run_scoped3A : memref<!tpu.dma_semaphore, #tpu.memory_space<semaphore_mem>>)
      %dma_wait3A = arith.constant 0 : i32
      %dma_wait3A_16 = arith.constant 0 : i32
      %dma_wait3A_17 = tpu.memref_slice %arg2[%add3A, %dma_wait3A, %dma_wait3A_16] : memref<32x80x64xi32, #tpu.memory_space<hbm>> -> memref<1x80x64xi32, #tpu.memory_space<hbm>>
      %dma_wait3A_18 = tpu.memref_squeeze %dma_wait3A_17 : memref<1x80x64xi32, #tpu.memory_space<hbm>> -> memref<80x64xi32, #tpu.memory_space<hbm>>
      %dma_wait3A_19 = arith.constant 0 : i32
      %dma_wait3A_20 = arith.constant 0 : i32
      %dma_wait3A_21 = tpu.memref_slice %arg2[%add3A, %dma_wait3A_19, %dma_wait3A_20] : memref<32x80x64xi32, #tpu.memory_space<hbm>> -> memref<1x80x64xi32, #tpu.memory_space<hbm>>
      %dma_wait3A_22 = tpu.memref_squeeze %dma_wait3A_21 : memref<1x80x64xi32, #tpu.memory_space<hbm>> -> memref<80x64xi32, #tpu.memory_space<hbm>>
      tpu.wait_dma2 semaphore(%run_scoped3A : memref<!tpu.dma_semaphore, #tpu.memory_space<semaphore_mem>>) src(%dma_wait3A_22 : memref<80x64xi32, #tpu.memory_space<hbm>>) dst(%arg6 : memref<80x64xi32, #tpu.memory_space<vmem>>)
      tpu.yield
    }) : () -> ()
    "tpu.region"() ({
      %run_scoped3A = tpu.sem_alloc : memref<!tpu.dma_semaphore, #tpu.memory_space<semaphore_mem>>
      tpu.enqueue_dma source(%arg3 : memref<64x16xf32, #tpu.memory_space<hbm>>) target(%arg7 : memref<64x16xf32, #tpu.memory_space<vmem>>) target_semaphore(%run_scoped3A : memref<!tpu.dma_semaphore, #tpu.memory_space<semaphore_mem>>)
      tpu.wait_dma2 semaphore(%run_scoped3A : memref<!tpu.dma_semaphore, #tpu.memory_space<semaphore_mem>>) src(%arg3 : memref<64x16xf32, #tpu.memory_space<hbm>>) dst(%arg7 : memref<64x16xf32, #tpu.memory_space<vmem>>)
      tpu.yield
    }) : () -> ()
    %barrier3A = arith.constant 0 : index
    tpu.barrier barrier_id(%barrier3A)
    %scan3A = arith.constant 0 : i32
    %scan3A_3 = arith.constant 0 : i32
    %scan3A_4 = arith.constant 80 : i32
    %scan3A_5 = arith.addi %scan3A_3, %scan3A_4 : i32
    %scan3A_6 = arith.constant 1 : i32
    scf.for %scan3A_9 = %scan3A_3 to %scan3A_5 step %scan3A_6  : i32 {
      "tpu.region"() ({
        %run_scoped3A = tpu.sem_alloc : memref<!tpu.dma_semaphore, #tpu.memory_space<semaphore_mem>>
        %dma_start3A = arith.constant 0 : i32
        %dma_start3A_10 = tpu.memref_slice %arg6[%scan3A_9, %dma_start3A] : memref<80x64xi32, #tpu.memory_space<vmem>> -> memref<1x64xi32, #tpu.memory_space<vmem>>
        %dma_start3A_11 = tpu.memref_squeeze %dma_start3A_10 : memref<1x64xi32, #tpu.memory_space<vmem>> -> memref<64xi32, #tpu.memory_space<vmem>>
        %dma_start3A_12 = arith.constant 0 : i32
        %dma_start3A_13 = arith.constant 0 : i32
        %dma_start3A_14 = tpu.memref_slice %arg8[%dma_start3A_12, %dma_start3A_13] : memref<10240x16xf32, #tpu.memory_space<vmem_shared>> -> memref<10240x16xf32, #tpu.memory_space<vmem_shared>>
        tpu.enqueue_indirect_dma source(%arg7 : memref<64x16xf32, #tpu.memory_space<vmem>>) target(%dma_start3A_14 : memref<10240x16xf32, #tpu.memory_space<vmem_shared>>) offsets(%dma_start3A_11 : memref<64xi32, #tpu.memory_space<vmem>>) semaphore(%run_scoped3A : memref<!tpu.dma_semaphore, #tpu.memory_space<semaphore_mem>>) {add = true}
        %dma_wait3A = arith.constant 0 : i32
        %dma_wait3A_15 = tpu.memref_slice %arg6[%scan3A_9, %dma_wait3A] : memref<80x64xi32, #tpu.memory_space<vmem>> -> memref<1x64xi32, #tpu.memory_space<vmem>>
        %dma_wait3A_16 = tpu.memref_squeeze %dma_wait3A_15 : memref<1x64xi32, #tpu.memory_space<vmem>> -> memref<64xi32, #tpu.memory_space<vmem>>
        %dma_wait3A_17 = arith.constant 0 : i32
        %dma_wait3A_18 = arith.constant 0 : i32
        %dma_wait3A_19 = tpu.memref_slice %arg8[%dma_wait3A_17, %dma_wait3A_18] : memref<10240x16xf32, #tpu.memory_space<vmem_shared>> -> memref<10240x16xf32, #tpu.memory_space<vmem_shared>>
        tpu.wait_indirect_dma semaphore(%run_scoped3A : memref<!tpu.dma_semaphore, #tpu.memory_space<semaphore_mem>>) src(%arg7 : memref<64x16xf32, #tpu.memory_space<vmem>>) dst(%dma_wait3A_19 : memref<10240x16xf32, #tpu.memory_space<vmem_shared>>)
        tpu.yield
      }) : () -> ()
    }
    %scan3A_7 = arith.constant 80 : i32
    %barrier3A_8 = arith.constant 0 : index
    tpu.barrier barrier_id(%barrier3A_8)
    "tpu.region"() ({
      %run_scoped3A = tpu.sem_alloc : memref<!tpu.dma_semaphore, #tpu.memory_space<semaphore_mem>>
      %dma_start3A = arith.constant 0 : i32
      %dma_start3A_9 = tpu.memref_slice %arg5[%arg0, %mul3A_2, %dma_start3A] : memref<2x10240x16xf32, #tpu.memory_space<hbm>> -> memref<1x640x16xf32, #tpu.memory_space<hbm>>
      %dma_start3A_10 = tpu.memref_squeeze %dma_start3A_9 : memref<1x640x16xf32, #tpu.memory_space<hbm>> -> memref<640x16xf32, #tpu.memory_space<hbm>>
      %dma_start3A_11 = arith.constant 0 : i32
      %dma_start3A_12 = tpu.memref_slice %arg8[%mul3A_2, %dma_start3A_11] : memref<10240x16xf32, #tpu.memory_space<vmem_shared>> -> memref<640x16xf32, #tpu.memory_space<vmem_shared>>
      tpu.enqueue_dma source(%dma_start3A_12 : memref<640x16xf32, #tpu.memory_space<vmem_shared>>) target(%dma_start3A_10 : memref<640x16xf32, #tpu.memory_space<hbm>>) target_semaphore(%run_scoped3A : memref<!tpu.dma_semaphore, #tpu.memory_space<semaphore_mem>>)
      %dma_wait3A = arith.constant 0 : i32
      %dma_wait3A_13 = tpu.memref_slice %arg5[%arg0, %mul3A_2, %dma_wait3A] : memref<2x10240x16xf32, #tpu.memory_space<hbm>> -> memref<1x640x16xf32, #tpu.memory_space<hbm>>
      %dma_wait3A_14 = tpu.memref_squeeze %dma_wait3A_13 : memref<1x640x16xf32, #tpu.memory_space<hbm>> -> memref<640x16xf32, #tpu.memory_space<hbm>>
      %dma_wait3A_15 = arith.constant 0 : i32
      %dma_wait3A_16 = tpu.memref_slice %arg8[%mul3A_2, %dma_wait3A_15] : memref<10240x16xf32, #tpu.memory_space<vmem_shared>> -> memref<640x16xf32, #tpu.memory_space<vmem_shared>>
      tpu.wait_dma2 semaphore(%run_scoped3A : memref<!tpu.dma_semaphore, #tpu.memory_space<semaphore_mem>>) src(%dma_wait3A_16 : memref<640x16xf32, #tpu.memory_space<vmem_shared>>) dst(%dma_wait3A_14 : memref<640x16xf32, #tpu.memory_space<hbm>>)
      tpu.yield
    }) : () -> ()
    return
  }
}

#map = affine_map<(d0, d1) -> (0, 0)>
#map1 = affine_map<(d0, d1) -> (0, 0, 0)>
module attributes {stable_mosaic.version = 14 : i64} {
  func.func @k(%arg0: i32, %arg1: i32, %arg2: memref<10240x128xf32, #tpu.memory_space<hbm>>, %arg3: memref<32x80x64xi32, #tpu.memory_space<hbm>>, %arg4: memref<32x80x64xi32, #tpu.memory_space<hbm>>, %arg5: memref<10240x128xf32, #tpu.memory_space<hbm>>, %arg6: memref<2x10240x128xf32, #tpu.memory_space<hbm>>, %arg7: memref<80x64xi32, #tpu.memory_space<vmem>>, %arg8: memref<80x64xi32, #tpu.memory_space<vmem>>, %arg9: memref<2x64x128xf32, #tpu.memory_space<vmem>>, %arg10: memref<10240x128xf32, #tpu.memory_space<vmem_shared>>, %arg11: memref<!tpu.dma_semaphore, #tpu.memory_space<semaphore_mem>>) attributes {dimension_semantics = [#tpu.dimension_semantics<core_parallel>, #tpu.dimension_semantics<subcore_parallel>], iteration_bounds = array<i64: 2, 16>, scalar_prefetch = 0 : i64, scratch_operands = 5 : i64, tpu.core_type = #tpu.core_type<sc_vector_subcore>, window_params = [{transform_indices = #map}, {transform_indices = #map1}, {transform_indices = #map1}, {transform_indices = #map}, {transform_indices = #map1}]} {
    %mul3A = arith.constant 2 : i32
    %mul3A_0 = arith.muli %arg1, %mul3A : i32
    %add3A = arith.addi %mul3A_0, %arg0 : i32
    %mul3A_1 = arith.constant 640 : i32
    %mul3A_2 = arith.muli %arg1, %mul3A_1 : i32
    "tpu.region"() ({
      %run_scoped3A = tpu.sem_alloc : memref<!tpu.dma_semaphore, #tpu.memory_space<semaphore_mem>>
      %dma_start3A_32 = arith.constant 0 : i32
      %dma_start3A_33 = tpu.memref_slice %arg10[%mul3A_2, %dma_start3A_32] : memref<10240x128xf32, #tpu.memory_space<vmem_shared>> -> memref<640x128xf32, #tpu.memory_space<vmem_shared>>
      %dma_start3A_34 = arith.constant 0 : i32
      %dma_start3A_35 = tpu.memref_slice %arg5[%mul3A_2, %dma_start3A_34] : memref<10240x128xf32, #tpu.memory_space<hbm>> -> memref<640x128xf32, #tpu.memory_space<hbm>>
      tpu.enqueue_dma source(%dma_start3A_35 : memref<640x128xf32, #tpu.memory_space<hbm>>) target(%dma_start3A_33 : memref<640x128xf32, #tpu.memory_space<vmem_shared>>) target_semaphore(%run_scoped3A : memref<!tpu.dma_semaphore, #tpu.memory_space<semaphore_mem>>)
      %dma_wait3A = arith.constant 0 : i32
      %dma_wait3A_36 = tpu.memref_slice %arg10[%mul3A_2, %dma_wait3A] : memref<10240x128xf32, #tpu.memory_space<vmem_shared>> -> memref<640x128xf32, #tpu.memory_space<vmem_shared>>
      %dma_wait3A_37 = arith.constant 0 : i32
      %dma_wait3A_38 = tpu.memref_slice %arg5[%mul3A_2, %dma_wait3A_37] : memref<10240x128xf32, #tpu.memory_space<hbm>> -> memref<640x128xf32, #tpu.memory_space<hbm>>
      tpu.wait_dma2 semaphore(%run_scoped3A : memref<!tpu.dma_semaphore, #tpu.memory_space<semaphore_mem>>) src(%dma_wait3A_38 : memref<640x128xf32, #tpu.memory_space<hbm>>) dst(%dma_wait3A_36 : memref<640x128xf32, #tpu.memory_space<vmem_shared>>)
      tpu.yield
    }) : () -> ()
    "tpu.region"() ({
      %run_scoped3A = tpu.sem_alloc : memref<!tpu.dma_semaphore, #tpu.memory_space<semaphore_mem>>
      %dma_start3A_32 = arith.constant 0 : i32
      %dma_start3A_33 = arith.constant 0 : i32
      %dma_start3A_34 = tpu.memref_slice %arg3[%add3A, %dma_start3A_32, %dma_start3A_33] : memref<32x80x64xi32, #tpu.memory_space<hbm>> -> memref<1x80x64xi32, #tpu.memory_space<hbm>>
      %dma_start3A_35 = tpu.memref_squeeze %dma_start3A_34 : memref<1x80x64xi32, #tpu.memory_space<hbm>> -> memref<80x64xi32, #tpu.memory_space<hbm>>
      %dma_start3A_36 = arith.constant 0 : i32
      %dma_start3A_37 = arith.constant 0 : i32
      %dma_start3A_38 = tpu.memref_slice %arg3[%add3A, %dma_start3A_36, %dma_start3A_37] : memref<32x80x64xi32, #tpu.memory_space<hbm>> -> memref<1x80x64xi32, #tpu.memory_space<hbm>>
      %dma_start3A_39 = tpu.memref_squeeze %dma_start3A_38 : memref<1x80x64xi32, #tpu.memory_space<hbm>> -> memref<80x64xi32, #tpu.memory_space<hbm>>
      tpu.enqueue_dma source(%dma_start3A_39 : memref<80x64xi32, #tpu.memory_space<hbm>>) target(%arg7 : memref<80x64xi32, #tpu.memory_space<vmem>>) target_semaphore(%run_scoped3A : memref<!tpu.dma_semaphore, #tpu.memory_space<semaphore_mem>>)
      %dma_wait3A = arith.constant 0 : i32
      %dma_wait3A_40 = arith.constant 0 : i32
      %dma_wait3A_41 = tpu.memref_slice %arg3[%add3A, %dma_wait3A, %dma_wait3A_40] : memref<32x80x64xi32, #tpu.memory_space<hbm>> -> memref<1x80x64xi32, #tpu.memory_space<hbm>>
      %dma_wait3A_42 = tpu.memref_squeeze %dma_wait3A_41 : memref<1x80x64xi32, #tpu.memory_space<hbm>> -> memref<80x64xi32, #tpu.memory_space<hbm>>
      %dma_wait3A_43 = arith.constant 0 : i32
      %dma_wait3A_44 = arith.constant 0 : i32
      %dma_wait3A_45 = tpu.memref_slice %arg3[%add3A, %dma_wait3A_43, %dma_wait3A_44] : memref<32x80x64xi32, #tpu.memory_space<hbm>> -> memref<1x80x64xi32, #tpu.memory_space<hbm>>
      %dma_wait3A_46 = tpu.memref_squeeze %dma_wait3A_45 : memref<1x80x64xi32, #tpu.memory_space<hbm>> -> memref<80x64xi32, #tpu.memory_space<hbm>>
      tpu.wait_dma2 semaphore(%run_scoped3A : memref<!tpu.dma_semaphore, #tpu.memory_space<semaphore_mem>>) src(%dma_wait3A_46 : memref<80x64xi32, #tpu.memory_space<hbm>>) dst(%arg7 : memref<80x64xi32, #tpu.memory_space<vmem>>)
      tpu.yield
    }) : () -> ()
    "tpu.region"() ({
      %run_scoped3A = tpu.sem_alloc : memref<!tpu.dma_semaphore, #tpu.memory_space<semaphore_mem>>
      %dma_start3A_32 = arith.constant 0 : i32
      %dma_start3A_33 = arith.constant 0 : i32
      %dma_start3A_34 = tpu.memref_slice %arg4[%add3A, %dma_start3A_32, %dma_start3A_33] : memref<32x80x64xi32, #tpu.memory_space<hbm>> -> memref<1x80x64xi32, #tpu.memory_space<hbm>>
      %dma_start3A_35 = tpu.memref_squeeze %dma_start3A_34 : memref<1x80x64xi32, #tpu.memory_space<hbm>> -> memref<80x64xi32, #tpu.memory_space<hbm>>
      %dma_start3A_36 = arith.constant 0 : i32
      %dma_start3A_37 = arith.constant 0 : i32
      %dma_start3A_38 = tpu.memref_slice %arg4[%add3A, %dma_start3A_36, %dma_start3A_37] : memref<32x80x64xi32, #tpu.memory_space<hbm>> -> memref<1x80x64xi32, #tpu.memory_space<hbm>>
      %dma_start3A_39 = tpu.memref_squeeze %dma_start3A_38 : memref<1x80x64xi32, #tpu.memory_space<hbm>> -> memref<80x64xi32, #tpu.memory_space<hbm>>
      tpu.enqueue_dma source(%dma_start3A_39 : memref<80x64xi32, #tpu.memory_space<hbm>>) target(%arg8 : memref<80x64xi32, #tpu.memory_space<vmem>>) target_semaphore(%run_scoped3A : memref<!tpu.dma_semaphore, #tpu.memory_space<semaphore_mem>>)
      %dma_wait3A = arith.constant 0 : i32
      %dma_wait3A_40 = arith.constant 0 : i32
      %dma_wait3A_41 = tpu.memref_slice %arg4[%add3A, %dma_wait3A, %dma_wait3A_40] : memref<32x80x64xi32, #tpu.memory_space<hbm>> -> memref<1x80x64xi32, #tpu.memory_space<hbm>>
      %dma_wait3A_42 = tpu.memref_squeeze %dma_wait3A_41 : memref<1x80x64xi32, #tpu.memory_space<hbm>> -> memref<80x64xi32, #tpu.memory_space<hbm>>
      %dma_wait3A_43 = arith.constant 0 : i32
      %dma_wait3A_44 = arith.constant 0 : i32
      %dma_wait3A_45 = tpu.memref_slice %arg4[%add3A, %dma_wait3A_43, %dma_wait3A_44] : memref<32x80x64xi32, #tpu.memory_space<hbm>> -> memref<1x80x64xi32, #tpu.memory_space<hbm>>
      %dma_wait3A_46 = tpu.memref_squeeze %dma_wait3A_45 : memref<1x80x64xi32, #tpu.memory_space<hbm>> -> memref<80x64xi32, #tpu.memory_space<hbm>>
      tpu.wait_dma2 semaphore(%run_scoped3A : memref<!tpu.dma_semaphore, #tpu.memory_space<semaphore_mem>>) src(%dma_wait3A_46 : memref<80x64xi32, #tpu.memory_space<hbm>>) dst(%arg8 : memref<80x64xi32, #tpu.memory_space<vmem>>)
      tpu.yield
    }) : () -> ()
    %barrier3A = arith.constant 0 : index
    tpu.barrier barrier_id(%barrier3A)
    %dma_start3A = arith.constant 0 : i32
    %dma_start3A_3 = arith.constant 0 : i32
    %dma_start3A_4 = arith.constant 0 : i32
    %dma_start3A_5 = arith.constant 0 : i32
    %dma_start3A_6 = tpu.memref_slice %arg9[%dma_start3A_3, %dma_start3A_4, %dma_start3A_5] : memref<2x64x128xf32, #tpu.memory_space<vmem>> -> memref<1x64x128xf32, #tpu.memory_space<vmem>>
    %dma_start3A_7 = tpu.memref_squeeze %dma_start3A_6 : memref<1x64x128xf32, #tpu.memory_space<vmem>> -> memref<64x128xf32, #tpu.memory_space<vmem>>
    %dma_start3A_8 = arith.constant 0 : i32
    %dma_start3A_9 = tpu.memref_slice %arg7[%dma_start3A, %dma_start3A_8] : memref<80x64xi32, #tpu.memory_space<vmem>> -> memref<1x64xi32, #tpu.memory_space<vmem>>
    %dma_start3A_10 = tpu.memref_squeeze %dma_start3A_9 : memref<1x64xi32, #tpu.memory_space<vmem>> -> memref<64xi32, #tpu.memory_space<vmem>>
    %dma_start3A_11 = arith.constant 0 : i32
    %dma_start3A_12 = arith.constant 0 : i32
    %dma_start3A_13 = tpu.memref_slice %arg2[%dma_start3A_11, %dma_start3A_12] : memref<10240x128xf32, #tpu.memory_space<hbm>> -> memref<10240x128xf32, #tpu.memory_space<hbm>>
    tpu.enqueue_indirect_dma source(%dma_start3A_13 : memref<10240x128xf32, #tpu.memory_space<hbm>>) target(%dma_start3A_7 : memref<64x128xf32, #tpu.memory_space<vmem>>) offsets(%dma_start3A_10 : memref<64xi32, #tpu.memory_space<vmem>>) semaphore(%arg11 : memref<!tpu.dma_semaphore, #tpu.memory_space<semaphore_mem>>)
    %dma_start3A_14 = arith.constant 1 : i32
    %dma_start3A_15 = arith.constant 1 : i32
    %dma_start3A_16 = arith.constant 0 : i32
    %dma_start3A_17 = arith.constant 0 : i32
    %dma_start3A_18 = tpu.memref_slice %arg9[%dma_start3A_15, %dma_start3A_16, %dma_start3A_17] : memref<2x64x128xf32, #tpu.memory_space<vmem>> -> memref<1x64x128xf32, #tpu.memory_space<vmem>>
    %dma_start3A_19 = tpu.memref_squeeze %dma_start3A_18 : memref<1x64x128xf32, #tpu.memory_space<vmem>> -> memref<64x128xf32, #tpu.memory_space<vmem>>
    %dma_start3A_20 = arith.constant 0 : i32
    %dma_start3A_21 = tpu.memref_slice %arg7[%dma_start3A_14, %dma_start3A_20] : memref<80x64xi32, #tpu.memory_space<vmem>> -> memref<1x64xi32, #tpu.memory_space<vmem>>
    %dma_start3A_22 = tpu.memref_squeeze %dma_start3A_21 : memref<1x64xi32, #tpu.memory_space<vmem>> -> memref<64xi32, #tpu.memory_space<vmem>>
    %dma_start3A_23 = arith.constant 0 : i32
    %dma_start3A_24 = arith.constant 0 : i32
    %dma_start3A_25 = tpu.memref_slice %arg2[%dma_start3A_23, %dma_start3A_24] : memref<10240x128xf32, #tpu.memory_space<hbm>> -> memref<10240x128xf32, #tpu.memory_space<hbm>>
    tpu.enqueue_indirect_dma source(%dma_start3A_25 : memref<10240x128xf32, #tpu.memory_space<hbm>>) target(%dma_start3A_19 : memref<64x128xf32, #tpu.memory_space<vmem>>) offsets(%dma_start3A_22 : memref<64xi32, #tpu.memory_space<vmem>>) semaphore(%arg11 : memref<!tpu.dma_semaphore, #tpu.memory_space<semaphore_mem>>)
    %scan3A = arith.constant 0 : i32
    %scan3A_26 = arith.constant 0 : i32
    %scan3A_27 = arith.constant 40 : i32
    %scan3A_28 = arith.addi %scan3A_26, %scan3A_27 : i32
    %scan3A_29 = arith.constant 1 : i32
    scf.for %scan3A_32 = %scan3A_26 to %scan3A_28 step %scan3A_29  : i32 {
      %mul3A_33 = arith.constant 2 : i32
      %mul3A_34 = arith.muli %scan3A_32, %mul3A_33 : i32
      %add3A_35 = arith.constant 0 : i32
      %add3A_36 = arith.addi %mul3A_34, %add3A_35 : i32
      %dma_wait3A = arith.constant 0 : i32
      %dma_wait3A_37 = arith.constant 0 : i32
      %dma_wait3A_38 = arith.constant 0 : i32
      %dma_wait3A_39 = tpu.memref_slice %arg9[%dma_wait3A, %dma_wait3A_37, %dma_wait3A_38] : memref<2x64x128xf32, #tpu.memory_space<vmem>> -> memref<1x64x128xf32, #tpu.memory_space<vmem>>
      %dma_wait3A_40 = tpu.memref_squeeze %dma_wait3A_39 : memref<1x64x128xf32, #tpu.memory_space<vmem>> -> memref<64x128xf32, #tpu.memory_space<vmem>>
      %dma_wait3A_41 = arith.constant 0 : i32
      %dma_wait3A_42 = tpu.memref_slice %arg7[%add3A_36, %dma_wait3A_41] : memref<80x64xi32, #tpu.memory_space<vmem>> -> memref<1x64xi32, #tpu.memory_space<vmem>>
      %dma_wait3A_43 = tpu.memref_squeeze %dma_wait3A_42 : memref<1x64xi32, #tpu.memory_space<vmem>> -> memref<64xi32, #tpu.memory_space<vmem>>
      %dma_wait3A_44 = arith.constant 0 : i32
      %dma_wait3A_45 = arith.constant 0 : i32
      %dma_wait3A_46 = tpu.memref_slice %arg2[%dma_wait3A_44, %dma_wait3A_45] : memref<10240x128xf32, #tpu.memory_space<hbm>> -> memref<10240x128xf32, #tpu.memory_space<hbm>>
      tpu.wait_indirect_dma semaphore(%arg11 : memref<!tpu.dma_semaphore, #tpu.memory_space<semaphore_mem>>) src(%dma_wait3A_46 : memref<10240x128xf32, #tpu.memory_space<hbm>>) dst(%dma_wait3A_40 : memref<64x128xf32, #tpu.memory_space<vmem>>)
      %run_scoped3A = arith.constant 0 : i32
      "tpu.region"() ({
        %run_scoped3A_72 = tpu.sem_alloc : memref<!tpu.dma_semaphore, #tpu.memory_space<semaphore_mem>>
        %dma_start3A_73 = arith.constant 0 : i32
        %dma_start3A_74 = arith.constant 0 : i32
        %dma_start3A_75 = tpu.memref_slice %arg9[%run_scoped3A, %dma_start3A_73, %dma_start3A_74] : memref<2x64x128xf32, #tpu.memory_space<vmem>> -> memref<1x64x128xf32, #tpu.memory_space<vmem>>
        %dma_start3A_76 = tpu.memref_squeeze %dma_start3A_75 : memref<1x64x128xf32, #tpu.memory_space<vmem>> -> memref<64x128xf32, #tpu.memory_space<vmem>>
        %dma_start3A_77 = arith.constant 0 : i32
        %dma_start3A_78 = tpu.memref_slice %arg8[%add3A_36, %dma_start3A_77] : memref<80x64xi32, #tpu.memory_space<vmem>> -> memref<1x64xi32, #tpu.memory_space<vmem>>
        %dma_start3A_79 = tpu.memref_squeeze %dma_start3A_78 : memref<1x64xi32, #tpu.memory_space<vmem>> -> memref<64xi32, #tpu.memory_space<vmem>>
        %dma_start3A_80 = arith.constant 0 : i32
        %dma_start3A_81 = arith.constant 0 : i32
        %dma_start3A_82 = tpu.memref_slice %arg10[%dma_start3A_80, %dma_start3A_81] : memref<10240x128xf32, #tpu.memory_space<vmem_shared>> -> memref<10240x128xf32, #tpu.memory_space<vmem_shared>>
        tpu.enqueue_indirect_dma source(%dma_start3A_76 : memref<64x128xf32, #tpu.memory_space<vmem>>) target(%dma_start3A_82 : memref<10240x128xf32, #tpu.memory_space<vmem_shared>>) offsets(%dma_start3A_79 : memref<64xi32, #tpu.memory_space<vmem>>) semaphore(%run_scoped3A_72 : memref<!tpu.dma_semaphore, #tpu.memory_space<semaphore_mem>>) {add = true}
        %dma_wait3A_83 = arith.constant 0 : i32
        %dma_wait3A_84 = arith.constant 0 : i32
        %dma_wait3A_85 = tpu.memref_slice %arg9[%run_scoped3A, %dma_wait3A_83, %dma_wait3A_84] : memref<2x64x128xf32, #tpu.memory_space<vmem>> -> memref<1x64x128xf32, #tpu.memory_space<vmem>>
        %dma_wait3A_86 = tpu.memref_squeeze %dma_wait3A_85 : memref<1x64x128xf32, #tpu.memory_space<vmem>> -> memref<64x128xf32, #tpu.memory_space<vmem>>
        %dma_wait3A_87 = arith.constant 0 : i32
        %dma_wait3A_88 = tpu.memref_slice %arg8[%add3A_36, %dma_wait3A_87] : memref<80x64xi32, #tpu.memory_space<vmem>> -> memref<1x64xi32, #tpu.memory_space<vmem>>
        %dma_wait3A_89 = tpu.memref_squeeze %dma_wait3A_88 : memref<1x64xi32, #tpu.memory_space<vmem>> -> memref<64xi32, #tpu.memory_space<vmem>>
        %dma_wait3A_90 = arith.constant 0 : i32
        %dma_wait3A_91 = arith.constant 0 : i32
        %dma_wait3A_92 = tpu.memref_slice %arg10[%dma_wait3A_90, %dma_wait3A_91] : memref<10240x128xf32, #tpu.memory_space<vmem_shared>> -> memref<10240x128xf32, #tpu.memory_space<vmem_shared>>
        tpu.wait_indirect_dma semaphore(%run_scoped3A_72 : memref<!tpu.dma_semaphore, #tpu.memory_space<semaphore_mem>>) src(%dma_wait3A_86 : memref<64x128xf32, #tpu.memory_space<vmem>>) dst(%dma_wait3A_92 : memref<10240x128xf32, #tpu.memory_space<vmem_shared>>)
        tpu.yield
      }) : () -> ()
      %add3A_47 = arith.constant 2 : i32
      %add3A_48 = arith.addi %add3A_36, %add3A_47 : i32
      %lt3A = arith.constant 80 : i32
      %lt3A_49 = arith.cmpi slt, %add3A_48, %lt3A : i32
      %convert_element_type3A = arith.extui %lt3A_49 : i1 to i32
      %cond3A = arith.constant 0 : i32
      %cond3A_50 = arith.cmpi ne, %convert_element_type3A, %cond3A : i32
      scf.if %cond3A_50 {
        %add3A_72 = arith.constant 2 : i32
        %add3A_73 = arith.addi %add3A_36, %add3A_72 : i32
        %dma_start3A_74 = arith.constant 0 : i32
        %dma_start3A_75 = arith.constant 0 : i32
        %dma_start3A_76 = arith.constant 0 : i32
        %dma_start3A_77 = tpu.memref_slice %arg9[%dma_start3A_74, %dma_start3A_75, %dma_start3A_76] : memref<2x64x128xf32, #tpu.memory_space<vmem>> -> memref<1x64x128xf32, #tpu.memory_space<vmem>>
        %dma_start3A_78 = tpu.memref_squeeze %dma_start3A_77 : memref<1x64x128xf32, #tpu.memory_space<vmem>> -> memref<64x128xf32, #tpu.memory_space<vmem>>
        %dma_start3A_79 = arith.constant 0 : i32
        %dma_start3A_80 = tpu.memref_slice %arg7[%add3A_73, %dma_start3A_79] : memref<80x64xi32, #tpu.memory_space<vmem>> -> memref<1x64xi32, #tpu.memory_space<vmem>>
        %dma_start3A_81 = tpu.memref_squeeze %dma_start3A_80 : memref<1x64xi32, #tpu.memory_space<vmem>> -> memref<64xi32, #tpu.memory_space<vmem>>
        %dma_start3A_82 = arith.constant 0 : i32
        %dma_start3A_83 = arith.constant 0 : i32
        %dma_start3A_84 = tpu.memref_slice %arg2[%dma_start3A_82, %dma_start3A_83] : memref<10240x128xf32, #tpu.memory_space<hbm>> -> memref<10240x128xf32, #tpu.memory_space<hbm>>
        tpu.enqueue_indirect_dma source(%dma_start3A_84 : memref<10240x128xf32, #tpu.memory_space<hbm>>) target(%dma_start3A_78 : memref<64x128xf32, #tpu.memory_space<vmem>>) offsets(%dma_start3A_81 : memref<64xi32, #tpu.memory_space<vmem>>) semaphore(%arg11 : memref<!tpu.dma_semaphore, #tpu.memory_space<semaphore_mem>>)
      } else {
      }
      %add3A_51 = arith.constant 1 : i32
      %add3A_52 = arith.addi %mul3A_34, %add3A_51 : i32
      %dma_wait3A_53 = arith.constant 1 : i32
      %dma_wait3A_54 = arith.constant 0 : i32
      %dma_wait3A_55 = arith.constant 0 : i32
      %dma_wait3A_56 = tpu.memref_slice %arg9[%dma_wait3A_53, %dma_wait3A_54, %dma_wait3A_55] : memref<2x64x128xf32, #tpu.memory_space<vmem>> -> memref<1x64x128xf32, #tpu.memory_space<vmem>>
      %dma_wait3A_57 = tpu.memref_squeeze %dma_wait3A_56 : memref<1x64x128xf32, #tpu.memory_space<vmem>> -> memref<64x128xf32, #tpu.memory_space<vmem>>
      %dma_wait3A_58 = arith.constant 0 : i32
      %dma_wait3A_59 = tpu.memref_slice %arg7[%add3A_52, %dma_wait3A_58] : memref<80x64xi32, #tpu.memory_space<vmem>> -> memref<1x64xi32, #tpu.memory_space<vmem>>
      %dma_wait3A_60 = tpu.memref_squeeze %dma_wait3A_59 : memref<1x64xi32, #tpu.memory_space<vmem>> -> memref<64xi32, #tpu.memory_space<vmem>>
      %dma_wait3A_61 = arith.constant 0 : i32
      %dma_wait3A_62 = arith.constant 0 : i32
      %dma_wait3A_63 = tpu.memref_slice %arg2[%dma_wait3A_61, %dma_wait3A_62] : memref<10240x128xf32, #tpu.memory_space<hbm>> -> memref<10240x128xf32, #tpu.memory_space<hbm>>
      tpu.wait_indirect_dma semaphore(%arg11 : memref<!tpu.dma_semaphore, #tpu.memory_space<semaphore_mem>>) src(%dma_wait3A_63 : memref<10240x128xf32, #tpu.memory_space<hbm>>) dst(%dma_wait3A_57 : memref<64x128xf32, #tpu.memory_space<vmem>>)
      %run_scoped3A_64 = arith.constant 1 : i32
      "tpu.region"() ({
        %run_scoped3A_72 = tpu.sem_alloc : memref<!tpu.dma_semaphore, #tpu.memory_space<semaphore_mem>>
        %dma_start3A_73 = arith.constant 0 : i32
        %dma_start3A_74 = arith.constant 0 : i32
        %dma_start3A_75 = tpu.memref_slice %arg9[%run_scoped3A_64, %dma_start3A_73, %dma_start3A_74] : memref<2x64x128xf32, #tpu.memory_space<vmem>> -> memref<1x64x128xf32, #tpu.memory_space<vmem>>
        %dma_start3A_76 = tpu.memref_squeeze %dma_start3A_75 : memref<1x64x128xf32, #tpu.memory_space<vmem>> -> memref<64x128xf32, #tpu.memory_space<vmem>>
        %dma_start3A_77 = arith.constant 0 : i32
        %dma_start3A_78 = tpu.memref_slice %arg8[%add3A_52, %dma_start3A_77] : memref<80x64xi32, #tpu.memory_space<vmem>> -> memref<1x64xi32, #tpu.memory_space<vmem>>
        %dma_start3A_79 = tpu.memref_squeeze %dma_start3A_78 : memref<1x64xi32, #tpu.memory_space<vmem>> -> memref<64xi32, #tpu.memory_space<vmem>>
        %dma_start3A_80 = arith.constant 0 : i32
        %dma_start3A_81 = arith.constant 0 : i32
        %dma_start3A_82 = tpu.memref_slice %arg10[%dma_start3A_80, %dma_start3A_81] : memref<10240x128xf32, #tpu.memory_space<vmem_shared>> -> memref<10240x128xf32, #tpu.memory_space<vmem_shared>>
        tpu.enqueue_indirect_dma source(%dma_start3A_76 : memref<64x128xf32, #tpu.memory_space<vmem>>) target(%dma_start3A_82 : memref<10240x128xf32, #tpu.memory_space<vmem_shared>>) offsets(%dma_start3A_79 : memref<64xi32, #tpu.memory_space<vmem>>) semaphore(%run_scoped3A_72 : memref<!tpu.dma_semaphore, #tpu.memory_space<semaphore_mem>>) {add = true}
        %dma_wait3A_83 = arith.constant 0 : i32
        %dma_wait3A_84 = arith.constant 0 : i32
        %dma_wait3A_85 = tpu.memref_slice %arg9[%run_scoped3A_64, %dma_wait3A_83, %dma_wait3A_84] : memref<2x64x128xf32, #tpu.memory_space<vmem>> -> memref<1x64x128xf32, #tpu.memory_space<vmem>>
        %dma_wait3A_86 = tpu.memref_squeeze %dma_wait3A_85 : memref<1x64x128xf32, #tpu.memory_space<vmem>> -> memref<64x128xf32, #tpu.memory_space<vmem>>
        %dma_wait3A_87 = arith.constant 0 : i32
        %dma_wait3A_88 = tpu.memref_slice %arg8[%add3A_52, %dma_wait3A_87] : memref<80x64xi32, #tpu.memory_space<vmem>> -> memref<1x64xi32, #tpu.memory_space<vmem>>
        %dma_wait3A_89 = tpu.memref_squeeze %dma_wait3A_88 : memref<1x64xi32, #tpu.memory_space<vmem>> -> memref<64xi32, #tpu.memory_space<vmem>>
        %dma_wait3A_90 = arith.constant 0 : i32
        %dma_wait3A_91 = arith.constant 0 : i32
        %dma_wait3A_92 = tpu.memref_slice %arg10[%dma_wait3A_90, %dma_wait3A_91] : memref<10240x128xf32, #tpu.memory_space<vmem_shared>> -> memref<10240x128xf32, #tpu.memory_space<vmem_shared>>
        tpu.wait_indirect_dma semaphore(%run_scoped3A_72 : memref<!tpu.dma_semaphore, #tpu.memory_space<semaphore_mem>>) src(%dma_wait3A_86 : memref<64x128xf32, #tpu.memory_space<vmem>>) dst(%dma_wait3A_92 : memref<10240x128xf32, #tpu.memory_space<vmem_shared>>)
        tpu.yield
      }) : () -> ()
      %add3A_65 = arith.constant 2 : i32
      %add3A_66 = arith.addi %add3A_52, %add3A_65 : i32
      %lt3A_67 = arith.constant 80 : i32
      %lt3A_68 = arith.cmpi slt, %add3A_66, %lt3A_67 : i32
      %convert_element_type3A_69 = arith.extui %lt3A_68 : i1 to i32
      %cond3A_70 = arith.constant 0 : i32
      %cond3A_71 = arith.cmpi ne, %convert_element_type3A_69, %cond3A_70 : i32
      scf.if %cond3A_71 {
        %add3A_72 = arith.constant 2 : i32
        %add3A_73 = arith.addi %add3A_52, %add3A_72 : i32
        %dma_start3A_74 = arith.constant 1 : i32
        %dma_start3A_75 = arith.constant 0 : i32
        %dma_start3A_76 = arith.constant 0 : i32
        %dma_start3A_77 = tpu.memref_slice %arg9[%dma_start3A_74, %dma_start3A_75, %dma_start3A_76] : memref<2x64x128xf32, #tpu.memory_space<vmem>> -> memref<1x64x128xf32, #tpu.memory_space<vmem>>
        %dma_start3A_78 = tpu.memref_squeeze %dma_start3A_77 : memref<1x64x128xf32, #tpu.memory_space<vmem>> -> memref<64x128xf32, #tpu.memory_space<vmem>>
        %dma_start3A_79 = arith.constant 0 : i32
        %dma_start3A_80 = tpu.memref_slice %arg7[%add3A_73, %dma_start3A_79] : memref<80x64xi32, #tpu.memory_space<vmem>> -> memref<1x64xi32, #tpu.memory_space<vmem>>
        %dma_start3A_81 = tpu.memref_squeeze %dma_start3A_80 : memref<1x64xi32, #tpu.memory_space<vmem>> -> memref<64xi32, #tpu.memory_space<vmem>>
        %dma_start3A_82 = arith.constant 0 : i32
        %dma_start3A_83 = arith.constant 0 : i32
        %dma_start3A_84 = tpu.memref_slice %arg2[%dma_start3A_82, %dma_start3A_83] : memref<10240x128xf32, #tpu.memory_space<hbm>> -> memref<10240x128xf32, #tpu.memory_space<hbm>>
        tpu.enqueue_indirect_dma source(%dma_start3A_84 : memref<10240x128xf32, #tpu.memory_space<hbm>>) target(%dma_start3A_78 : memref<64x128xf32, #tpu.memory_space<vmem>>) offsets(%dma_start3A_81 : memref<64xi32, #tpu.memory_space<vmem>>) semaphore(%arg11 : memref<!tpu.dma_semaphore, #tpu.memory_space<semaphore_mem>>)
      } else {
      }
    }
    %scan3A_30 = arith.constant 40 : i32
    %barrier3A_31 = arith.constant 0 : index
    tpu.barrier barrier_id(%barrier3A_31)
    "tpu.region"() ({
      %run_scoped3A = tpu.sem_alloc : memref<!tpu.dma_semaphore, #tpu.memory_space<semaphore_mem>>
      %dma_start3A_32 = arith.constant 0 : i32
      %dma_start3A_33 = tpu.memref_slice %arg6[%arg0, %mul3A_2, %dma_start3A_32] : memref<2x10240x128xf32, #tpu.memory_space<hbm>> -> memref<1x640x128xf32, #tpu.memory_space<hbm>>
      %dma_start3A_34 = tpu.memref_squeeze %dma_start3A_33 : memref<1x640x128xf32, #tpu.memory_space<hbm>> -> memref<640x128xf32, #tpu.memory_space<hbm>>
      %dma_start3A_35 = arith.constant 0 : i32
      %dma_start3A_36 = tpu.memref_slice %arg10[%mul3A_2, %dma_start3A_35] : memref<10240x128xf32, #tpu.memory_space<vmem_shared>> -> memref<640x128xf32, #tpu.memory_space<vmem_shared>>
      tpu.enqueue_dma source(%dma_start3A_36 : memref<640x128xf32, #tpu.memory_space<vmem_shared>>) target(%dma_start3A_34 : memref<640x128xf32, #tpu.memory_space<hbm>>) target_semaphore(%run_scoped3A : memref<!tpu.dma_semaphore, #tpu.memory_space<semaphore_mem>>)
      %dma_wait3A = arith.constant 0 : i32
      %dma_wait3A_37 = tpu.memref_slice %arg6[%arg0, %mul3A_2, %dma_wait3A] : memref<2x10240x128xf32, #tpu.memory_space<hbm>> -> memref<1x640x128xf32, #tpu.memory_space<hbm>>
      %dma_wait3A_38 = tpu.memref_squeeze %dma_wait3A_37 : memref<1x640x128xf32, #tpu.memory_space<hbm>> -> memref<640x128xf32, #tpu.memory_space<hbm>>
      %dma_wait3A_39 = arith.constant 0 : i32
      %dma_wait3A_40 = tpu.memref_slice %arg10[%mul3A_2, %dma_wait3A_39] : memref<10240x128xf32, #tpu.memory_space<vmem_shared>> -> memref<640x128xf32, #tpu.memory_space<vmem_shared>>
      tpu.wait_dma2 semaphore(%run_scoped3A : memref<!tpu.dma_semaphore, #tpu.memory_space<semaphore_mem>>) src(%dma_wait3A_40 : memref<640x128xf32, #tpu.memory_space<vmem_shared>>) dst(%dma_wait3A_38 : memref<640x128xf32, #tpu.memory_space<hbm>>)
      tpu.yield
    }) : () -> ()
    return
  }
}

module attributes {stable_mosaic.version = 14 : i64} {
  func.func @_gru_body(%arg0: i32, %arg1: i32, %arg2: memref<1000x128xf32, #tpu.memory_space<vmem>>, %arg3: memref<1000x128xf32, #tpu.memory_space<vmem>>, %arg4: memref<1000x128xf32, #tpu.memory_space<vmem>>, %arg5: memref<128x384xf32, #tpu.memory_space<vmem>>, %arg6: memref<128x384xf32, #tpu.memory_space<vmem>>, %arg7: memref<128x384xf32, #tpu.memory_space<vmem>>, %arg8: memref<128x384xf32, #tpu.memory_space<vmem>>, %arg9: memref<1x384xf32, #tpu.memory_space<vmem>>, %arg10: memref<1x384xf32, #tpu.memory_space<vmem>>, %arg11: memref<1x384xf32, #tpu.memory_space<vmem>>, %arg12: memref<1x384xf32, #tpu.memory_space<vmem>>, %arg13: memref<1000x128xf32, #tpu.memory_space<vmem>>, %arg14: memref<1000x128xf32, #tpu.memory_space<vmem>>, %arg15: memref<1000x128xf32, #tpu.memory_space<vmem>>) attributes {dimension_semantics = [#tpu.dimension_semantics<arbitrary>, #tpu.dimension_semantics<arbitrary>], iteration_bounds = array<i64: 10, 20>, scalar_prefetch = 0 : i64, scratch_operands = 2 : i64, tpu.core_type = #tpu.core_type<tc>, window_params = [{transform_indices = @transform_0, window_bounds = array<i64: 1000, 128>}, {transform_indices = @transform_1, window_bounds = array<i64: 1000, 128>}, {transform_indices = @transform_2, window_bounds = array<i64: 1000, 128>}, {pipeline_mode = #tpu.pipeline_mode<synchronous>, transform_indices = @transform_3, window_bounds = array<i64: 128, 384>}, {pipeline_mode = #tpu.pipeline_mode<synchronous>, transform_indices = @transform_4, window_bounds = array<i64: 128, 384>}, {pipeline_mode = #tpu.pipeline_mode<synchronous>, transform_indices = @transform_5, window_bounds = array<i64: 128, 384>}, {pipeline_mode = #tpu.pipeline_mode<synchronous>, transform_indices = @transform_6, window_bounds = array<i64: 128, 384>}, {pipeline_mode = #tpu.pipeline_mode<synchronous>, transform_indices = @transform_7, window_bounds = array<i64: 1, 384>}, {pipeline_mode = #tpu.pipeline_mode<synchronous>, transform_indices = @transform_8, window_bounds = array<i64: 1, 384>}, {pipeline_mode = #tpu.pipeline_mode<synchronous>, transform_indices = @transform_9, window_bounds = array<i64: 1, 384>}, {pipeline_mode = #tpu.pipeline_mode<synchronous>, transform_indices = @transform_10, window_bounds = array<i64: 1, 384>}, {transform_indices = @transform_11, window_bounds = array<i64: 1000, 128>}]} {
    %eq3A = arith.constant 0 : i32
    %eq3A_0 = arith.cmpi eq, %arg1, %eq3A : i32
    %convert_element_type3A = arith.extui %eq3A_0 : i1 to i32
    %cond3A = arith.constant 0 : i32
    %cond3A_1 = arith.cmpi ne, %convert_element_type3A, %cond3A : i32
    scf.if %cond3A_1 {
      %get3A_111 = arith.constant 0 : index
      %get3A_112 = arith.constant 0 : index
      %get3A_113 = vector.load %arg3[%get3A_111, %get3A_112] : memref<1000x128xf32, #tpu.memory_space<vmem>>, vector<1000x128xf32>
      %swap3A_114 = arith.constant 0 : index
      %swap3A_115 = arith.constant 0 : index
      %swap3A_116 = vector.load %arg14[%swap3A_114, %swap3A_115] : memref<1000x128xf32, #tpu.memory_space<vmem>>, vector<1000x128xf32>
      tpu.vector_store %arg14[%swap3A_114, %swap3A_115], %get3A_113 {strides = array<i32>} : memref<1000x128xf32, #tpu.memory_space<vmem>>, vector<1000x128xf32>,
      %get3A_117 = arith.constant 0 : index
      %get3A_118 = arith.constant 0 : index
      %get3A_119 = vector.load %arg4[%get3A_117, %get3A_118] : memref<1000x128xf32, #tpu.memory_space<vmem>>, vector<1000x128xf32>
      %swap3A_120 = arith.constant 0 : index
      %swap3A_121 = arith.constant 0 : index
      %swap3A_122 = vector.load %arg15[%swap3A_120, %swap3A_121] : memref<1000x128xf32, #tpu.memory_space<vmem>>, vector<1000x128xf32>
      tpu.vector_store %arg15[%swap3A_120, %swap3A_121], %get3A_119 {strides = array<i32>} : memref<1000x128xf32, #tpu.memory_space<vmem>>, vector<1000x128xf32>,
    } else {
    }
    %get3A = arith.constant 0 : index
    %get3A_2 = arith.constant 0 : index
    %get3A_3 = vector.load %arg2[%get3A, %get3A_2] : memref<1000x128xf32, #tpu.memory_space<vmem>>, vector<1000x128xf32>
    %get3A_4 = arith.constant 0 : index
    %get3A_5 = arith.constant 0 : index
    %get3A_6 = vector.load %arg14[%get3A_4, %get3A_5] : memref<1000x128xf32, #tpu.memory_space<vmem>>, vector<1000x128xf32>
    %get3A_7 = arith.constant 0 : index
    %get3A_8 = arith.constant 0 : index
    %get3A_9 = vector.load %arg15[%get3A_7, %get3A_8] : memref<1000x128xf32, #tpu.memory_space<vmem>>, vector<1000x128xf32>
    %get3A_10 = arith.constant 0 : index
    %get3A_11 = arith.constant 0 : index
    %get3A_12 = vector.load %arg5[%get3A_10, %get3A_11] : memref<128x384xf32, #tpu.memory_space<vmem>>, vector<128x384xf32>
    %dot_general3A = arith.constant dense<0.000000e+00> : vector<1000x384xf32>
    %dot_general3A_13 = tpu.matmul %get3A_3, %get3A_12, %dot_general3A {dimension_numbers = #tpu.dot_dimension_numbers<[1], [0], [0], [1], [0, 0, 1, 1], [], []>, transpose_lhs_hint = false} : vector<1000x128xf32>, vector<128x384xf32>, vector<1000x384xf32> -> vector<1000x384xf32>
    %get3A_14 = arith.constant 0 : index
    %get3A_15 = arith.constant 0 : index
    %get3A_16 = vector.load %arg9[%get3A_14, %get3A_15] : memref<1x384xf32, #tpu.memory_space<vmem>>, vector<1x384xf32>
    %add3A = vector.broadcast %get3A_16 : vector<1x384xf32> to vector<1000x384xf32>
    %add3A_17 = arith.addf %dot_general3A_13, %add3A : vector<1000x384xf32>
    %get3A_18 = arith.constant 0 : index
    %get3A_19 = arith.constant 0 : index
    %get3A_20 = vector.load %arg6[%get3A_18, %get3A_19] : memref<128x384xf32, #tpu.memory_space<vmem>>, vector<128x384xf32>
    %dot_general3A_21 = arith.constant dense<0.000000e+00> : vector<1000x384xf32>
    %dot_general3A_22 = tpu.matmul %get3A_6, %get3A_20, %dot_general3A_21 {dimension_numbers = #tpu.dot_dimension_numbers<[1], [0], [0], [1], [0, 0, 1, 1], [], []>, transpose_lhs_hint = false} : vector<1000x128xf32>, vector<128x384xf32>, vector<1000x384xf32> -> vector<1000x384xf32>
    %get3A_23 = arith.constant 0 : index
    %get3A_24 = arith.constant 0 : index
    %get3A_25 = vector.load %arg10[%get3A_23, %get3A_24] : memref<1x384xf32, #tpu.memory_space<vmem>>, vector<1x384xf32>
    %add3A_26 = vector.broadcast %get3A_25 : vector<1x384xf32> to vector<1000x384xf32>
    %add3A_27 = arith.addf %dot_general3A_22, %add3A_26 : vector<1000x384xf32>
    %slice3A = vector.extract_strided_slice %add3A_17 {offsets = [0, 0], sizes = [1000, 128], strides = [1, 1]} : vector<1000x384xf32> to vector<1000x128xf32>
    %slice3A_28 = vector.extract_strided_slice %add3A_17 {offsets = [0, 128], sizes = [1000, 128], strides = [1, 1]} : vector<1000x384xf32> to vector<1000x128xf32>
    %slice3A_29 = vector.extract_strided_slice %add3A_17 {offsets = [0, 256], sizes = [1000, 128], strides = [1, 1]} : vector<1000x384xf32> to vector<1000x128xf32>
    %slice3A_30 = vector.extract_strided_slice %add3A_27 {offsets = [0, 0], sizes = [1000, 128], strides = [1, 1]} : vector<1000x384xf32> to vector<1000x128xf32>
    %slice3A_31 = vector.extract_strided_slice %add3A_27 {offsets = [0, 128], sizes = [1000, 128], strides = [1, 1]} : vector<1000x384xf32> to vector<1000x128xf32>
    %slice3A_32 = vector.extract_strided_slice %add3A_27 {offsets = [0, 256], sizes = [1000, 128], strides = [1, 1]} : vector<1000x384xf32> to vector<1000x128xf32>
    %add3A_33 = arith.addf %slice3A, %slice3A_30 : vector<1000x128xf32>
    %logistic3A = arith.negf %add3A_33 : vector<1000x128xf32>
    %logistic3A_34 = math.exp %logistic3A : vector<1000x128xf32>
    %logistic3A_35 = arith.constant 1.000000e+00 : f32
    %logistic3A_36 = vector.broadcast %logistic3A_35 : f32 to vector<1000x128xf32>
    %logistic3A_37 = arith.addf %logistic3A_36, %logistic3A_34 : vector<1000x128xf32>
    %logistic3A_38 = arith.divf %logistic3A_36, %logistic3A_37 : vector<1000x128xf32>
    %add3A_39 = arith.addf %slice3A_28, %slice3A_31 : vector<1000x128xf32>
    %logistic3A_40 = arith.negf %add3A_39 : vector<1000x128xf32>
    %logistic3A_41 = math.exp %logistic3A_40 : vector<1000x128xf32>
    %logistic3A_42 = arith.constant 1.000000e+00 : f32
    %logistic3A_43 = vector.broadcast %logistic3A_42 : f32 to vector<1000x128xf32>
    %logistic3A_44 = arith.addf %logistic3A_43, %logistic3A_41 : vector<1000x128xf32>
    %logistic3A_45 = arith.divf %logistic3A_43, %logistic3A_44 : vector<1000x128xf32>
    %mul3A = arith.mulf %logistic3A_38, %slice3A_32 : vector<1000x128xf32>
    %add3A_46 = arith.addf %slice3A_29, %mul3A : vector<1000x128xf32>
    %tanh3A = math.tanh %add3A_46 : vector<1000x128xf32>
    %sub3A = arith.constant 1.000000e+00 : f32
    %sub3A_47 = vector.broadcast %sub3A : f32 to vector<1000x128xf32>
    %sub3A_48 = arith.subf %sub3A_47, %logistic3A_45 : vector<1000x128xf32>
    %mul3A_49 = arith.mulf %sub3A_48, %tanh3A : vector<1000x128xf32>
    %mul3A_50 = arith.mulf %logistic3A_45, %get3A_6 : vector<1000x128xf32>
    %add3A_51 = arith.addf %mul3A_49, %mul3A_50 : vector<1000x128xf32>
    %get3A_52 = arith.constant 0 : index
    %get3A_53 = arith.constant 0 : index
    %get3A_54 = vector.load %arg7[%get3A_52, %get3A_53] : memref<128x384xf32, #tpu.memory_space<vmem>>, vector<128x384xf32>
    %dot_general3A_55 = arith.constant dense<0.000000e+00> : vector<1000x384xf32>
    %dot_general3A_56 = tpu.matmul %add3A_51, %get3A_54, %dot_general3A_55 {dimension_numbers = #tpu.dot_dimension_numbers<[1], [0], [0], [1], [0, 0, 1, 1], [], []>, transpose_lhs_hint = false} : vector<1000x128xf32>, vector<128x384xf32>, vector<1000x384xf32> -> vector<1000x384xf32>
    %get3A_57 = arith.constant 0 : index
    %get3A_58 = arith.constant 0 : index
    %get3A_59 = vector.load %arg11[%get3A_57, %get3A_58] : memref<1x384xf32, #tpu.memory_space<vmem>>, vector<1x384xf32>
    %add3A_60 = vector.broadcast %get3A_59 : vector<1x384xf32> to vector<1000x384xf32>
    %add3A_61 = arith.addf %dot_general3A_56, %add3A_60 : vector<1000x384xf32>
    %get3A_62 = arith.constant 0 : index
    %get3A_63 = arith.constant 0 : index
    %get3A_64 = vector.load %arg8[%get3A_62, %get3A_63] : memref<128x384xf32, #tpu.memory_space<vmem>>, vector<128x384xf32>
    %dot_general3A_65 = arith.constant dense<0.000000e+00> : vector<1000x384xf32>
    %dot_general3A_66 = tpu.matmul %get3A_9, %get3A_64, %dot_general3A_65 {dimension_numbers = #tpu.dot_dimension_numbers<[1], [0], [0], [1], [0, 0, 1, 1], [], []>, transpose_lhs_hint = false} : vector<1000x128xf32>, vector<128x384xf32>, vector<1000x384xf32> -> vector<1000x384xf32>
    %get3A_67 = arith.constant 0 : index
    %get3A_68 = arith.constant 0 : index
    %get3A_69 = vector.load %arg12[%get3A_67, %get3A_68] : memref<1x384xf32, #tpu.memory_space<vmem>>, vector<1x384xf32>
    %add3A_70 = vector.broadcast %get3A_69 : vector<1x384xf32> to vector<1000x384xf32>
    %add3A_71 = arith.addf %dot_general3A_66, %add3A_70 : vector<1000x384xf32>
    %slice3A_72 = vector.extract_strided_slice %add3A_61 {offsets = [0, 0], sizes = [1000, 128], strides = [1, 1]} : vector<1000x384xf32> to vector<1000x128xf32>
    %slice3A_73 = vector.extract_strided_slice %add3A_61 {offsets = [0, 128], sizes = [1000, 128], strides = [1, 1]} : vector<1000x384xf32> to vector<1000x128xf32>
    %slice3A_74 = vector.extract_strided_slice %add3A_61 {offsets = [0, 256], sizes = [1000, 128], strides = [1, 1]} : vector<1000x384xf32> to vector<1000x128xf32>
    %slice3A_75 = vector.extract_strided_slice %add3A_71 {offsets = [0, 0], sizes = [1000, 128], strides = [1, 1]} : vector<1000x384xf32> to vector<1000x128xf32>
    %slice3A_76 = vector.extract_strided_slice %add3A_71 {offsets = [0, 128], sizes = [1000, 128], strides = [1, 1]} : vector<1000x384xf32> to vector<1000x128xf32>
    %slice3A_77 = vector.extract_strided_slice %add3A_71 {offsets = [0, 256], sizes = [1000, 128], strides = [1, 1]} : vector<1000x384xf32> to vector<1000x128xf32>
    %add3A_78 = arith.addf %slice3A_72, %slice3A_75 : vector<1000x128xf32>
    %logistic3A_79 = arith.negf %add3A_78 : vector<1000x128xf32>
    %logistic3A_80 = math.exp %logistic3A_79 : vector<1000x128xf32>
    %logistic3A_81 = arith.constant 1.000000e+00 : f32
    %logistic3A_82 = vector.broadcast %logistic3A_81 : f32 to vector<1000x128xf32>
    %logistic3A_83 = arith.addf %logistic3A_82, %logistic3A_80 : vector<1000x128xf32>
    %logistic3A_84 = arith.divf %logistic3A_82, %logistic3A_83 : vector<1000x128xf32>
    %add3A_85 = arith.addf %slice3A_73, %slice3A_76 : vector<1000x128xf32>
    %logistic3A_86 = arith.negf %add3A_85 : vector<1000x128xf32>
    %logistic3A_87 = math.exp %logistic3A_86 : vector<1000x128xf32>
    %logistic3A_88 = arith.constant 1.000000e+00 : f32
    %logistic3A_89 = vector.broadcast %logistic3A_88 : f32 to vector<1000x128xf32>
    %logistic3A_90 = arith.addf %logistic3A_89, %logistic3A_87 : vector<1000x128xf32>
    %logistic3A_91 = arith.divf %logistic3A_89, %logistic3A_90 : vector<1000x128xf32>
    %mul3A_92 = arith.mulf %logistic3A_84, %slice3A_77 : vector<1000x128xf32>
    %add3A_93 = arith.addf %slice3A_74, %mul3A_92 : vector<1000x128xf32>
    %tanh3A_94 = math.tanh %add3A_93 : vector<1000x128xf32>
    %sub3A_95 = arith.constant 1.000000e+00 : f32
    %sub3A_96 = vector.broadcast %sub3A_95 : f32 to vector<1000x128xf32>
    %sub3A_97 = arith.subf %sub3A_96, %logistic3A_91 : vector<1000x128xf32>
    %mul3A_98 = arith.mulf %sub3A_97, %tanh3A_94 : vector<1000x128xf32>
    %mul3A_99 = arith.mulf %logistic3A_91, %get3A_9 : vector<1000x128xf32>
    %add3A_100 = arith.addf %mul3A_98, %mul3A_99 : vector<1000x128xf32>
    %swap3A = arith.constant 0 : index
    %swap3A_101 = arith.constant 0 : index
    %swap3A_102 = vector.load %arg14[%swap3A, %swap3A_101] : memref<1000x128xf32, #tpu.memory_space<vmem>>, vector<1000x128xf32>
    tpu.vector_store %arg14[%swap3A, %swap3A_101], %add3A_51 {strides = array<i32>} : memref<1000x128xf32, #tpu.memory_space<vmem>>, vector<1000x128xf32>,
    %swap3A_103 = arith.constant 0 : index
    %swap3A_104 = arith.constant 0 : index
    %swap3A_105 = vector.load %arg15[%swap3A_103, %swap3A_104] : memref<1000x128xf32, #tpu.memory_space<vmem>>, vector<1000x128xf32>
    tpu.vector_store %arg15[%swap3A_103, %swap3A_104], %add3A_100 {strides = array<i32>} : memref<1000x128xf32, #tpu.memory_space<vmem>>, vector<1000x128xf32>,
    %eq3A_106 = arith.constant 19 : i32
    %eq3A_107 = arith.cmpi eq, %arg1, %eq3A_106 : i32
    %convert_element_type3A_108 = arith.extui %eq3A_107 : i1 to i32
    %cond3A_109 = arith.constant 0 : i32
    %cond3A_110 = arith.cmpi ne, %convert_element_type3A_108, %cond3A_109 : i32
    scf.if %cond3A_110 {
      %swap3A_111 = arith.constant 0 : index
      %swap3A_112 = arith.constant 0 : index
      %swap3A_113 = vector.load %arg13[%swap3A_111, %swap3A_112] : memref<1000x128xf32, #tpu.memory_space<vmem>>, vector<1000x128xf32>
      tpu.vector_store %arg13[%swap3A_111, %swap3A_112], %add3A_100 {strides = array<i32>} : memref<1000x128xf32, #tpu.memory_space<vmem>>, vector<1000x128xf32>,
    } else {
    }
    return
  }
  func.func @transform_0(%arg0: i32, %arg1: i32) -> (i32, i32) {
    %mul3A = arith.constant 10 : i32
    %mul3A_0 = arith.muli %arg1, %mul3A : i32
    %add3A = arith.addi %mul3A_0, %arg0 : i32
    %c0_i32 = arith.constant 0 : i32
    %c0_i32_1 = arith.constant 0 : i32
    return %add3A, %c0_i32 : i32, i32
  }
  func.func @transform_1(%arg0: i32, %arg1: i32) -> (i32, i32) {
    %c0_i32 = arith.constant 0 : i32
    %c0_i32_0 = arith.constant 0 : i32
    return %arg0, %c0_i32 : i32, i32
  }
  func.func @transform_2(%arg0: i32, %arg1: i32) -> (i32, i32) {
    %c0_i32 = arith.constant 0 : i32
    %c0_i32_0 = arith.constant 0 : i32
    return %arg0, %c0_i32 : i32, i32
  }
  func.func @transform_3(%arg0: i32, %arg1: i32) -> (i32, i32) {
    %c0_i32 = arith.constant 0 : i32
    %c0_i32_0 = arith.constant 0 : i32
    %c0_i32_1 = arith.constant 0 : i32
    return %c0_i32, %c0_i32_0 : i32, i32
  }
  func.func @transform_4(%arg0: i32, %arg1: i32) -> (i32, i32) {
    %c0_i32 = arith.constant 0 : i32
    %c0_i32_0 = arith.constant 0 : i32
    %c0_i32_1 = arith.constant 0 : i32
    return %c0_i32, %c0_i32_0 : i32, i32
  }
  func.func @transform_5(%arg0: i32, %arg1: i32) -> (i32, i32) {
    %c0_i32 = arith.constant 0 : i32
    %c0_i32_0 = arith.constant 0 : i32
    %c0_i32_1 = arith.constant 0 : i32
    return %c0_i32, %c0_i32_0 : i32, i32
  }
  func.func @transform_6(%arg0: i32, %arg1: i32) -> (i32, i32) {
    %c0_i32 = arith.constant 0 : i32
    %c0_i32_0 = arith.constant 0 : i32
    %c0_i32_1 = arith.constant 0 : i32
    return %c0_i32, %c0_i32_0 : i32, i32
  }
  func.func @transform_7(%arg0: i32, %arg1: i32) -> (i32, i32) {
    %c0_i32 = arith.constant 0 : i32
    %c0_i32_0 = arith.constant 0 : i32
    %c0_i32_1 = arith.constant 0 : i32
    return %c0_i32, %c0_i32_0 : i32, i32
  }
  func.func @transform_8(%arg0: i32, %arg1: i32) -> (i32, i32) {
    %c0_i32 = arith.constant 0 : i32
    %c0_i32_0 = arith.constant 0 : i32
    %c0_i32_1 = arith.constant 0 : i32
    return %c0_i32, %c0_i32_0 : i32, i32
  }
  func.func @transform_9(%arg0: i32, %arg1: i32) -> (i32, i32) {
    %c0_i32 = arith.constant 0 : i32
    %c0_i32_0 = arith.constant 0 : i32
    %c0_i32_1 = arith.constant 0 : i32
    return %c0_i32, %c0_i32_0 : i32, i32
  }
  func.func @transform_10(%arg0: i32, %arg1: i32) -> (i32, i32) {
    %c0_i32 = arith.constant 0 : i32
    %c0_i32_0 = arith.constant 0 : i32
    %c0_i32_1 = arith.constant 0 : i32
    return %c0_i32, %c0_i32_0 : i32, i32
  }
  func.func @transform_11(%arg0: i32, %arg1: i32) -> (i32, i32) {
    %c0_i32 = arith.constant 0 : i32
    %c0_i32_0 = arith.constant 0 : i32
    return %arg0, %c0_i32 : i32, i32
  }
}

module attributes {stable_mosaic.version = 14 : i64} {
  func.func @_scale_body(%arg0: i32, %arg1: memref<1000x128xf32, #tpu.memory_space<vmem>>, %arg2: memref<2x1000x16xf32, #tpu.memory_space<vmem>>, %arg3: memref<128x128xf32, #tpu.memory_space<vmem>>, %arg4: memref<1000x128xf32, #tpu.memory_space<vmem>>) attributes {dimension_semantics = [#tpu.dimension_semantics<arbitrary>], iteration_bounds = array<i64: 10>, scalar_prefetch = 0 : i64, scratch_operands = 0 : i64, tpu.core_type = #tpu.core_type<tc>, window_params = [{transform_indices = @transform_0, window_bounds = array<i64: 1000, 128>}, {transform_indices = @transform_1, window_bounds = array<i64: 2, 1000, 16>}, {pipeline_mode = #tpu.pipeline_mode<synchronous>, transform_indices = @transform_2, window_bounds = array<i64: 128, 128>}, {transform_indices = @transform_3, window_bounds = array<i64: 1000, 128>}]} {
    %get3A = arith.constant 0 : index
    %get3A_0 = arith.constant 0 : index
    %get3A_1 = arith.constant 0 : index
    %get3A_2 = vector.load %arg2[%get3A, %get3A_0, %get3A_1] : memref<2x1000x16xf32, #tpu.memory_space<vmem>>, vector<1x1000x16xf32>
    %get3A_3 = vector.shape_cast %get3A_2 : vector<1x1000x16xf32> to vector<1000x16xf32>
    %get3A_4 = arith.constant 1 : index
    %get3A_5 = arith.constant 0 : index
    %get3A_6 = arith.constant 0 : index
    %get3A_7 = vector.load %arg2[%get3A_4, %get3A_5, %get3A_6] : memref<2x1000x16xf32, #tpu.memory_space<vmem>>, vector<1x1000x16xf32>
    %get3A_8 = vector.shape_cast %get3A_7 : vector<1x1000x16xf32> to vector<1000x16xf32>
    %add3A = arith.addf %get3A_3, %get3A_8 : vector<1000x16xf32>
    %add3A_9 = arith.constant 1.000000e+00 : f32
    %add3A_10 = vector.broadcast %add3A_9 : f32 to vector<1000x16xf32>
    %add3A_11 = arith.addf %add3A, %add3A_10 : vector<1000x16xf32>
    %slice3A = vector.extract_strided_slice %add3A_11 {offsets = [0, 0], sizes = [1000, 1], strides = [1, 1]} : vector<1000x16xf32> to vector<1000x1xf32>
    %rsqrt3A = math.rsqrt %slice3A : vector<1000x1xf32>
    %get3A_12 = arith.constant 0 : index
    %get3A_13 = arith.constant 0 : index
    %get3A_14 = vector.load %arg1[%get3A_12, %get3A_13] : memref<1000x128xf32, #tpu.memory_space<vmem>>, vector<1000x128xf32>
    %get3A_15 = arith.constant 0 : index
    %get3A_16 = arith.constant 0 : index
    %get3A_17 = vector.load %arg3[%get3A_15, %get3A_16] : memref<128x128xf32, #tpu.memory_space<vmem>>, vector<128x128xf32>
    %dot_general3A = arith.constant dense<0.000000e+00> : vector<1000x128xf32>
    %dot_general3A_18 = tpu.matmul %get3A_14, %get3A_17, %dot_general3A {dimension_numbers = #tpu.dot_dimension_numbers<[1], [0], [0], [1], [0, 0, 1, 1], [], []>, transpose_lhs_hint = false} : vector<1000x128xf32>, vector<128x128xf32>, vector<1000x128xf32> -> vector<1000x128xf32>
    %mul3A = vector.broadcast %rsqrt3A : vector<1000x1xf32> to vector<1000x128xf32>
    %mul3A_19 = arith.mulf %dot_general3A_18, %mul3A : vector<1000x128xf32>
    %swap3A = arith.constant 0 : index
    %swap3A_20 = arith.constant 0 : index
    %swap3A_21 = vector.load %arg4[%swap3A, %swap3A_20] : memref<1000x128xf32, #tpu.memory_space<vmem>>, vector<1000x128xf32>
    tpu.vector_store %arg4[%swap3A, %swap3A_20], %mul3A_19 {strides = array<i32>} : memref<1000x128xf32, #tpu.memory_space<vmem>>, vector<1000x128xf32>,
    return
  }
  func.func @transform_0(%arg0: i32) -> (i32, i32) {
    %c0_i32 = arith.constant 0 : i32
    %c0_i32_0 = arith.constant 0 : i32
    return %arg0, %c0_i32 : i32, i32
  }
  func.func @transform_1(%arg0: i32) -> (i32, i32, i32) {
    %c0_i32 = arith.constant 0 : i32
    %c0_i32_0 = arith.constant 0 : i32
    %c0_i32_1 = arith.constant 0 : i32
    return %c0_i32, %arg0, %c0_i32_0 : i32, i32, i32
  }
  func.func @transform_2(%arg0: i32) -> (i32, i32) {
    %c0_i32 = arith.constant 0 : i32
    %c0_i32_0 = arith.constant 0 : i32
    %c0_i32_1 = arith.constant 0 : i32
    return %c0_i32, %c0_i32_0 : i32, i32
  }
  func.func @transform_3(%arg0: i32) -> (i32, i32) {
    %c0_i32 = arith.constant 0 : i32
    %c0_i32_0 = arith.constant 0 : i32
    return %arg0, %c0_i32 : i32, i32
  }
}

module attributes {stable_mosaic.version = 14 : i64} {
  func.func @_combine1_body(%arg0: i32, %arg1: memref<1000x128xf32, #tpu.memory_space<vmem>>, %arg2: memref<2x1000x128xf32, #tpu.memory_space<vmem>>, %arg3: memref<2x1000x16xf32, #tpu.memory_space<vmem>>, %arg4: memref<128x128xf32, #tpu.memory_space<vmem>>, %arg5: memref<1x1x1000xi32, #tpu.memory_space<vmem>>, %arg6: memref<1x128xf32, #tpu.memory_space<vmem>>, %arg7: memref<256x128xf32, #tpu.memory_space<vmem>>, %arg8: memref<1000x128xf32, #tpu.memory_space<vmem>>) attributes {dimension_semantics = [#tpu.dimension_semantics<arbitrary>], iteration_bounds = array<i64: 10>, scalar_prefetch = 0 : i64, scratch_operands = 0 : i64, tpu.core_type = #tpu.core_type<tc>, window_params = [{transform_indices = @transform_0, window_bounds = array<i64: 1000, 128>}, {transform_indices = @transform_1, window_bounds = array<i64: 2, 1000, 128>}, {transform_indices = @transform_2, window_bounds = array<i64: 2, 1000, 16>}, {transform_indices = @transform_3, window_bounds = array<i64: 128, 128>}, {transform_indices = @transform_4, window_bounds = array<i64: 1, 1, 1000>}, {pipeline_mode = #tpu.pipeline_mode<synchronous>, transform_indices = @transform_5, window_bounds = array<i64: 1, 128>}, {pipeline_mode = #tpu.pipeline_mode<synchronous>, transform_indices = @transform_6, window_bounds = array<i64: 256, 128>}, {transform_indices = @transform_7, window_bounds = array<i64: 1000, 128>}]} {
    %get3A = arith.constant 0 : index
    %get3A_0 = arith.constant 0 : index
    %get3A_1 = arith.constant 0 : index
    %get3A_2 = vector.load %arg3[%get3A, %get3A_0, %get3A_1] : memref<2x1000x16xf32, #tpu.memory_space<vmem>>, vector<1x1000x16xf32>
    %get3A_3 = vector.shape_cast %get3A_2 : vector<1x1000x16xf32> to vector<1000x16xf32>
    %get3A_4 = arith.constant 1 : index
    %get3A_5 = arith.constant 0 : index
    %get3A_6 = arith.constant 0 : index
    %get3A_7 = vector.load %arg3[%get3A_4, %get3A_5, %get3A_6] : memref<2x1000x16xf32, #tpu.memory_space<vmem>>, vector<1x1000x16xf32>
    %get3A_8 = vector.shape_cast %get3A_7 : vector<1x1000x16xf32> to vector<1000x16xf32>
    %add3A = arith.addf %get3A_3, %get3A_8 : vector<1000x16xf32>
    %add3A_9 = arith.constant 1.000000e+00 : f32
    %add3A_10 = vector.broadcast %add3A_9 : f32 to vector<1000x16xf32>
    %add3A_11 = arith.addf %add3A, %add3A_10 : vector<1000x16xf32>
    %slice3A = vector.extract_strided_slice %add3A_11 {offsets = [0, 0], sizes = [1000, 1], strides = [1, 1]} : vector<1000x16xf32> to vector<1000x1xf32>
    %rsqrt3A = math.rsqrt %slice3A : vector<1000x1xf32>
    %get3A_12 = arith.constant 0 : index
    %get3A_13 = arith.constant 0 : index
    %get3A_14 = vector.load %arg1[%get3A_12, %get3A_13] : memref<1000x128xf32, #tpu.memory_space<vmem>>, vector<1000x128xf32>
    %get3A_15 = arith.constant 0 : index
    %get3A_16 = arith.constant 0 : index
    %get3A_17 = arith.constant 0 : index
    %get3A_18 = vector.load %arg2[%get3A_15, %get3A_16, %get3A_17] : memref<2x1000x128xf32, #tpu.memory_space<vmem>>, vector<1x1000x128xf32>
    %get3A_19 = vector.shape_cast %get3A_18 : vector<1x1000x128xf32> to vector<1000x128xf32>
    %add3A_20 = arith.addf %get3A_14, %get3A_19 : vector<1000x128xf32>
    %get3A_21 = arith.constant 1 : index
    %get3A_22 = arith.constant 0 : index
    %get3A_23 = arith.constant 0 : index
    %get3A_24 = vector.load %arg2[%get3A_21, %get3A_22, %get3A_23] : memref<2x1000x128xf32, #tpu.memory_space<vmem>>, vector<1x1000x128xf32>
    %get3A_25 = vector.shape_cast %get3A_24 : vector<1x1000x128xf32> to vector<1000x128xf32>
    %add3A_26 = arith.addf %add3A_20, %get3A_25 : vector<1000x128xf32>
    %mul3A = vector.broadcast %rsqrt3A : vector<1000x1xf32> to vector<1000x128xf32>
    %mul3A_27 = arith.mulf %add3A_26, %mul3A : vector<1000x128xf32>
    %get3A_28 = arith.constant 0 : index
    %get3A_29 = arith.constant 0 : index
    %get3A_30 = vector.load %arg6[%get3A_28, %get3A_29] : memref<1x128xf32, #tpu.memory_space<vmem>>, vector<1x128xf32>
    %add3A_31 = vector.broadcast %get3A_30 : vector<1x128xf32> to vector<1000x128xf32>
    %add3A_32 = arith.addf %mul3A_27, %add3A_31 : vector<1000x128xf32>
    %get3A_33 = arith.constant 0 : index
    %get3A_34 = arith.constant 0 : index
    %get3A_35 = arith.constant 0 : index
    %get3A_36 = vector.load %arg5[%get3A_33, %get3A_34, %get3A_35] : memref<1x1x1000xi32, #tpu.memory_space<vmem>>, vector<1x1x1000xi32>
    %get3A_37 = vector.shape_cast %get3A_36 : vector<1x1x1000xi32> to vector<1000xi32>
    %broadcast_in_dim3A = vector.shape_cast %get3A_37 : vector<1000xi32> to vector<1000x1xi32>
    %iota3A = tpu.iota {dimensions = array<i32: 1>} : vector<1000x128xi32>
    %eq3A = vector.broadcast %broadcast_in_dim3A : vector<1000x1xi32> to vector<1000x128xi32>
    %eq3A_38 = arith.cmpi eq, %eq3A, %iota3A : vector<1000x128xi32>
    %convert_element_type3A = arith.extui %eq3A_38 : vector<1000x128xi1> to vector<1000x128xi32>
    %convert_element_type3A_39 = arith.sitofp %convert_element_type3A : vector<1000x128xi32> to vector<1000x128xf32>
    %get3A_40 = arith.constant 0 : index
    %get3A_41 = arith.constant 0 : index
    %get3A_42 = vector.load %arg4[%get3A_40, %get3A_41] : memref<128x128xf32, #tpu.memory_space<vmem>>, vector<128x128xf32>
    %dot_general3A = arith.constant dense<0.000000e+00> : vector<1000x128xf32>
    %dot_general3A_43 = tpu.matmul %convert_element_type3A_39, %get3A_42, %dot_general3A {dimension_numbers = #tpu.dot_dimension_numbers<[1], [0], [0], [1], [0, 0, 1, 1], [], []>, transpose_lhs_hint = false} : vector<1000x128xf32>, vector<128x128xf32>, vector<1000x128xf32> -> vector<1000x128xf32>
    %concatenate3A = tpu.concatenate %add3A_32, %dot_general3A_43 in 1 : vector<1000x128xf32>, vector<1000x128xf32> -> vector<1000x256xf32>
    %gt3A = arith.constant 0.000000e+00 : f32
    %gt3A_44 = vector.broadcast %gt3A : f32 to vector<1000x256xf32>
    %gt3A_45 = arith.cmpf ogt, %concatenate3A, %gt3A_44 : vector<1000x256xf32>
    %exp3A = math.exp %concatenate3A : vector<1000x256xf32>
    %sub3A = arith.constant 1.000000e+00 : f32
    %sub3A_46 = vector.broadcast %sub3A : f32 to vector<1000x256xf32>
    %sub3A_47 = arith.subf %exp3A, %sub3A_46 : vector<1000x256xf32>
    %select_n3A = arith.select %gt3A_45, %concatenate3A, %sub3A_47 : vector<1000x256xi1>, vector<1000x256xf32>
    %get3A_48 = arith.constant 0 : index
    %get3A_49 = arith.constant 0 : index
    %get3A_50 = vector.load %arg7[%get3A_48, %get3A_49] : memref<256x128xf32, #tpu.memory_space<vmem>>, vector<256x128xf32>
    %dot_general3A_51 = arith.constant dense<0.000000e+00> : vector<1000x128xf32>
    %dot_general3A_52 = tpu.matmul %select_n3A, %get3A_50, %dot_general3A_51 {dimension_numbers = #tpu.dot_dimension_numbers<[1], [0], [0], [1], [0, 0, 1, 1], [], []>, transpose_lhs_hint = false} : vector<1000x256xf32>, vector<256x128xf32>, vector<1000x128xf32> -> vector<1000x128xf32>
    %mul3A_53 = vector.broadcast %rsqrt3A : vector<1000x1xf32> to vector<1000x128xf32>
    %mul3A_54 = arith.mulf %dot_general3A_52, %mul3A_53 : vector<1000x128xf32>
    %swap3A = arith.constant 0 : index
    %swap3A_55 = arith.constant 0 : index
    %swap3A_56 = vector.load %arg8[%swap3A, %swap3A_55] : memref<1000x128xf32, #tpu.memory_space<vmem>>, vector<1000x128xf32>
    tpu.vector_store %arg8[%swap3A, %swap3A_55], %mul3A_54 {strides = array<i32>} : memref<1000x128xf32, #tpu.memory_space<vmem>>, vector<1000x128xf32>,
    return
  }
  func.func @transform_0(%arg0: i32) -> (i32, i32) {
    %c0_i32 = arith.constant 0 : i32
    %c0_i32_0 = arith.constant 0 : i32
    return %arg0, %c0_i32 : i32, i32
  }
  func.func @transform_1(%arg0: i32) -> (i32, i32, i32) {
    %c0_i32 = arith.constant 0 : i32
    %c0_i32_0 = arith.constant 0 : i32
    %c0_i32_1 = arith.constant 0 : i32
    return %c0_i32, %arg0, %c0_i32_0 : i32, i32, i32
  }
  func.func @transform_2(%arg0: i32) -> (i32, i32, i32) {
    %c0_i32 = arith.constant 0 : i32
    %c0_i32_0 = arith.constant 0 : i32
    %c0_i32_1 = arith.constant 0 : i32
    return %c0_i32, %arg0, %c0_i32_0 : i32, i32, i32
  }
  func.func @transform_3(%arg0: i32) -> (i32, i32) {
    %c0_i32 = arith.constant 0 : i32
    %c0_i32_0 = arith.constant 0 : i32
    %c0_i32_1 = arith.constant 0 : i32
    return %c0_i32, %c0_i32_0 : i32, i32
  }
  func.func @transform_4(%arg0: i32) -> (i32, i32, i32) {
    %c0_i32 = arith.constant 0 : i32
    %c0_i32_0 = arith.constant 0 : i32
    %c0_i32_1 = arith.constant 0 : i32
    return %arg0, %c0_i32, %c0_i32_0 : i32, i32, i32
  }
  func.func @transform_5(%arg0: i32) -> (i32, i32) {
    %c0_i32 = arith.constant 0 : i32
    %c0_i32_0 = arith.constant 0 : i32
    %c0_i32_1 = arith.constant 0 : i32
    return %c0_i32, %c0_i32_0 : i32, i32
  }
  func.func @transform_6(%arg0: i32) -> (i32, i32) {
    %c0_i32 = arith.constant 0 : i32
    %c0_i32_0 = arith.constant 0 : i32
    %c0_i32_1 = arith.constant 0 : i32
    return %c0_i32, %c0_i32_0 : i32, i32
  }
  func.func @transform_7(%arg0: i32) -> (i32, i32) {
    %c0_i32 = arith.constant 0 : i32
    %c0_i32_0 = arith.constant 0 : i32
    return %arg0, %c0_i32 : i32, i32
  }
}

module attributes {stable_mosaic.version = 14 : i64} {
  func.func @_pool_body(%arg0: i32, %arg1: memref<1000x128xf32, #tpu.memory_space<vmem>>, %arg2: memref<2x1000x128xf32, #tpu.memory_space<vmem>>, %arg3: memref<2x1000x16xf32, #tpu.memory_space<vmem>>, %arg4: memref<1x1x1000xi32, #tpu.memory_space<vmem>>, %arg5: memref<1x128xf32, #tpu.memory_space<vmem>>, %arg6: memref<128x100xf32, #tpu.memory_space<vmem>>, %arg7: memref<128x128xf32, #tpu.memory_space<vmem>>, %arg8: memref<128x128xf32, #tpu.memory_space<vmem>>) attributes {dimension_semantics = [#tpu.dimension_semantics<arbitrary>], iteration_bounds = array<i64: 10>, scalar_prefetch = 0 : i64, scratch_operands = 2 : i64, tpu.core_type = #tpu.core_type<tc>, window_params = [{transform_indices = @transform_0, window_bounds = array<i64: 1000, 128>}, {transform_indices = @transform_1, window_bounds = array<i64: 2, 1000, 128>}, {transform_indices = @transform_2, window_bounds = array<i64: 2, 1000, 16>}, {transform_indices = @transform_3, window_bounds = array<i64: 1, 1, 1000>}, {pipeline_mode = #tpu.pipeline_mode<synchronous>, transform_indices = @transform_4, window_bounds = array<i64: 1, 128>}, {pipeline_mode = #tpu.pipeline_mode<synchronous>, transform_indices = @transform_5, window_bounds = array<i64: 128, 100>}]} {
    %get3A = arith.constant 0 : index
    %get3A_0 = arith.constant 0 : index
    %get3A_1 = arith.constant 0 : index
    %get3A_2 = vector.load %arg3[%get3A, %get3A_0, %get3A_1] : memref<2x1000x16xf32, #tpu.memory_space<vmem>>, vector<1x1000x16xf32>
    %get3A_3 = vector.shape_cast %get3A_2 : vector<1x1000x16xf32> to vector<1000x16xf32>
    %get3A_4 = arith.constant 1 : index
    %get3A_5 = arith.constant 0 : index
    %get3A_6 = arith.constant 0 : index
    %get3A_7 = vector.load %arg3[%get3A_4, %get3A_5, %get3A_6] : memref<2x1000x16xf32, #tpu.memory_space<vmem>>, vector<1x1000x16xf32>
    %get3A_8 = vector.shape_cast %get3A_7 : vector<1x1000x16xf32> to vector<1000x16xf32>
    %add3A = arith.addf %get3A_3, %get3A_8 : vector<1000x16xf32>
    %add3A_9 = arith.constant 1.000000e+00 : f32
    %add3A_10 = vector.broadcast %add3A_9 : f32 to vector<1000x16xf32>
    %add3A_11 = arith.addf %add3A, %add3A_10 : vector<1000x16xf32>
    %slice3A = vector.extract_strided_slice %add3A_11 {offsets = [0, 0], sizes = [1000, 1], strides = [1, 1]} : vector<1000x16xf32> to vector<1000x1xf32>
    %rsqrt3A = math.rsqrt %slice3A : vector<1000x1xf32>
    %get3A_12 = arith.constant 0 : index
    %get3A_13 = arith.constant 0 : index
    %get3A_14 = vector.load %arg1[%get3A_12, %get3A_13] : memref<1000x128xf32, #tpu.memory_space<vmem>>, vector<1000x128xf32>
    %get3A_15 = arith.constant 0 : index
    %get3A_16 = arith.constant 0 : index
    %get3A_17 = arith.constant 0 : index
    %get3A_18 = vector.load %arg2[%get3A_15, %get3A_16, %get3A_17] : memref<2x1000x128xf32, #tpu.memory_space<vmem>>, vector<1x1000x128xf32>
    %get3A_19 = vector.shape_cast %get3A_18 : vector<1x1000x128xf32> to vector<1000x128xf32>
    %add3A_20 = arith.addf %get3A_14, %get3A_19 : vector<1000x128xf32>
    %get3A_21 = arith.constant 1 : index
    %get3A_22 = arith.constant 0 : index
    %get3A_23 = arith.constant 0 : index
    %get3A_24 = vector.load %arg2[%get3A_21, %get3A_22, %get3A_23] : memref<2x1000x128xf32, #tpu.memory_space<vmem>>, vector<1x1000x128xf32>
    %get3A_25 = vector.shape_cast %get3A_24 : vector<1x1000x128xf32> to vector<1000x128xf32>
    %add3A_26 = arith.addf %add3A_20, %get3A_25 : vector<1000x128xf32>
    %mul3A = vector.broadcast %rsqrt3A : vector<1000x1xf32> to vector<1000x128xf32>
    %mul3A_27 = arith.mulf %add3A_26, %mul3A : vector<1000x128xf32>
    %get3A_28 = arith.constant 0 : index
    %get3A_29 = arith.constant 0 : index
    %get3A_30 = vector.load %arg5[%get3A_28, %get3A_29] : memref<1x128xf32, #tpu.memory_space<vmem>>, vector<1x128xf32>
    %add3A_31 = vector.broadcast %get3A_30 : vector<1x128xf32> to vector<1000x128xf32>
    %add3A_32 = arith.addf %mul3A_27, %add3A_31 : vector<1000x128xf32>
    %gt3A = arith.constant 0.000000e+00 : f32
    %gt3A_33 = vector.broadcast %gt3A : f32 to vector<1000x128xf32>
    %gt3A_34 = arith.cmpf ogt, %add3A_32, %gt3A_33 : vector<1000x128xf32>
    %exp3A = math.exp %add3A_32 : vector<1000x128xf32>
    %sub3A = arith.constant 1.000000e+00 : f32
    %sub3A_35 = vector.broadcast %sub3A : f32 to vector<1000x128xf32>
    %sub3A_36 = arith.subf %exp3A, %sub3A_35 : vector<1000x128xf32>
    %select_n3A = arith.select %gt3A_34, %add3A_32, %sub3A_36 : vector<1000x128xi1>, vector<1000x128xf32>
    %get3A_37 = arith.constant 0 : index
    %get3A_38 = arith.constant 0 : index
    %get3A_39 = arith.constant 0 : index
    %get3A_40 = vector.load %arg4[%get3A_37, %get3A_38, %get3A_39] : memref<1x1x1000xi32, #tpu.memory_space<vmem>>, vector<1x1x1000xi32>
    %get3A_41 = vector.shape_cast %get3A_40 : vector<1x1x1000xi32> to vector<1000xi32>
    %broadcast_in_dim3A = vector.shape_cast %get3A_41 : vector<1000xi32> to vector<1000x1xi32>
    %iota3A = tpu.iota {dimensions = array<i32: 1>} : vector<1000x128xi32>
    %eq3A = vector.broadcast %broadcast_in_dim3A : vector<1000x1xi32> to vector<1000x128xi32>
    %eq3A_42 = arith.cmpi eq, %eq3A, %iota3A : vector<1000x128xi32>
    %convert_element_type3A = arith.extui %eq3A_42 : vector<1000x128xi1> to vector<1000x128xi32>
    %convert_element_type3A_43 = arith.sitofp %convert_element_type3A : vector<1000x128xi32> to vector<1000x128xf32>
    %dot_general3A = arith.constant dense<0.000000e+00> : vector<128x128xf32>
    %dot_general3A_44 = tpu.matmul %convert_element_type3A_43, %select_n3A, %dot_general3A {dimension_numbers = #tpu.dot_dimension_numbers<[0], [0], [1], [1], [0, 1, 1, 1], [], []>, transpose_lhs_hint = false} : vector<1000x128xf32>, vector<1000x128xf32>, vector<128x128xf32> -> vector<128x128xf32>
    %broadcast_in_dim3A_45 = arith.constant 1.000000e+00 : f32
    %broadcast_in_dim3A_46 = vector.broadcast %broadcast_in_dim3A_45 : f32 to vector<1000x128xf32>
    %dot_general3A_47 = arith.constant dense<0.000000e+00> : vector<128x128xf32>
    %dot_general3A_48 = tpu.matmul %convert_element_type3A_43, %broadcast_in_dim3A_46, %dot_general3A_47 {dimension_numbers = #tpu.dot_dimension_numbers<[0], [0], [1], [1], [0, 1, 1, 1], [], []>, transpose_lhs_hint = false} : vector<1000x128xf32>, vector<1000x128xf32>, vector<128x128xf32> -> vector<128x128xf32>
    %eq3A_49 = arith.constant 0 : i32
    %eq3A_50 = arith.cmpi eq, %arg0, %eq3A_49 : i32
    %convert_element_type3A_51 = arith.extui %eq3A_50 : i1 to i32
    %cond3A = arith.constant 0 : i32
    %cond3A_52 = arith.cmpi ne, %convert_element_type3A_51, %cond3A : i32
    scf.if %cond3A_52 {
      %broadcast_in_dim3A_71 = arith.constant 0.000000e+00 : f32
      %broadcast_in_dim3A_72 = vector.broadcast %broadcast_in_dim3A_71 : f32 to vector<128x128xf32>
      %swap3A_73 = arith.constant 0 : index
      %swap3A_74 = arith.constant 0 : index
      %swap3A_75 = vector.load %arg7[%swap3A_73, %swap3A_74] : memref<128x128xf32, #tpu.memory_space<vmem>>, vector<128x128xf32>
      tpu.vector_store %arg7[%swap3A_73, %swap3A_74], %broadcast_in_dim3A_72 {strides = array<i32>} : memref<128x128xf32, #tpu.memory_space<vmem>>, vector<128x128xf32>,
      %broadcast_in_dim3A_76 = arith.constant 0.000000e+00 : f32
      %broadcast_in_dim3A_77 = vector.broadcast %broadcast_in_dim3A_76 : f32 to vector<128x128xf32>
      %swap3A_78 = arith.constant 0 : index
      %swap3A_79 = arith.constant 0 : index
      %swap3A_80 = vector.load %arg8[%swap3A_78, %swap3A_79] : memref<128x128xf32, #tpu.memory_space<vmem>>, vector<128x128xf32>
      tpu.vector_store %arg8[%swap3A_78, %swap3A_79], %broadcast_in_dim3A_77 {strides = array<i32>} : memref<128x128xf32, #tpu.memory_space<vmem>>, vector<128x128xf32>,
    } else {
    }
    %get3A_53 = arith.constant 0 : index
    %get3A_54 = arith.constant 0 : index
    %get3A_55 = vector.load %arg7[%get3A_53, %get3A_54] : memref<128x128xf32, #tpu.memory_space<vmem>>, vector<128x128xf32>
    %add3A_56 = arith.addf %get3A_55, %dot_general3A_44 : vector<128x128xf32>
    %swap3A = arith.constant 0 : index
    %swap3A_57 = arith.constant 0 : index
    %swap3A_58 = vector.load %arg7[%swap3A, %swap3A_57] : memref<128x128xf32, #tpu.memory_space<vmem>>, vector<128x128xf32>
    tpu.vector_store %arg7[%swap3A, %swap3A_57], %add3A_56 {strides = array<i32>} : memref<128x128xf32, #tpu.memory_space<vmem>>, vector<128x128xf32>,
    %get3A_59 = arith.constant 0 : index
    %get3A_60 = arith.constant 0 : index
    %get3A_61 = vector.load %arg8[%get3A_59, %get3A_60] : memref<128x128xf32, #tpu.memory_space<vmem>>, vector<128x128xf32>
    %add3A_62 = arith.addf %get3A_61, %dot_general3A_48 : vector<128x128xf32>
    %swap3A_63 = arith.constant 0 : index
    %swap3A_64 = arith.constant 0 : index
    %swap3A_65 = vector.load %arg8[%swap3A_63, %swap3A_64] : memref<128x128xf32, #tpu.memory_space<vmem>>, vector<128x128xf32>
    tpu.vector_store %arg8[%swap3A_63, %swap3A_64], %add3A_62 {strides = array<i32>} : memref<128x128xf32, #tpu.memory_space<vmem>>, vector<128x128xf32>,
    %eq3A_66 = arith.constant 9 : i32
    %eq3A_67 = arith.cmpi eq, %arg0, %eq3A_66 : i32
    %convert_element_type3A_68 = arith.extui %eq3A_67 : i1 to i32
    %cond3A_69 = arith.constant 0 : i32
    %cond3A_70 = arith.cmpi ne, %convert_element_type3A_68, %cond3A_69 : i32
    scf.if %cond3A_70 {
      %get3A_71 = arith.constant 0 : index
      %get3A_72 = arith.constant 0 : index
      %get3A_73 = vector.load %arg7[%get3A_71, %get3A_72] : memref<128x128xf32, #tpu.memory_space<vmem>>, vector<128x100xf32>
      %get3A_74 = arith.constant 0 : index
      %get3A_75 = arith.constant 0 : index
      %get3A_76 = vector.load %arg8[%get3A_74, %get3A_75] : memref<128x128xf32, #tpu.memory_space<vmem>>, vector<128x100xf32>
      %max3A = arith.constant 1.000000e+00 : f32
      %max3A_77 = vector.broadcast %max3A : f32 to vector<128x100xf32>
      %max3A_78 = arith.maximumf %get3A_76, %max3A_77 : vector<128x100xf32>
      %div3A = arith.divf %get3A_73, %max3A_78 : vector<128x100xf32>
      %swap3A_79 = arith.constant 0 : index
      %swap3A_80 = arith.constant 0 : index
      %swap3A_81 = vector.load %arg6[%swap3A_79, %swap3A_80] : memref<128x100xf32, #tpu.memory_space<vmem>>, vector<128x100xf32>
      tpu.vector_store %arg6[%swap3A_79, %swap3A_80], %div3A {strides = array<i32>} : memref<128x100xf32, #tpu.memory_space<vmem>>, vector<128x100xf32>,
    } else {
    }
    return
  }
  func.func @transform_0(%arg0: i32) -> (i32, i32) {
    %c0_i32 = arith.constant 0 : i32
    %c0_i32_0 = arith.constant 0 : i32
    return %arg0, %c0_i32 : i32, i32
  }
  func.func @transform_1(%arg0: i32) -> (i32, i32, i32) {
    %c0_i32 = arith.constant 0 : i32
    %c0_i32_0 = arith.constant 0 : i32
    %c0_i32_1 = arith.constant 0 : i32
    return %c0_i32, %arg0, %c0_i32_0 : i32, i32, i32
  }
  func.func @transform_2(%arg0: i32) -> (i32, i32, i32) {
    %c0_i32 = arith.constant 0 : i32
    %c0_i32_0 = arith.constant 0 : i32
    %c0_i32_1 = arith.constant 0 : i32
    return %c0_i32, %arg0, %c0_i32_0 : i32, i32, i32
  }
  func.func @transform_3(%arg0: i32) -> (i32, i32, i32) {
    %c0_i32 = arith.constant 0 : i32
    %c0_i32_0 = arith.constant 0 : i32
    %c0_i32_1 = arith.constant 0 : i32
    return %arg0, %c0_i32, %c0_i32_0 : i32, i32, i32
  }
  func.func @transform_4(%arg0: i32) -> (i32, i32) {
    %c0_i32 = arith.constant 0 : i32
    %c0_i32_0 = arith.constant 0 : i32
    %c0_i32_1 = arith.constant 0 : i32
    return %c0_i32, %c0_i32_0 : i32, i32
  }
  func.func @transform_5(%arg0: i32) -> (i32, i32) {
    %c0_i32 = arith.constant 0 : i32
    %c0_i32_0 = arith.constant 0 : i32
    %c0_i32_1 = arith.constant 0 : i32
    return %c0_i32, %c0_i32_0 : i32, i32
  }
}

</mosaic_0001>

<sc_bundles>
// kernel: kernel.10.cloned.1.call-start
scs
__scs_entry_jumppad:
0x0: {  	(pc) =	sbr.rel $0x88, $3  }
0x1: {  	(tag) =	ssettag $0x0;
	lr =	simm.s32 $0x1  }
0x2: {  	[smem:$0x3F90] =	sst lr;
	_ =	strace $0xD0000000  }
0x3: {  	_ = 	snop  }
0x4: {  	_ = 	snop  }
0x5: {  	_ = 	snop  }
0x6: {  	_ = 	snop  }
0x7: {  	_ = 	snop  }
__scs_overlays_trampoline_lowered:
0x8: {  	[smem:$0x3F9F] =	sst s0  }
0x9: {  	[smem:$0x3FA0] =	sst s1  }
0xa: {  	[smem:$0x3FA1] =	sst s2  }
0xb: {  	[smem:$0x3FA2] =	sst s3  }
0xc: {  	[smem:$0x3FA3] =	sst s4  }
0xd: {  	[smem:$0x3FA4] =	sst s5  }
0xe: {  	[smem:$0x3FA5] =	sst s6  }
0xf: {  	[smem:$0x3FA6] =	sst s7  }
0x10: {  	[smem:$0x3FA7] =	sst s8  }
0x11: {  	[smem:$0x3FA8] =	sst s9;
	s0 =	simm.s32 @!p0 $0x0  }
0x12: {  	s1 =	sld [smem:$0x3F8E];
	s0 =	simm.s32 @p0 $0x1  }
0x13: {  	[smem:$0x3FA9] =	sst s0;
	s0 =	simm.s32 @!p1 $0x0  }
0x14: {  	s2 =	sld [smem:$0x3F8D];
	s0 =	simm.s32 @p1 $0x1  }
0x15: {  	[smem:$0x3FAA] =	sst s0;
	s0 =	simm.s32 @!p2 $0x0  }
0x16: {  	s3 =	sld [smem:$0x3FDB];
	s0 =	simm.s32 @p2 $0x1  }
0x17: {  	s4 =	simm.s32 $0x1BF5;
	[smem:$0x3FAC] =	sst s0  }
0x18: {  	s0 =	sld [smem:$0x3F8F];
	_ =	swait.ge [sflag:s4], $0x0  }
0x19: {  	s7 =	sld [smem:$0x3F90]  }
0x1a: {  	s8 =	sadd.s32 $0xFFFFE003, lr  }
0x1b: {  	s9 =	sadd.s32 $0xFFFFFEF7, lr;
	s5 =	simm.s32 $0xFFFFFFFF;
	p2 =	slt.u32 s8, $0xFFFFF086  }
0x1c: {  	p1 =	slt.u32 s9, $0xF7A;
	s5 =	simm.s32 @!p2 $0x0  }
0x1d: {  	s5 =	simm.s32 @p1 $0x1;
	p0 =	seq.s32 s7, s2  }
0x1e: {  	s7 =	smul.u32 @!p0 $0xF7A, s2;
	p2 =	seq.s32 @!p0 s5, $0x0  }
0x1f: {  	s9 =	smul.u32 $0xF7A, s1;
	s8 =	simm.s32 @!p0 $0x1BF5;
	p2 =	por !p2, p0  }
0x20: {  	[sflag:s8] =	ssyncset.s32 @!p0 $0xFFFFF086;
	s6 =	sadd.s32 @!p0 s3, s7;
	s7 =	simm.s32 @!p0 $0x108  }
0x21: {  	s3 =	sadd.s32 s3, s9;
	s6 =	sadd.s32 @!p0 $0x88, s6;
	s7 =	simm.s32 @p2 $0x1082  }
0x22: {  	[simem:s7], [sflag:s8] =	dma.local @!p0 [hbm:s6], $0xF7A  }
0x23: {  	s9 =	sor.u32 $0xD0000000, s2;
	s6 =	simm.s32 $0x108;
	_ =	swait.ge @!p0 [sflag:s8], $0x0  }
0x24: {  	s3 =	sadd.s32 $0x88, s3;
	s6 =	simm.s32 @!p1 $0x1082;
	[sflag:s4] =	ssyncset.s32 $0xFFFFF086  }
0x25: {  	[simem:s6], [sflag:s4] =	dma.local [hbm:s3], $0xF7A  }
0x26: {  	[smem:$0x3F90] =	sst s1;
	(tag) =	ssettag s2;
	_ =	strace s9  }
0x27: {  	s1 =	sld [smem:$0x3FA0]  }
0x28: {  	s2 =	sld [smem:$0x3FA1]  }
0x29: {  	s4 =	sld [smem:$0x3FA3]  }
0x2a: {  	p0 =	seq.s32 s5, $0x0;
	s5 =	sld [smem:$0x3FA4]  }
0x2b: {  	s6 =	sld [smem:$0x3FA5]  }
0x2c: {  	s7 =	sld [smem:$0x3FA6]  }
0x2d: {  	s3 =	simm.s32 $0x108;
	s8 =	sld [smem:$0x3FA7]  }
0x2e: {  	s3 =	simm.s32 @!p0 $0x1082;
	s9 =	sld [smem:$0x3FA8]  }
0x2f: {  	lr =	sadd.s32 s0, s3;
	s0 =	sld [smem:$0x3F9F]  }
0x30: {  	s3 =	sld [smem:$0x3FA2]  }
0x31: {  	[smem:$0x3FAB] =	sst s10  }
0x32: {  	s10 =	sld [smem:$0x3FA9];
	_ =	sdelay $0x3  }
0x33: {  	p0 =	seq.s32 s10, $0x1;
	s10 =	sld [smem:$0x3FAB];
	_ =	sdelay $0x3  }
0x34: {  	[smem:$0x3FAB] =	sst s10  }
0x35: {  	s10 =	sld [smem:$0x3FAA];
	_ =	sdelay $0x3  }
0x36: {  	p1 =	seq.s32 s10, $0x1;
	s10 =	sld [smem:$0x3FAB];
	_ =	sdelay $0x3  }
0x37: {  	[smem:$0x3FAB] =	sst s10  }
0x38: {  	s10 =	sld [smem:$0x3FAC]  }
0x39: {  	_ = 	snop;
	(pc) =	sbr.ind lr, $3  }
0x3a: {  	_ = 	snop  }
0x3b: {  	_ = 	snop  }
0x3c: {  	p2 =	seq.s32 s10, $0x1;
	s10 =	sld [smem:$0x3FAB]  }
0x3d: {  	_ =	shalt  }
0x3e: {  	_ =	shalt  }
0x3f: {  	_ =	shalt  }
0x40: {  	_ =	shalt  }
0x41: {  	_ =	shalt  }
0x42: {  	_ =	shalt  }
0x43: {  	_ =	shalt  }
0x44: {  	_ =	shalt  }
0x45: {  	_ =	shalt  }
0x46: {  	_ =	shalt  }
0x47: {  	_ =	shalt  }
0x48: {  	_ =	shalt  }
0x49: {  	_ =	shalt  }
0x4a: {  	_ =	shalt  }
0x4b: {  	_ =	shalt  }
0x4c: {  	_ =	shalt  }
0x4d: {  	_ =	shalt  }
0x4e: {  	_ =	shalt  }
0x4f: {  	_ =	shalt  }
0x50: {  	_ =	shalt  }
0x51: {  	_ =	shalt  }
0x52: {  	_ =	shalt  }
0x53: {  	_ =	shalt  }
0x54: {  	_ =	shalt  }
0x55: {  	_ =	shalt  }
0x56: {  	_ =	shalt  }
0x57: {  	_ =	shalt  }
0x58: {  	_ =	shalt  }
0x59: {  	_ =	shalt  }
0x5a: {  	_ =	shalt  }
0x5b: {  	_ =	shalt  }
0x5c: {  	_ =	shalt  }
0x5d: {  	_ =	shalt  }
0x5e: {  	_ =	shalt  }
0x5f: {  	_ =	shalt  }
0x60: {  	_ =	shalt  }
0x61: {  	_ =	shalt  }
0x62: {  	_ =	shalt  }
0x63: {  	_ =	shalt  }
0x64: {  	_ =	shalt  }
0x65: {  	_ =	shalt  }
0x66: {  	_ =	shalt  }
0x67: {  	_ =	shalt  }
0x68: {  	_ =	shalt  }
0x69: {  	_ =	shalt  }
0x6a: {  	_ =	shalt  }
0x6b: {  	_ =	shalt  }
0x6c: {  	_ =	shalt  }
0x6d: {  	_ =	shalt  }
0x6e: {  	_ =	shalt  }
0x6f: {  	_ =	shalt  }
0x70: {  	_ =	shalt  }
0x71: {  	_ =	shalt  }
0x72: {  	_ =	shalt  }
0x73: {  	_ =	shalt  }
0x74: {  	_ =	shalt  }
0x75: {  	_ =	shalt  }
0x76: {  	_ =	shalt  }
0x77: {  	_ =	shalt  }
0x78: {  	_ =	shalt  }
0x79: {  	_ =	shalt  }
0x7a: {  	_ =	shalt  }
0x7b: {  	_ =	shalt  }
0x7c: {  	_ =	shalt  }
0x7d: {  	_ =	shalt  }
0x7e: {  	_ =	shalt  }
0x7f: {  	_ =	shalt  }
0x80: {  	_ =	shalt  }
0x81: {  	_ =	shalt  }
0x82: {  	_ =	shalt  }
0x83: {  	_ =	shalt  }
0x84: {  	_ =	shalt  }
0x85: {  	_ =	shalt  }
0x86: {  	_ =	shalt  }
0x87: {  	_ =	shalt  }
.Lfunc_end0:
.L_simem_size_0:
called_computation_lowered:
.L_overlay_start_0:
0x88: {  	s2 =	sld [smem:$0x3FD9]  }
0x89: {  	s3 =	sld [smem:$0x3FFE];
	_ =	sdelay $0x1  }
0x8a: {  	s1 =	srdreg.scid  }
0x8b: {  	s0 =	sand.u32 $0x1, s1  }
0x8c: {  	s16 =	sshll.u32 s0, $0xA;
	s2 =	sadd.s32 s3, s2  }
0x8d: {  	s2 =	sadd.s32 s2, s16  }
0x8e: {  	[smem:$0x3FB7] =	sst s2  }
0x8f: {  	_ = 	snop  }
0x90: {  	(tm) =	ssettm $0x1  }
0x91: {  	s17 =	sld [smem:$0x3FFB];
	_ =	sdelay $0x3  }
0x92: {  	_ =	strace s17  }
0x93: {  	s2 =	sld [smem:$0x3FFC];
	_ =	sdelay $0x3  }
0x94: {  	_ =	strace s2  }
0x95: {  	s2 =	sld [smem:$0x3FFD];
	_ =	sdelay $0x3  }
0x96: {  	_ =	strace s2  }
0x97: {  	_ =	strace $0x8FFFFFFF  }
0x98: {  	s18 =	sld [smem:$0x3FDB];
	_ =	sdelay $0x1  }
0x99: {  	s19 =	simm.s32 $_scs_section_size  }
0x9a: {  	s4 =	simm.s32 $_size__tile_overlayer_lowered;
	s5 =	simm.s32 $_tile_overlayer_lowered  }
0x9b: {  	s22 =	simm.s32 $0x1BFF;
	s21 =	sshll.u32 s5, $0x1;
	s2 =	sadd.s32 s19, s18  }
0x9c: {  	s6 =	simm.s32 $0x0;
	s20 =	sshll.u32 s4, $0x1;
	s4 =	sadd.s32 s21, s2  }
0x9d: {  	[timem:s6], [sflag:s22] =	dma.local [hbm:s4], s20  }
0x9e: {  	_ =	swait.ge [sflag:s22], s20  }
0x9f: {  	s3 =	ssub.s32 $0x0, s20;
	[sflag:s22] =	ssyncset.done $0x0  }
0xa0: {  	[sflag:s22] =	ssyncadd.s32 s3;
	_ =	sdelay $0x1  }
0xa1: {  	s23 =	simm.s32 $0x1B8B  }
0xa2: {  	_ =	swait.ge [sflag:s23], $0x1  }
0xa3: {  	[sflag:s23] =	ssyncset.done $0x0  }
0xa4: {  	s25 =	simm.s32 $0x1B8E;
	s24 =	sld [smem:$0x3FFE];
	[sflag:s23] =	ssyncadd.s32 $0xFFFFFFFF  }
0xa5: {  	s26 =	simm.s32 $execute0_lowered;
	[smem:$0x3FD2] =	sst s25  }
0xa6: {  	s4 =	sshll.u32 s26, $0x1;
	_ =	strace $0x80000046;
	[dreg:$0x1] =	wrdreg $0xFFFFFFFF  }
0xa7: {  	s28 =	simm.s32 $_size_execute0_lowered;
	s2 =	sadd.s32 s2, s4;
	[dreg:$0x0] =	wrdreg $0x0  }
0xa8: {  	s4 =	sshll.u32 s28, $0x1;
	[dreg:$0x2] =	wrdreg s2  }
0xa9: {  	[dreg:$0x3] =	wrdreg s4  }
0xaa: {  	[dreg:$0x4] =	wrdreg $0xC0  }
0xab: {  	_ =	task [dreg:s6], $0x5FFFF  }
0xac: {  	[dreg:$0x1] =	wrdreg $0xFFFFFFFF  }
0xad: {  	[dreg:$0x0] =	wrdreg $0x60  }
0xae: {  	[dreg:$0x2] =	wrdreg s24  }
0xaf: {  	[dreg:$0x3] =	wrdreg $0x9  }
0xb0: {  	_ =	task.clear_ibuf [dreg:s6], $0x4FFFF;
	_ =	strace $0x90000046  }
0xb1: {  	s29 =	simm.s32 $0x9;
	_ =	strace $0x80000048  }
0xb2: {  	_ =	swait.ge [sflag:s29], $0x1  }
0xb3: {  	[sflag:s29] =	ssyncadd.s32 $0xFFFFFFFF  }
0xb4: {  	_ =	strace $0x90000048  }
0xb5: {  	_ =	sfence  }
0xb6: {  	s30 =	sld [smem:$0x0];
	_ =	sdelay $0x2  }
0xb7: {  	s31 =	sshll.u32 s1, $0xD;
	s1 =	sshrl.u32 s1, $0x2  }
0xb8: {  	s3 =	sand.u32 $0x4000, s31;
	s1 =	sadd.s32 s1, s30  }
0xb9: {  	s0 =	sor.u32 s3, s0;
	s1 =	sshll.u32 s1, $0x11  }
0xba: {  	s0 =	sor.u32 s1, s0  }
0xbb: {  	s0 =	sadd.s32 $0x8F2B, s0  }
0xbc: {  	[sflag:s0] =	ssyncadd.remote.s32 $0x1  }
0xbd: {  	_ =	sfence.sel $0xFFFF  }
0xbe: {  	[dreg:$0x0] =	wrdreg $0xFFFFFFFF;
	(pc) =	sbr.abs _section_cstart, $3  }
0xbf: {  	[dreg:$0x1] =	wrdreg $0xFFFFFFFF  }
0xc0: {  	_ =	task.clear_ibuf [dreg:s6], $0x2FFFF;
	_ =	strace $0x9FFFFFFF  }
0xc1: {  	(tm) =	ssettm $0x7FFFFFFF  }
tec
execute0_lowered:
.L_overlay_start_1:
0x0: {  	(tag) =	ssettag $0x1  }
0x1: {  	s0 =	srdreg.scid  }
0x2: {  	s2 =	stileid.u32;
	s1 =	rddreg [dreg:$0x0]  }
0x3: {  	s8 =	simm.s32 $0x2;
	s10 =	simm.s32 $0x40;
	s11 =	simm.s32 $0x6800  }
0x4: {  	s15 =	simm.s32 $0xA800;
	s17 =	simm.s32 $0xC800;
	s18 =	simm.s32 $0x200  }
0x5: {  	s19 =	simm.s32 $0xE800;
	s20 =	simm.s32 $0x280;
	s21 =	simm.s32 $0x10800  }
0x6: {  	s22 =	simm.s32 $0x300;
	s23 =	simm.s32 $0x12800;
	s24 =	simm.s32 $0x1  }
0x7: {  	s25 =	simm.s32 $0x0;
	s0 =	sand.u32 $0x1, s0;
	s3 =	sshll.u32 s2, $0x1  }
.Ltmp0:
0x8: {  	s2 =	simm.s32 $0x0;
	s3 =	sor.u32 s0, s3;
	(pc) =	sbr.rel .LBB2_1-.Ltmp0, $4  }
0x9: {  	[smem:$0x7FF] =	sst s2;
	s0 =	ssub.s32 $0x2, s0;
	s4 =	smul.u32 $0x680, s3  }
0xa: {  	_ =	strace $0x80000047;
	s3 =	sadd.s32 $0x1E400, s1;
	s5 =	sshrl.u32 s0, $0x1  }
0xb: {  	s0 =	ssub.s32 s0, s5;
	s6 =	sadd.s32 s4, s1;
	s4 =	sadd.s32 $0x93800, s1  }
0xc: {  	s7 =	smax.u32 s0, $0x1;
	s5 =	sadd.s32 $0x11400, s6;
	s6 =	sadd.s32 $0x4400, s6  }
.LBB2_4:
0xd: {  	s25 =	sadd.s32 $0x1, s25  }
0xe: {  	p0 =	sne.s32 s25, s7  }
.Ltmp1:
0xf: {  	_ = 	snop;
	(pc) =	sbr.rel @!p0 .LBB2_5-.Ltmp1, $1  }
0x10: {  	_ =	sdelay $0x3  }
.LBB2_1:
0x11: {  	[tilespmem:s2], [sflag:$0x2] =	stream.linear.gather [hbm4b:s5+s2], $0x3100, $0x38;
	[tilespmem:$0x14800] =	vst v63  }
0x12: {  	_ =	swait.ge [sflag:s8], $0x3100  }
0x13: {  	[sflag:s8] =	ssyncset.done $0x0  }
0x14: {  	s0 =	simm.s32 $0x3400;
	[sflag:s8] =	ssyncadd.s32 $0xFFFFCF00  }
0x15: {  	[tilespmem:s0], [sflag:$0x2] =	stream.linear.gather [hbm4b:s6+s2], $0x3100, $0x38;
	[tilespmem:$0x14800] =	vst v63  }
0x16: {  	_ =	swait.ge [sflag:s8], $0x3100  }
0x17: {  	[sflag:s8] =	ssyncset.done $0x0  }
0x18: {  	[sflag:s8] =	ssyncadd.s32 $0xFFFFCF00  }
0x19: {  	[tilespmem:s11], [sflag:$0x1] =	stream.indirect.gather [hbm4b:s3+s10], $0x80, s2, s10, $0xb8;
	[tilespmem:$0x14800] =	vst v63  }
0x1a: {  	s29 =	simm.s32 $0x80;
	s1 =	simm.s32 $0x8800  }
0x1b: {  	[tilespmem:s1], [sflag:$0x1] =	stream.indirect.gather [hbm4b:s3+s10], $0x80, s29, s10, $0xb8;
	[tilespmem:$0x14800] =	vst v63  }
0x1c: {  	s30 =	simm.s32 $0x100  }
0x1d: {  	[tilespmem:s15], [sflag:$0x1] =	stream.indirect.gather [hbm4b:s3+s10], $0x80, s30, s10, $0xb8;
	[tilespmem:$0x14800] =	vst v63  }
0x1e: {  	s31 =	simm.s32 $0x180  }
0x1f: {  	[tilespmem:s17], [sflag:$0x1] =	stream.indirect.gather [hbm4b:s3+s10], $0x80, s31, s10, $0xb8;
	[tilespmem:$0x14800] =	vst v63  }
0x20: {  	_ = 	snop  }
0x21: {  	[tilespmem:s19], [sflag:$0x1] =	stream.indirect.gather [hbm4b:s3+s10], $0x80, s18, s10, $0xb8;
	[tilespmem:$0x14800] =	vst v63  }
0x22: {  	_ = 	snop  }
0x23: {  	[tilespmem:s21], [sflag:$0x1] =	stream.indirect.gather [hbm4b:s3+s10], $0x80, s20, s10, $0xb8;
	[tilespmem:$0x14800] =	vst v63  }
0x24: {  	s26 =	simm.s32 $0x0  }
0x25: {  	[tilespmem:s23], [sflag:$0x1] =	stream.indirect.gather [hbm4b:s3+s10], $0x80, s22, s10, $0xb8;
	[tilespmem:$0x14800] =	vst v63  }
.LBB2_2:
0x26: {  	_ =	swait.ge [sflag:s24], $0x2000  }
0x27: {  	s28 =	sshra.s32 s26, $0x2;
	[sflag:s24] =	ssyncset.done $0x0  }
0x28: {  	s0 =	sadd.s32 $0x3400, s28;
	[sflag:s24] =	ssyncadd.s32 $0xFFFFE000  }
0x29: {  	[hbm4b:s4+s10] =	stream.indirect.scatter [tilespmem:s11], [sflag:$0x2], $0x80, s0, s10, $0xb8;
	[tilespmem:$0x14800] =	vst v63  }
0x2a: {  	_ =	swait.ge [sflag:s8], $0x2000  }
0x2b: {  	p0 =	seq.s32 s26, $0xB600;
	[sflag:s8] =	ssyncset.done $0x0  }
0x2c: {  	s31 =	simm.s32 @p0 $0x1;
	[sflag:s8] =	ssyncadd.s32 $0xFFFFE000  }
0x2d: {  	_ =	swait.ge @p0 [sflag:s31], $0x2000  }
0x2e: {  	s1 =	sshra.s32 @p0 s26, $0x2;
	s12 =	simm.s32 @p0 $0x8800;
	[sflag:s31] =	ssyncset.done @p0 $0x0  }
0x2f: {  	s9 =	sadd.s32 @p0 $0x3480, s1;
	s0 =	simm.s32 @p0 $0x40;
	[sflag:s31] =	ssyncadd.s32 @p0 $0xFFFFE000  }
0x30: {  	[hbm4b:s4+s0] =	stream.indirect.scatter @p0 [tilespmem:s12], [sflag:$0x2], $0x80, s9, s0, $0xb8;
	[tilespmem:$0x14800] =	vst v63  }
0x31: {  	s9 =	simm.s32 @p0 $0x2  }
0x32: {  	_ =	swait.ge @p0 [sflag:s9], $0x2000  }
0x33: {  	s29 =	sshra.s32 @!p0 s26, $0x2;
	s30 =	simm.s32 @!p0 $0x40;
	[sflag:s9] =	ssyncset.done @p0 $0x0  }
0x34: {  	s13 =	simm.s32 @!p0 $0x6800;
	s12 =	sadd.s32 @!p0 $0x380, s29;
	[sflag:s9] =	ssyncadd.s32 @p0 $0xFFFFE000  }
0x35: {  	[tilespmem:s13], [sflag:$0x1] =	stream.indirect.gather @!p0 [hbm4b:s3+s30], $0x80, s12, s30, $0xb8;
	[tilespmem:$0x14800] =	vst v63  }
0x36: {  	s12 =	simm.s32 @!p0 $0x1  }
0x37: {  	_ =	swait.ge @!p0 [sflag:s12], $0x2000  }
0x38: {  	[sflag:s12] =	ssyncset.done @!p0 $0x0  }
0x39: {  	s14 =	simm.s32 @!p0 $0x8800;
	s13 =	sadd.s32 @!p0 $0x3480, s29;
	[sflag:s12] =	ssyncadd.s32 @!p0 $0xFFFFE000  }
0x3a: {  	[hbm4b:s4+s30] =	stream.indirect.scatter @!p0 [tilespmem:s14], [sflag:$0x2], $0x80, s13, s30, $0xb8;
	[tilespmem:$0x14800] =	vst v63  }
0x3b: {  	s13 =	simm.s32 @!p0 $0x2  }
0x3c: {  	_ =	swait.ge @!p0 [sflag:s13], $0x2000  }
0x3d: {  	[sflag:s13] =	ssyncset.done @!p0 $0x0  }
0x3e: {  	s16 =	sadd.s32 @!p0 $0x400, s29;
	[sflag:s13] =	ssyncadd.s32 @!p0 $0xFFFFE000  }
0x3f: {  	[tilespmem:s14], [sflag:$0x1] =	stream.indirect.gather @!p0 [hbm4b:s3+s30], $0x80, s16, s30, $0xb8;
	[tilespmem:$0x14800] =	vst v63  }
0x40: {  	_ =	swait.ge [sflag:s24], $0x2000  }
0x41: {  	[sflag:s24] =	ssyncset.done $0x0  }
0x42: {  	s16 =	sadd.s32 $0x3500, s28;
	[sflag:s24] =	ssyncadd.s32 $0xFFFFE000  }
0x43: {  	[hbm4b:s4+s10] =	stream.indirect.scatter [tilespmem:s15], [sflag:$0x2], $0x80, s16, s10, $0xb8;
	[tilespmem:$0x14800] =	vst v63  }
0x44: {  	_ =	swait.ge [sflag:s8], $0x2000  }
0x45: {  	[sflag:s8] =	ssyncset.done $0x0  }
0x46: {  	[sflag:s8] =	ssyncadd.s32 $0xFFFFE000  }
0x47: {  	_ =	swait.ge @p0 [sflag:s31], $0x2000  }
0x48: {  	[sflag:s31] =	ssyncset.done @p0 $0x0  }
0x49: {  	s14 =	sadd.s32 @p0 $0x3580, s1;
	s16 =	simm.s32 @p0 $0xC800;
	[sflag:s31] =	ssyncadd.s32 @p0 $0xFFFFE000  }
0x4a: {  	[hbm4b:s4+s0] =	stream.indirect.scatter @p0 [tilespmem:s16], [sflag:$0x2], $0x80, s14, s0, $0xb8;
	[tilespmem:$0x14800] =	vst v63  }
0x4b: {  	_ =	swait.ge @p0 [sflag:s9], $0x2000  }
0x4c: {  	[sflag:s9] =	ssyncset.done @p0 $0x0  }
0x4d: {  	s14 =	sadd.s32 @!p0 $0x480, s29;
	s16 =	simm.s32 @!p0 $0xA800;
	[sflag:s9] =	ssyncadd.s32 @p0 $0xFFFFE000  }
0x4e: {  	[tilespmem:s16], [sflag:$0x1] =	stream.indirect.gather @!p0 [hbm4b:s3+s30], $0x80, s14, s30, $0xb8;
	[tilespmem:$0x14800] =	vst v63  }
0x4f: {  	_ =	swait.ge @!p0 [sflag:s12], $0x2000  }
0x50: {  	[sflag:s12] =	ssyncset.done @!p0 $0x0  }
0x51: {  	s14 =	sadd.s32 @!p0 $0x3580, s29;
	s16 =	simm.s32 @!p0 $0xC800;
	[sflag:s12] =	ssyncadd.s32 @!p0 $0xFFFFE000  }
0x52: {  	[hbm4b:s4+s30] =	stream.indirect.scatter @!p0 [tilespmem:s16], [sflag:$0x2], $0x80, s14, s30, $0xb8;
	[tilespmem:$0x14800] =	vst v63  }
0x53: {  	_ =	swait.ge @!p0 [sflag:s13], $0x2000  }
0x54: {  	[sflag:s13] =	ssyncset.done @!p0 $0x0  }
0x55: {  	s14 =	sadd.s32 @!p0 $0x500, s29;
	[sflag:s13] =	ssyncadd.s32 @!p0 $0xFFFFE000  }
0x56: {  	[tilespmem:s16], [sflag:$0x1] =	stream.indirect.gather @!p0 [hbm4b:s3+s30], $0x80, s14, s30, $0xb8;
	[tilespmem:$0x14800] =	vst v63  }
0x57: {  	_ =	swait.ge [sflag:s24], $0x2000  }
0x58: {  	[sflag:s24] =	ssyncset.done $0x0  }
0x59: {  	s16 =	sadd.s32 $0x3600, s28;
	[sflag:s24] =	ssyncadd.s32 $0xFFFFE000  }
0x5a: {  	[hbm4b:s4+s10] =	stream.indirect.scatter [tilespmem:s19], [sflag:$0x2], $0x80, s16, s10, $0xb8;
	[tilespmem:$0x14800] =	vst v63  }
0x5b: {  	_ =	swait.ge [sflag:s8], $0x2000  }
0x5c: {  	[sflag:s8] =	ssyncset.done $0x0  }
0x5d: {  	[sflag:s8] =	ssyncadd.s32 $0xFFFFE000  }
0x5e: {  	_ =	swait.ge @p0 [sflag:s31], $0x2000  }
0x5f: {  	[sflag:s31] =	ssyncset.done @p0 $0x0  }
0x60: {  	s1 =	sadd.s32 @p0 $0x3680, s1;
	s14 =	simm.s32 @p0 $0x10800;
	[sflag:s31] =	ssyncadd.s32 @p0 $0xFFFFE000  }
0x61: {  	[hbm4b:s4+s0] =	stream.indirect.scatter @p0 [tilespmem:s14], [sflag:$0x2], $0x80, s1, s0, $0xb8;
	[tilespmem:$0x14800] =	vst v63  }
0x62: {  	_ =	swait.ge @p0 [sflag:s9], $0x2000  }
0x63: {  	[sflag:s9] =	ssyncset.done @p0 $0x0  }
0x64: {  	s0 =	sadd.s32 @!p0 $0x580, s29;
	s1 =	simm.s32 @!p0 $0xE800;
	[sflag:s9] =	ssyncadd.s32 @p0 $0xFFFFE000  }
0x65: {  	[tilespmem:s1], [sflag:$0x1] =	stream.indirect.gather @!p0 [hbm4b:s3+s30], $0x80, s0, s30, $0xb8;
	[tilespmem:$0x14800] =	vst v63  }
0x66: {  	_ =	swait.ge @!p0 [sflag:s12], $0x2000  }
0x67: {  	[sflag:s12] =	ssyncset.done @!p0 $0x0  }
0x68: {  	s0 =	sadd.s32 @!p0 $0x3680, s29;
	s1 =	simm.s32 @!p0 $0x10800;
	[sflag:s12] =	ssyncadd.s32 @!p0 $0xFFFFE000  }
0x69: {  	[hbm4b:s4+s30] =	stream.indirect.scatter @!p0 [tilespmem:s1], [sflag:$0x2], $0x80, s0, s30, $0xb8;
	[tilespmem:$0x14800] =	vst v63  }
0x6a: {  	_ =	swait.ge @!p0 [sflag:s13], $0x2000  }
0x6b: {  	[sflag:s13] =	ssyncset.done @!p0 $0x0  }
0x6c: {  	s0 =	sadd.s32 @!p0 $0x600, s29;
	[sflag:s13] =	ssyncadd.s32 @!p0 $0xFFFFE000  }
0x6d: {  	[tilespmem:s1], [sflag:$0x1] =	stream.indirect.gather @!p0 [hbm4b:s3+s30], $0x80, s0, s30, $0xb8;
	[tilespmem:$0x14800] =	vst v63  }
0x6e: {  	_ =	swait.ge [sflag:s24], $0x2000  }
0x6f: {  	[sflag:s24] =	ssyncset.done $0x0  }
.Ltmp2:
0x70: {  	s31 =	sadd.s32 $0x3700, s28;
	[sflag:s24] =	ssyncadd.s32 $0xFFFFE000;
	(pc) =	sbr.rel @p0 .LBB2_4-.Ltmp2, $4  }
0x71: {  	[hbm4b:s4+s10] =	stream.indirect.scatter [tilespmem:s23], [sflag:$0x2], $0x80, s31, s10, $0xb8;
	[tilespmem:$0x14800] =	vst v63  }
0x72: {  	_ =	swait.ge [sflag:s8], $0x2000  }
0x73: {  	[sflag:s8] =	ssyncset.done $0x0  }
0x74: {  	[sflag:s8] =	ssyncadd.s32 $0xFFFFE000  }
.Ltmp3:
0x75: {  	(pc) =	sbr.rel .LBB2_2-.Ltmp3, $3  }
0x76: {  	_ =	sdelay $0x1  }
0x77: {  	s0 =	sadd.s32 $0x680, s28;
	s26 =	sadd.s32 $0xE00, s26  }
0x78: {  	[tilespmem:s23], [sflag:$0x1] =	stream.indirect.gather [hbm4b:s3+s10], $0x80, s0, s10, $0xb8;
	[tilespmem:$0x14800] =	vst v63  }
.LBB2_5:
0x79: {  	_ =	sfence.sel $0x180000  }
0x7a: {  	[bflag:$0x0] =	sbarrier.arrive $0xFFFF  }
0x7b: {  	_ =	strace $0x90000047  }
0x7c: {  	s0 =	stileid.u32;
	[bflag:$0x2] =	sbarrier.arrive $0xFFFF  }
0x7d: {  	p0 =	sne.s32 s0, $0x0;
	s0 =	rddreg [dreg:$0x1]  }
0x7e: {  	s0 =	sadd.s32 @!p0 $0x100000, s0  }
0x7f: {  	[sflag:s0] =	ssyncadd.tile.s32 @!p0 $0x1;
	_ =	shalt  }
.Lfunc_end2:
_tile_overlayer_lowered:
.L_overlay_start_2:
0x80: {  	(tag) =	ssettag $0x2  }
0x81: {  	s0 =	rddreg [dreg:$0x0];
	s2 =	stileid.u32  }
0x82: {  	s1 =	rddreg [dreg:$0x1];
	p0 =	sne.s32 s2, $0x0  }
0x83: {  	s3 =	rddreg [dreg:$0x2];
	[bflag:$0x3] =	sbarrier.arrive $0xFFFF;
	s2 =	simm.s32 @!p0 $0x1C02  }
0x84: {  	[timem:s3], [sflag:s2] =	dma.local @!p0 [hbm:s0], s1  }
0x85: {  	s0 =	simm.s32 @!p0 $0x2  }
0x86: {  	_ =	swait.ge @!p0 [sflag:s0], s1  }
0x87: {  	s1 =	ssub.s32 @!p0 $0x0, s1;
	[sflag:s0] =	ssyncset.done @!p0 $0x0  }
0x88: {  	[sflag:s0] =	ssyncadd.s32 @!p0 s1  }
0x89: {  	[bflag:$0x3] =	sbarrier.arrive $0xFFFF  }
0x8a: {  	_ =	shalt  }

// kernel: kernel.13.cloned.1.call-start
scs
__scs_entry_jumppad:
0x0: {  	(pc) =	sbr.rel $0x88, $3  }
0x1: {  	(tag) =	ssettag $0x0;
	lr =	simm.s32 $0x1  }
0x2: {  	[smem:$0x3F90] =	sst lr;
	_ =	strace $0xD0000000  }
0x3: {  	_ = 	snop  }
0x4: {  	_ = 	snop  }
0x5: {  	_ = 	snop  }
0x6: {  	_ = 	snop  }
0x7: {  	_ = 	snop  }
__scs_overlays_trampoline_lowered:
0x8: {  	[smem:$0x3F9F] =	sst s0  }
0x9: {  	[smem:$0x3FA0] =	sst s1  }
0xa: {  	[smem:$0x3FA1] =	sst s2  }
0xb: {  	[smem:$0x3FA2] =	sst s3  }
0xc: {  	[smem:$0x3FA3] =	sst s4  }
0xd: {  	[smem:$0x3FA4] =	sst s5  }
0xe: {  	[smem:$0x3FA5] =	sst s6  }
0xf: {  	[smem:$0x3FA6] =	sst s7  }
0x10: {  	[smem:$0x3FA7] =	sst s8  }
0x11: {  	[smem:$0x3FA8] =	sst s9;
	s0 =	simm.s32 @!p0 $0x0  }
0x12: {  	s1 =	sld [smem:$0x3F8E];
	s0 =	simm.s32 @p0 $0x1  }
0x13: {  	[smem:$0x3FA9] =	sst s0;
	s0 =	simm.s32 @!p1 $0x0  }
0x14: {  	s2 =	sld [smem:$0x3F8D];
	s0 =	simm.s32 @p1 $0x1  }
0x15: {  	[smem:$0x3FAA] =	sst s0;
	s0 =	simm.s32 @!p2 $0x0  }
0x16: {  	s3 =	sld [smem:$0x3FDB];
	s0 =	simm.s32 @p2 $0x1  }
0x17: {  	s4 =	simm.s32 $0x1BF5;
	[smem:$0x3FAC] =	sst s0  }
0x18: {  	s0 =	sld [smem:$0x3F8F];
	_ =	swait.ge [sflag:s4], $0x0  }
0x19: {  	s7 =	sld [smem:$0x3F90]  }
0x1a: {  	s8 =	sadd.s32 $0xFFFFE003, lr  }
0x1b: {  	s9 =	sadd.s32 $0xFFFFFEF7, lr;
	s5 =	simm.s32 $0xFFFFFFFF;
	p2 =	slt.u32 s8, $0xFFFFF086  }
0x1c: {  	p1 =	slt.u32 s9, $0xF7A;
	s5 =	simm.s32 @!p2 $0x0  }
0x1d: {  	s5 =	simm.s32 @p1 $0x1;
	p0 =	seq.s32 s7, s2  }
0x1e: {  	s7 =	smul.u32 @!p0 $0xF7A, s2;
	p2 =	seq.s32 @!p0 s5, $0x0  }
0x1f: {  	s9 =	smul.u32 $0xF7A, s1;
	s8 =	simm.s32 @!p0 $0x1BF5;
	p2 =	por !p2, p0  }
0x20: {  	[sflag:s8] =	ssyncset.s32 @!p0 $0xFFFFF086;
	s6 =	sadd.s32 @!p0 s3, s7;
	s7 =	simm.s32 @!p0 $0x108  }
0x21: {  	s3 =	sadd.s32 s3, s9;
	s6 =	sadd.s32 @!p0 $0x88, s6;
	s7 =	simm.s32 @p2 $0x1082  }
0x22: {  	[simem:s7], [sflag:s8] =	dma.local @!p0 [hbm:s6], $0xF7A  }
0x23: {  	s9 =	sor.u32 $0xD0000000, s2;
	s6 =	simm.s32 $0x108;
	_ =	swait.ge @!p0 [sflag:s8], $0x0  }
0x24: {  	s3 =	sadd.s32 $0x88, s3;
	s6 =	simm.s32 @!p1 $0x1082;
	[sflag:s4] =	ssyncset.s32 $0xFFFFF086  }
0x25: {  	[simem:s6], [sflag:s4] =	dma.local [hbm:s3], $0xF7A  }
0x26: {  	[smem:$0x3F90] =	sst s1;
	(tag) =	ssettag s2;
	_ =	strace s9  }
0x27: {  	s1 =	sld [smem:$0x3FA0]  }
0x28: {  	s2 =	sld [smem:$0x3FA1]  }
0x29: {  	s4 =	sld [smem:$0x3FA3]  }
0x2a: {  	p0 =	seq.s32 s5, $0x0;
	s5 =	sld [smem:$0x3FA4]  }
0x2b: {  	s6 =	sld [smem:$0x3FA5]  }
0x2c: {  	s7 =	sld [smem:$0x3FA6]  }
0x2d: {  	s3 =	simm.s32 $0x108;
	s8 =	sld [smem:$0x3FA7]  }
0x2e: {  	s3 =	simm.s32 @!p0 $0x1082;
	s9 =	sld [smem:$0x3FA8]  }
0x2f: {  	lr =	sadd.s32 s0, s3;
	s0 =	sld [smem:$0x3F9F]  }
0x30: {  	s3 =	sld [smem:$0x3FA2]  }
0x31: {  	[smem:$0x3FAB] =	sst s10  }
0x32: {  	s10 =	sld [smem:$0x3FA9];
	_ =	sdelay $0x3  }
0x33: {  	p0 =	seq.s32 s10, $0x1;
	s10 =	sld [smem:$0x3FAB];
	_ =	sdelay $0x3  }
0x34: {  	[smem:$0x3FAB] =	sst s10  }
0x35: {  	s10 =	sld [smem:$0x3FAA];
	_ =	sdelay $0x3  }
0x36: {  	p1 =	seq.s32 s10, $0x1;
	s10 =	sld [smem:$0x3FAB];
	_ =	sdelay $0x3  }
0x37: {  	[smem:$0x3FAB] =	sst s10  }
0x38: {  	s10 =	sld [smem:$0x3FAC]  }
0x39: {  	_ = 	snop;
	(pc) =	sbr.ind lr, $3  }
0x3a: {  	_ = 	snop  }
0x3b: {  	_ = 	snop  }
0x3c: {  	p2 =	seq.s32 s10, $0x1;
	s10 =	sld [smem:$0x3FAB]  }
0x3d: {  	_ =	shalt  }
0x3e: {  	_ =	shalt  }
0x3f: {  	_ =	shalt  }
0x40: {  	_ =	shalt  }
0x41: {  	_ =	shalt  }
0x42: {  	_ =	shalt  }
0x43: {  	_ =	shalt  }
0x44: {  	_ =	shalt  }
0x45: {  	_ =	shalt  }
0x46: {  	_ =	shalt  }
0x47: {  	_ =	shalt  }
0x48: {  	_ =	shalt  }
0x49: {  	_ =	shalt  }
0x4a: {  	_ =	shalt  }
0x4b: {  	_ =	shalt  }
0x4c: {  	_ =	shalt  }
0x4d: {  	_ =	shalt  }
0x4e: {  	_ =	shalt  }
0x4f: {  	_ =	shalt  }
0x50: {  	_ =	shalt  }
0x51: {  	_ =	shalt  }
0x52: {  	_ =	shalt  }
0x53: {  	_ =	shalt  }
0x54: {  	_ =	shalt  }
0x55: {  	_ =	shalt  }
0x56: {  	_ =	shalt  }
0x57: {  	_ =	shalt  }
0x58: {  	_ =	shalt  }
0x59: {  	_ =	shalt  }
0x5a: {  	_ =	shalt  }
0x5b: {  	_ =	shalt  }
0x5c: {  	_ =	shalt  }
0x5d: {  	_ =	shalt  }
0x5e: {  	_ =	shalt  }
0x5f: {  	_ =	shalt  }
0x60: {  	_ =	shalt  }
0x61: {  	_ =	shalt  }
0x62: {  	_ =	shalt  }
0x63: {  	_ =	shalt  }
0x64: {  	_ =	shalt  }
0x65: {  	_ =	shalt  }
0x66: {  	_ =	shalt  }
0x67: {  	_ =	shalt  }
0x68: {  	_ =	shalt  }
0x69: {  	_ =	shalt  }
0x6a: {  	_ =	shalt  }
0x6b: {  	_ =	shalt  }
0x6c: {  	_ =	shalt  }
0x6d: {  	_ =	shalt  }
0x6e: {  	_ =	shalt  }
0x6f: {  	_ =	shalt  }
0x70: {  	_ =	shalt  }
0x71: {  	_ =	shalt  }
0x72: {  	_ =	shalt  }
0x73: {  	_ =	shalt  }
0x74: {  	_ =	shalt  }
0x75: {  	_ =	shalt  }
0x76: {  	_ =	shalt  }
0x77: {  	_ =	shalt  }
0x78: {  	_ =	shalt  }
0x79: {  	_ =	shalt  }
0x7a: {  	_ =	shalt  }
0x7b: {  	_ =	shalt  }
0x7c: {  	_ =	shalt  }
0x7d: {  	_ =	shalt  }
0x7e: {  	_ =	shalt  }
0x7f: {  	_ =	shalt  }
0x80: {  	_ =	shalt  }
0x81: {  	_ =	shalt  }
0x82: {  	_ =	shalt  }
0x83: {  	_ =	shalt  }
0x84: {  	_ =	shalt  }
0x85: {  	_ =	shalt  }
0x86: {  	_ =	shalt  }
0x87: {  	_ =	shalt  }
.Lfunc_end0:
.L_simem_size_0:
called_computation.1_lowered:
.L_overlay_start_0:
0x88: {  	s2 =	sld [smem:$0x3FD9]  }
0x89: {  	s3 =	sld [smem:$0x3FFE];
	_ =	sdelay $0x1  }
0x8a: {  	s1 =	srdreg.scid  }
0x8b: {  	s0 =	sand.u32 $0x1, s1  }
0x8c: {  	s17 =	sshll.u32 s0, $0xA;
	s2 =	sadd.s32 s3, s2  }
0x8d: {  	s2 =	sadd.s32 s2, s17  }
0x8e: {  	[smem:$0x3FB7] =	sst s2  }
0x8f: {  	_ = 	snop  }
0x90: {  	s18 =	sld [smem:$0x3FD0];
	(tm) =	ssettm $0x1  }
0x91: {  	s19 =	sld [smem:$0x3FFB];
	_ =	sdelay $0x3  }
0x92: {  	_ =	strace s19  }
0x93: {  	s2 =	sld [smem:$0x3FFC];
	_ =	sdelay $0x3  }
0x94: {  	_ =	strace s2  }
0x95: {  	s2 =	sld [smem:$0x3FFD];
	_ =	sdelay $0x3  }
0x96: {  	_ =	strace s2  }
0x97: {  	_ =	strace $0x8FFFFFFF  }
0x98: {  	s20 =	sld [smem:$0x3FDB];
	_ =	sdelay $0x1  }
0x99: {  	s4 =	simm.s32 $_scs_section_size  }
0x9a: {  	s5 =	simm.s32 $_size__tile_overlayer_lowered;
	s6 =	simm.s32 $_tile_overlayer_lowered  }
0x9b: {  	s7 =	simm.s32 $0x1BFF;
	s21 =	sshll.u32 s6, $0x1;
	s4 =	sadd.s32 s4, s20  }
0x9c: {  	s22 =	simm.s32 $0x0;
	s5 =	sshll.u32 s5, $0x1;
	s6 =	sadd.s32 s21, s4  }
0x9d: {  	[timem:s22], [sflag:s7] =	dma.local [hbm:s6], s5  }
0x9e: {  	_ =	swait.ge [sflag:s7], s5  }
0x9f: {  	s5 =	ssub.s32 $0x0, s5;
	[sflag:s7] =	ssyncset.done $0x0  }
0xa0: {  	[sflag:s7] =	ssyncadd.s32 s5;
	_ =	sdelay $0x1  }
0xa1: {  	s23 =	simm.s32 $0x1B8B  }
0xa2: {  	_ =	swait.ge [sflag:s23], $0x1  }
0xa3: {  	[sflag:s23] =	ssyncset.done $0x0  }
0xa4: {  	[sflag:s23] =	ssyncadd.s32 $0xFFFFFFFF  }
0xa5: {  	s5 =	sld [smem:$0x0]  }
0xa6: {  	s6 =	sand.u32 $0xFFFFFFFE, s1  }
0xa7: {  	p0 =	sne.s32 s1, s6  }
0xa8: {  	s6 =	sshll.u32 @p0 s6, $0xE  }
0xa9: {  	s6 =	sadd.s32 @p0 $0x11B8D, s6;
	s7 =	sshll.u32 @p0 s5, $0x11  }
0xaa: {  	s6 =	sor.u32 @p0 s7, s6  }
0xab: {  	[sflag:s6] =	ssyncadd.remote.s32 @p0 $0x1;
	_ =	sdelay $0x1  }
0xac: {  	s6 =	simm.s32 @p0 $0x1B8D  }
0xad: {  	_ =	swait.eq @p0 [sflag:s6], $0x1  }
0xae: {  	[sflag:s6] =	ssyncadd.s32 @p0 $0xFFFFFFFF  }
0xaf: {  	s7 =	sshll.u32 @!p0 s1, $0xE  }
0xb0: {  	s7 =	sor.u32 @!p0 $0x4000, s7;
	s6 =	simm.s32 @!p0 $0x1B8D  }
0xb1: {  	s5 =	sshll.u32 @!p0 s5, $0x11;
	s7 =	sadd.s32 @!p0 $0x11B8D, s7;
	_ =	swait.eq @!p0 [sflag:s6], $0x1  }
0xb2: {  	s5 =	sor.u32 @!p0 s5, s7;
	[sflag:s6] =	ssyncadd.s32 @!p0 $0xFFFFFFFF  }
0xb3: {  	s25 =	simm.s32 $0x1B8E;
	s24 =	sld [smem:$0x3FFE];
	[sflag:s5] =	ssyncadd.remote.s32 @!p0 $0x1  }
0xb4: {  	s26 =	simm.s32 $execute0_lowered;
	[smem:$0x3FD2] =	sst s25  }
0xb5: {  	s6 =	sshll.u32 s26, $0x1;
	_ =	strace $0x80000049;
	[dreg:$0x1] =	wrdreg $0xFFFFFFFF  }
0xb6: {  	s28 =	simm.s32 $_size_execute0_lowered;
	s4 =	sadd.s32 s4, s6;
	[dreg:$0x0] =	wrdreg $0x0  }
0xb7: {  	s6 =	sshll.u32 s28, $0x1;
	[dreg:$0x2] =	wrdreg s4  }
0xb8: {  	[dreg:$0x3] =	wrdreg s6  }
0xb9: {  	[dreg:$0x4] =	wrdreg $0xC0  }
0xba: {  	_ =	task [dreg:s22], $0x5FFFF  }
0xbb: {  	[dreg:$0x1] =	wrdreg $0xFFFFFFFF  }
0xbc: {  	[dreg:$0x0] =	wrdreg $0x60  }
0xbd: {  	[dreg:$0x2] =	wrdreg s24  }
0xbe: {  	[dreg:$0x3] =	wrdreg s18  }
0xbf: {  	[dreg:$0x4] =	wrdreg $0x48000  }
0xc0: {  	[dreg:$0x5] =	wrdreg $0xA  }
0xc1: {  	_ =	task.clear_ibuf [dreg:s22], $0x6FFFF;
	_ =	strace $0x90000049  }
0xc2: {  	s29 =	simm.s32 $0xA;
	_ =	strace $0x8000004B  }
0xc3: {  	_ =	swait.ge [sflag:s29], $0x1  }
0xc4: {  	[sflag:s29] =	ssyncadd.s32 $0xFFFFFFFF  }
0xc5: {  	_ =	strace $0x9000004B  }
0xc6: {  	_ =	sfence  }
0xc7: {  	s30 =	sld [smem:$0x0];
	_ =	sdelay $0x2  }
0xc8: {  	s31 =	sshll.u32 s1, $0xD;
	s1 =	sshrl.u32 s1, $0x2  }
0xc9: {  	s4 =	sand.u32 $0x4000, s31;
	s1 =	sadd.s32 s1, s30  }
0xca: {  	s0 =	sor.u32 s4, s0;
	s1 =	sshll.u32 s1, $0x11  }
0xcb: {  	s0 =	sor.u32 s1, s0  }
0xcc: {  	s0 =	sadd.s32 $0x8F2B, s0  }
0xcd: {  	[sflag:s0] =	ssyncadd.remote.s32 $0x1  }
0xce: {  	_ =	sfence.sel $0xFFFF  }
0xcf: {  	[dreg:$0x0] =	wrdreg $0xFFFFFFFF;
	(pc) =	sbr.abs _section_cstart, $3  }
0xd0: {  	[dreg:$0x1] =	wrdreg $0xFFFFFFFF  }
0xd1: {  	_ =	task.clear_ibuf [dreg:s22], $0x2FFFF;
	_ =	strace $0x9FFFFFFF  }
0xd2: {  	(tm) =	ssettm $0x7FFFFFFF  }
0xd3: {  	_ =	shalt  }
tec
execute0_lowered:
.L_overlay_start_1:
0x0: {  	(tag) =	ssettag $0x1  }
0x1: {  	s5 =	rddreg [dreg:$0x0]  }
0x2: {  	s1 =	srdreg.scid;
	s2 =	rddreg [dreg:$0x1]  }
0x3: {  	s0 =	stileid.u32;
	s3 =	rddreg [dreg:$0x2]  }
0x4: {  	s4 =	simm.s32 $0x0;
	s12 =	simm.s32 $0x2800;
	s13 =	simm.s32 $0x40  }
0x5: {  	s14 =	simm.s32 $0x0;
	s6 =	sand.u32 $0x1, s1;
	s8 =	smul.u32 $0x14000, s0  }
0x6: {  	s28 =	sshll.u32 s0, $0x1;
	[smem:$0x7FF] =	sst s4;
	s11 =	smul.u32 $0x50000, s0  }
0x7: {  	s30 =	sshll.u32 s0, $0x6;
	s1 =	sor.u32 s6, s28;
	s9 =	smul.u32 $0x140000, s6  }
0x8: {  	s6 =	ssub.s32 $0x2, s6;
	s7 =	smul.u32 $0x500, s1;
	s1 =	rddreg [dreg:$0x3]  }
0x9: {  	_ =	strace $0x8000004A;
	s10 =	sshrl.u32 s8, $0x3;
	s29 =	sshrl.u32 s6, $0x1  }
0xa: {  	s11 =	sshrl.u32 s11, $0x2;
	s10 =	sadd.s32 s10, s5;
	s8 =	sadd.s32 s8, s9  }
0xb: {  	s9 =	ssub.s32 s6, s29;
	s6 =	sor.u32 $0x1C01, s30;
	s31 =	sadd.s32 s11, s3  }
0xc: {  	s11 =	simm.s32 $0x1;
	s7 =	sadd.s32 s7, s5;
	s8 =	sshrl.u32 s8, $0x3  }
0xd: {  	s9 =	smax.u32 s9, $0x1;
	s8 =	sadd.s32 s8, s5;
	s5 =	sadd.s32 $0x3AEC00, s10  }
0xe: {  	s7 =	sadd.s32 $0x3A4C00, s7;
	s10 =	sshrl.u32 s31, $0x3;
	s8 =	sadd.s32 $0x3D6C00, s8  }
.LBB2_1:
0xf: {  	[spmem:s10], [sflag:s6] =	dma.local [hbm:s5], $0x2800  }
0x10: {  	_ =	swait.ge [sflag:s11], $0x2800  }
0x11: {  	[sflag:s11] =	ssyncset.done $0x0  }
0x12: {  	[sflag:s11] =	ssyncadd.s32 $0xFFFFD800  }
0x13: {  	[tilespmem:s4], [sflag:$0x1] =	stream.linear.gather [hbm4b:s7+s4], $0x2800, $0x38;
	[tilespmem:$0x7000] =	vst v63  }
0x14: {  	_ =	swait.ge [sflag:s11], $0x2800  }
0x15: {  	[sflag:s11] =	ssyncset.done $0x0  }
0x16: {  	[sflag:s11] =	ssyncadd.s32 $0xFFFFD800  }
0x17: {  	[tilespmem:s12], [sflag:$0x1] =	stream.linear.gather [hbm4b:s2+s4], $0x2000, $0x38;
	[tilespmem:$0x7000] =	vst v63  }
0x18: {  	_ =	swait.ge [sflag:s11], $0x2000  }
0x19: {  	[sflag:s11] =	ssyncset.done $0x0  }
0x1a: {  	[sflag:s11] =	ssyncadd.s32 $0xFFFFE000  }
0x1b: {  	s15 =	simm.s32 $0x0;
	[bflag:$0x0] =	sbarrier.arrive $0xFFFF  }
0x1c: {  	[spmem:s3] =	stream.indirect.scatter.add.f32 [tilespmem:s12], [sflag:$0x1], $0x10, s15, s13, $0xb8;
	[tilespmem:$0x7000] =	vst v63  }
0x1d: {  	_ =	swait.ge [sflag:s11], $0x400  }
0x1e: {  	s15 =	simm.s32 $0x200;
	[sflag:s11] =	ssyncset.done $0x0  }
.LBB2_2:
0x1f: {  	s16 =	sshra.s32 s15, $0x2;
	[sflag:s11] =	ssyncadd.s32 $0xFFFFFC00;
	p0 =	sne.s32 s15, $0x9E00  }
0x20: {  	[spmem:s3] =	stream.indirect.scatter.add.f32 [tilespmem:s12], [sflag:$0x1], $0x10, s16, s13, $0xb8;
	[tilespmem:$0x7000] =	vst v63  }
.Ltmp0:
0x21: {  	_ = 	snop;
	(pc) =	sbr.rel @p0 .LBB2_2-.Ltmp0, $4  }
0x22: {  	_ = 	snop  }
0x23: {  	s15 =	sadd.s32 $0x200, s15  }
0x24: {  	_ =	swait.ge [sflag:s11], $0x400  }
0x25: {  	[sflag:s11] =	ssyncset.done $0x0  }
0x26: {  	s14 =	sadd.s32 $0x1, s14  }
0x27: {  	[sflag:s11] =	ssyncadd.s32 $0xFFFFFC00;
	p0 =	sne.s32 s14, s9  }
.Ltmp1:
0x28: {  	[bflag:$0x0] =	sbarrier.arrive $0xFFFF;
	(pc) =	sbr.rel @p0 .LBB2_1-.Ltmp1, $4  }
0x29: {  	[hbm:s8], [sflag:s6] =	dma.local [spmem:s10], $0x2800  }
0x2a: {  	_ =	swait.ge [sflag:s11], $0x2800  }
0x2b: {  	[sflag:s11] =	ssyncset.done $0x0  }
0x2c: {  	[sflag:s11] =	ssyncadd.s32 $0xFFFFD800  }
0x2d: {  	_ =	sfence.sel $0x180000  }
0x2e: {  	[bflag:$0x0] =	sbarrier.arrive $0xFFFF  }
0x2f: {  	p0 =	sne.s32 s0, $0x0;
	_ =	strace $0x9000004A  }
0x30: {  	s0 =	sadd.s32 @!p0 $0x100000, s1;
	[bflag:$0x2] =	sbarrier.arrive $0xFFFF  }
0x31: {  	[sflag:s0] =	ssyncadd.tile.s32 @!p0 $0x1;
	_ =	shalt  }
.Lfunc_end2:
_tile_overlayer_lowered:
.L_overlay_start_2:
0x32: {  	(tag) =	ssettag $0x2  }
0x33: {  	s0 =	rddreg [dreg:$0x0];
	s2 =	stileid.u32  }
0x34: {  	s1 =	rddreg [dreg:$0x1];
	p0 =	sne.s32 s2, $0x0  }
0x35: {  	s3 =	rddreg [dreg:$0x2];
	[bflag:$0x3] =	sbarrier.arrive $0xFFFF;
	s2 =	simm.s32 @!p0 $0x1C01  }
0x36: {  	[timem:s3], [sflag:s2] =	dma.local @!p0 [hbm:s0], s1  }
0x37: {  	s0 =	simm.s32 @!p0 $0x1  }
0x38: {  	_ =	swait.ge @!p0 [sflag:s0], s1  }
0x39: {  	s1 =	ssub.s32 @!p0 $0x0, s1;
	[sflag:s0] =	ssyncset.done @!p0 $0x0  }
0x3a: {  	[sflag:s0] =	ssyncadd.s32 @!p0 s1  }
0x3b: {  	[bflag:$0x3] =	sbarrier.arrive $0xFFFF  }
0x3c: {  	_ =	shalt  }

// kernel: kernel.16.cloned.1.call-start
scs
__scs_entry_jumppad:
0x0: {  	(pc) =	sbr.rel $0x88, $3  }
0x1: {  	(tag) =	ssettag $0x0;
	lr =	simm.s32 $0x1  }
0x2: {  	[smem:$0x3F90] =	sst lr;
	_ =	strace $0xD0000000  }
0x3: {  	_ = 	snop  }
0x4: {  	_ = 	snop  }
0x5: {  	_ = 	snop  }
0x6: {  	_ = 	snop  }
0x7: {  	_ = 	snop  }
__scs_overlays_trampoline_lowered:
0x8: {  	[smem:$0x3F9F] =	sst s0  }
0x9: {  	[smem:$0x3FA0] =	sst s1  }
0xa: {  	[smem:$0x3FA1] =	sst s2  }
0xb: {  	[smem:$0x3FA2] =	sst s3  }
0xc: {  	[smem:$0x3FA3] =	sst s4  }
0xd: {  	[smem:$0x3FA4] =	sst s5  }
0xe: {  	[smem:$0x3FA5] =	sst s6  }
0xf: {  	[smem:$0x3FA6] =	sst s7  }
0x10: {  	[smem:$0x3FA7] =	sst s8  }
0x11: {  	[smem:$0x3FA8] =	sst s9;
	s0 =	simm.s32 @!p0 $0x0  }
0x12: {  	s1 =	sld [smem:$0x3F8E];
	s0 =	simm.s32 @p0 $0x1  }
0x13: {  	[smem:$0x3FA9] =	sst s0;
	s0 =	simm.s32 @!p1 $0x0  }
0x14: {  	s2 =	sld [smem:$0x3F8D];
	s0 =	simm.s32 @p1 $0x1  }
0x15: {  	[smem:$0x3FAA] =	sst s0;
	s0 =	simm.s32 @!p2 $0x0  }
0x16: {  	s3 =	sld [smem:$0x3FDB];
	s0 =	simm.s32 @p2 $0x1  }
0x17: {  	s4 =	simm.s32 $0x1BF5;
	[smem:$0x3FAC] =	sst s0  }
0x18: {  	s0 =	sld [smem:$0x3F8F];
	_ =	swait.ge [sflag:s4], $0x0  }
0x19: {  	s7 =	sld [smem:$0x3F90]  }
0x1a: {  	s8 =	sadd.s32 $0xFFFFE003, lr  }
0x1b: {  	s9 =	sadd.s32 $0xFFFFFEF7, lr;
	s5 =	simm.s32 $0xFFFFFFFF;
	p2 =	slt.u32 s8, $0xFFFFF086  }
0x1c: {  	p1 =	slt.u32 s9, $0xF7A;
	s5 =	simm.s32 @!p2 $0x0  }
0x1d: {  	s5 =	simm.s32 @p1 $0x1;
	p0 =	seq.s32 s7, s2  }
0x1e: {  	s7 =	smul.u32 @!p0 $0xF7A, s2;
	p2 =	seq.s32 @!p0 s5, $0x0  }
0x1f: {  	s9 =	smul.u32 $0xF7A, s1;
	s8 =	simm.s32 @!p0 $0x1BF5;
	p2 =	por !p2, p0  }
0x20: {  	[sflag:s8] =	ssyncset.s32 @!p0 $0xFFFFF086;
	s6 =	sadd.s32 @!p0 s3, s7;
	s7 =	simm.s32 @!p0 $0x108  }
0x21: {  	s3 =	sadd.s32 s3, s9;
	s6 =	sadd.s32 @!p0 $0x88, s6;
	s7 =	simm.s32 @p2 $0x1082  }
0x22: {  	[simem:s7], [sflag:s8] =	dma.local @!p0 [hbm:s6], $0xF7A  }
0x23: {  	s9 =	sor.u32 $0xD0000000, s2;
	s6 =	simm.s32 $0x108;
	_ =	swait.ge @!p0 [sflag:s8], $0x0  }
0x24: {  	s3 =	sadd.s32 $0x88, s3;
	s6 =	simm.s32 @!p1 $0x1082;
	[sflag:s4] =	ssyncset.s32 $0xFFFFF086  }
0x25: {  	[simem:s6], [sflag:s4] =	dma.local [hbm:s3], $0xF7A  }
0x26: {  	[smem:$0x3F90] =	sst s1;
	(tag) =	ssettag s2;
	_ =	strace s9  }
0x27: {  	s1 =	sld [smem:$0x3FA0]  }
0x28: {  	s2 =	sld [smem:$0x3FA1]  }
0x29: {  	s4 =	sld [smem:$0x3FA3]  }
0x2a: {  	p0 =	seq.s32 s5, $0x0;
	s5 =	sld [smem:$0x3FA4]  }
0x2b: {  	s6 =	sld [smem:$0x3FA5]  }
0x2c: {  	s7 =	sld [smem:$0x3FA6]  }
0x2d: {  	s3 =	simm.s32 $0x108;
	s8 =	sld [smem:$0x3FA7]  }
0x2e: {  	s3 =	simm.s32 @!p0 $0x1082;
	s9 =	sld [smem:$0x3FA8]  }
0x2f: {  	lr =	sadd.s32 s0, s3;
	s0 =	sld [smem:$0x3F9F]  }
0x30: {  	s3 =	sld [smem:$0x3FA2]  }
0x31: {  	[smem:$0x3FAB] =	sst s10  }
0x32: {  	s10 =	sld [smem:$0x3FA9];
	_ =	sdelay $0x3  }
0x33: {  	p0 =	seq.s32 s10, $0x1;
	s10 =	sld [smem:$0x3FAB];
	_ =	sdelay $0x3  }
0x34: {  	[smem:$0x3FAB] =	sst s10  }
0x35: {  	s10 =	sld [smem:$0x3FAA];
	_ =	sdelay $0x3  }
0x36: {  	p1 =	seq.s32 s10, $0x1;
	s10 =	sld [smem:$0x3FAB];
	_ =	sdelay $0x3  }
0x37: {  	[smem:$0x3FAB] =	sst s10  }
0x38: {  	s10 =	sld [smem:$0x3FAC]  }
0x39: {  	_ = 	snop;
	(pc) =	sbr.ind lr, $3  }
0x3a: {  	_ = 	snop  }
0x3b: {  	_ = 	snop  }
0x3c: {  	p2 =	seq.s32 s10, $0x1;
	s10 =	sld [smem:$0x3FAB]  }
0x3d: {  	_ =	shalt  }
0x3e: {  	_ =	shalt  }
0x3f: {  	_ =	shalt  }
0x40: {  	_ =	shalt  }
0x41: {  	_ =	shalt  }
0x42: {  	_ =	shalt  }
0x43: {  	_ =	shalt  }
0x44: {  	_ =	shalt  }
0x45: {  	_ =	shalt  }
0x46: {  	_ =	shalt  }
0x47: {  	_ =	shalt  }
0x48: {  	_ =	shalt  }
0x49: {  	_ =	shalt  }
0x4a: {  	_ =	shalt  }
0x4b: {  	_ =	shalt  }
0x4c: {  	_ =	shalt  }
0x4d: {  	_ =	shalt  }
0x4e: {  	_ =	shalt  }
0x4f: {  	_ =	shalt  }
0x50: {  	_ =	shalt  }
0x51: {  	_ =	shalt  }
0x52: {  	_ =	shalt  }
0x53: {  	_ =	shalt  }
0x54: {  	_ =	shalt  }
0x55: {  	_ =	shalt  }
0x56: {  	_ =	shalt  }
0x57: {  	_ =	shalt  }
0x58: {  	_ =	shalt  }
0x59: {  	_ =	shalt  }
0x5a: {  	_ =	shalt  }
0x5b: {  	_ =	shalt  }
0x5c: {  	_ =	shalt  }
0x5d: {  	_ =	shalt  }
0x5e: {  	_ =	shalt  }
0x5f: {  	_ =	shalt  }
0x60: {  	_ =	shalt  }
0x61: {  	_ =	shalt  }
0x62: {  	_ =	shalt  }
0x63: {  	_ =	shalt  }
0x64: {  	_ =	shalt  }
0x65: {  	_ =	shalt  }
0x66: {  	_ =	shalt  }
0x67: {  	_ =	shalt  }
0x68: {  	_ =	shalt  }
0x69: {  	_ =	shalt  }
0x6a: {  	_ =	shalt  }
0x6b: {  	_ =	shalt  }
0x6c: {  	_ =	shalt  }
0x6d: {  	_ =	shalt  }
0x6e: {  	_ =	shalt  }
0x6f: {  	_ =	shalt  }
0x70: {  	_ =	shalt  }
0x71: {  	_ =	shalt  }
0x72: {  	_ =	shalt  }
0x73: {  	_ =	shalt  }
0x74: {  	_ =	shalt  }
0x75: {  	_ =	shalt  }
0x76: {  	_ =	shalt  }
0x77: {  	_ =	shalt  }
0x78: {  	_ =	shalt  }
0x79: {  	_ =	shalt  }
0x7a: {  	_ =	shalt  }
0x7b: {  	_ =	shalt  }
0x7c: {  	_ =	shalt  }
0x7d: {  	_ =	shalt  }
0x7e: {  	_ =	shalt  }
0x7f: {  	_ =	shalt  }
0x80: {  	_ =	shalt  }
0x81: {  	_ =	shalt  }
0x82: {  	_ =	shalt  }
0x83: {  	_ =	shalt  }
0x84: {  	_ =	shalt  }
0x85: {  	_ =	shalt  }
0x86: {  	_ =	shalt  }
0x87: {  	_ =	shalt  }
.Lfunc_end0:
.L_simem_size_0:
called_computation.2_lowered:
.L_overlay_start_0:
0x88: {  	s2 =	sld [smem:$0x3FD9]  }
0x89: {  	s3 =	sld [smem:$0x3FFE];
	_ =	sdelay $0x1  }
0x8a: {  	s1 =	srdreg.scid  }
0x8b: {  	s0 =	sand.u32 $0x1, s1  }
0x8c: {  	s16 =	sshll.u32 s0, $0xA;
	s2 =	sadd.s32 s3, s2  }
0x8d: {  	s2 =	sadd.s32 s2, s16  }
0x8e: {  	[smem:$0x3FB7] =	sst s2  }
0x8f: {  	_ = 	snop  }
0x90: {  	(tm) =	ssettm $0x1  }
0x91: {  	s17 =	sld [smem:$0x3FFB];
	_ =	sdelay $0x3  }
0x92: {  	_ =	strace s17  }
0x93: {  	s2 =	sld [smem:$0x3FFC];
	_ =	sdelay $0x3  }
0x94: {  	_ =	strace s2  }
0x95: {  	s2 =	sld [smem:$0x3FFD];
	_ =	sdelay $0x3  }
0x96: {  	_ =	strace s2  }
0x97: {  	_ =	strace $0x8FFFFFFF  }
0x98: {  	s18 =	sld [smem:$0x3FDB];
	_ =	sdelay $0x1  }
0x99: {  	s19 =	simm.s32 $_scs_section_size  }
0x9a: {  	s4 =	simm.s32 $_size__tile_overlayer_lowered;
	s5 =	simm.s32 $_tile_overlayer_lowered  }
0x9b: {  	s22 =	simm.s32 $0x1BFF;
	s21 =	sshll.u32 s5, $0x1;
	s2 =	sadd.s32 s19, s18  }
0x9c: {  	s6 =	simm.s32 $0x0;
	s20 =	sshll.u32 s4, $0x1;
	s4 =	sadd.s32 s21, s2  }
0x9d: {  	[timem:s6], [sflag:s22] =	dma.local [hbm:s4], s20  }
0x9e: {  	_ =	swait.ge [sflag:s22], s20  }
0x9f: {  	s3 =	ssub.s32 $0x0, s20;
	[sflag:s22] =	ssyncset.done $0x0  }
0xa0: {  	[sflag:s22] =	ssyncadd.s32 s3;
	_ =	sdelay $0x1  }
0xa1: {  	s23 =	simm.s32 $0x1B8B  }
0xa2: {  	_ =	swait.ge [sflag:s23], $0x1  }
0xa3: {  	[sflag:s23] =	ssyncset.done $0x0  }
0xa4: {  	s25 =	simm.s32 $0x1B8E;
	s24 =	sld [smem:$0x3FFE];
	[sflag:s23] =	ssyncadd.s32 $0xFFFFFFFF  }
0xa5: {  	s26 =	simm.s32 $execute0_lowered;
	[smem:$0x3FD2] =	sst s25  }
0xa6: {  	s4 =	sshll.u32 s26, $0x1;
	_ =	strace $0x8000004C;
	[dreg:$0x1] =	wrdreg $0xFFFFFFFF  }
0xa7: {  	s28 =	simm.s32 $_size_execute0_lowered;
	s2 =	sadd.s32 s2, s4;
	[dreg:$0x0] =	wrdreg $0x0  }
0xa8: {  	s4 =	sshll.u32 s28, $0x1;
	[dreg:$0x2] =	wrdreg s2  }
0xa9: {  	[dreg:$0x3] =	wrdreg s4  }
0xaa: {  	[dreg:$0x4] =	wrdreg $0xC0  }
0xab: {  	_ =	task [dreg:s6], $0x5FFFF  }
0xac: {  	[dreg:$0x1] =	wrdreg $0xFFFFFFFF  }
0xad: {  	[dreg:$0x0] =	wrdreg $0x60  }
0xae: {  	[dreg:$0x2] =	wrdreg s24  }
0xaf: {  	[dreg:$0x3] =	wrdreg $0x90000  }
0xb0: {  	[dreg:$0x4] =	wrdreg $0x9  }
0xb1: {  	_ =	task.clear_ibuf [dreg:s6], $0x5FFFF;
	_ =	strace $0x9000004C  }
0xb2: {  	s29 =	simm.s32 $0x9;
	_ =	strace $0x8000004E  }
0xb3: {  	_ =	swait.ge [sflag:s29], $0x1  }
0xb4: {  	[sflag:s29] =	ssyncadd.s32 $0xFFFFFFFF  }
0xb5: {  	_ =	strace $0x9000004E  }
0xb6: {  	_ =	sfence  }
0xb7: {  	s30 =	sld [smem:$0x0];
	_ =	sdelay $0x2  }
0xb8: {  	s31 =	sshll.u32 s1, $0xD;
	s1 =	sshrl.u32 s1, $0x2  }
0xb9: {  	s3 =	sand.u32 $0x4000, s31;
	s1 =	sadd.s32 s1, s30  }
0xba: {  	s0 =	sor.u32 s3, s0;
	s1 =	sshll.u32 s1, $0x11  }
0xbb: {  	s0 =	sor.u32 s1, s0  }
0xbc: {  	s0 =	sadd.s32 $0x8F2B, s0  }
0xbd: {  	[sflag:s0] =	ssyncadd.remote.s32 $0x1  }
0xbe: {  	_ =	sfence.sel $0xFFFF  }
0xbf: {  	[dreg:$0x0] =	wrdreg $0xFFFFFFFF;
	(pc) =	sbr.abs _section_cstart, $3  }
0xc0: {  	[dreg:$0x1] =	wrdreg $0xFFFFFFFF  }
0xc1: {  	_ =	task.clear_ibuf [dreg:s6], $0x2FFFF;
	_ =	strace $0x9FFFFFFF  }
0xc2: {  	(tm) =	ssettm $0x7FFFFFFF  }
0xc3: {  	_ =	shalt  }
tec
execute0_lowered:
.L_overlay_start_1:
0x0: {  	(tag) =	ssettag $0x1  }
0x1: {  	s5 =	rddreg [dreg:$0x0]  }
0x2: {  	s1 =	srdreg.scid;
	s0 =	stileid.u32  }
0x3: {  	s2 =	rddreg [dreg:$0x1];
	s3 =	simm.s32 $0x0;
	s14 =	simm.s32 $0x40  }
0x4: {  	s15 =	simm.s32 $0x5000;
	s16 =	simm.s32 $0x80;
	s17 =	simm.s32 $0x7000  }
0x5: {  	s18 =	simm.s32 $0x1;
	s19 =	simm.s32 $0x4F00;
	s20 =	simm.s32 $0x4F80  }
0x6: {  	s21 =	simm.s32 $0x0;
	s6 =	sand.u32 $0x1, s1;
	s1 =	rddreg [dreg:$0x2]  }
0x7: {  	s4 =	sshll.u32 s0, $0x1;
	[smem:$0x7FF] =	sst s3;
	s8 =	smul.u32 $0x14000, s0  }
0x8: {  	s11 =	smul.u32 $0x50000, s0;
	s31 =	sshll.u32 s0, $0x6;
	s4 =	sor.u32 s6, s4  }
0x9: {  	_ =	strace $0x8000004D;
	s9 =	smul.u32 $0x140000, s6;
	s6 =	ssub.s32 $0x2, s6  }
0xa: {  	s7 =	smul.u32 $0x500, s4;
	s4 =	sadd.s32 $0x3AEC00, s5;
	s29 =	sshrl.u32 s8, $0x3  }
0xb: {  	s30 =	sshrl.u32 s6, $0x1;
	s11 =	sshrl.u32 s11, $0x2;
	s8 =	sadd.s32 s8, s9  }
0xc: {  	s13 =	ssub.s32 s6, s30;
	s11 =	sadd.s32 s11, s2;
	s10 =	sadd.s32 s7, s5  }
0xd: {  	s7 =	sadd.s32 s29, s5;
	s8 =	sshrl.u32 s8, $0x3;
	s11 =	sshrl.u32 s11, $0x3  }
0xe: {  	s12 =	sadd.s32 s8, s5;
	s5 =	sadd.s32 $0x4400, s7;
	s6 =	sadd.s32 $0x426C00, s10  }
0xf: {  	s7 =	sor.u32 $0x1C02, s31;
	s8 =	sadd.s32 $0x3A4C00, s10;
	s10 =	smax.u32 s13, $0x1  }
0x10: {  	s13 =	simm.s32 $0x2800;
	s9 =	sadd.s32 $0x2C400, s12;
	s12 =	simm.s32 $0x2  }
.LBB2_1:
0x11: {  	[spmem:s11], [sflag:s7] =	dma.local [hbm:s5], $0x2800  }
0x12: {  	_ =	swait.ge [sflag:s12], $0x2800  }
0x13: {  	[sflag:s12] =	ssyncset.done $0x0  }
0x14: {  	[sflag:s12] =	ssyncadd.s32 $0xFFFFD800  }
0x15: {  	[tilespmem:s3], [sflag:$0x2] =	stream.linear.gather [hbm4b:s6+s3], $0x2800, $0x38;
	[tilespmem:$0x1D000] =	vst v63  }
0x16: {  	_ =	swait.ge [sflag:s12], $0x2800  }
0x17: {  	[sflag:s12] =	ssyncset.done $0x0  }
0x18: {  	[sflag:s12] =	ssyncadd.s32 $0xFFFFD800  }
0x19: {  	[tilespmem:s13], [sflag:$0x2] =	stream.linear.gather [hbm4b:s8+s3], $0x2800, $0x38;
	[tilespmem:$0x1D000] =	vst v63  }
0x1a: {  	_ =	swait.ge [sflag:s12], $0x2800  }
0x1b: {  	[sflag:s12] =	ssyncset.done $0x0  }
0x1c: {  	[sflag:s12] =	ssyncadd.s32 $0xFFFFD800  }
0x1d: {  	[bflag:$0x0] =	sbarrier.arrive $0xFFFF  }
0x1e: {  	[tilespmem:s15], [sflag:$0x1] =	stream.indirect.gather [hbm4b:s4+s14], $0x80, s3, s14, $0xb8;
	[tilespmem:$0x1D000] =	vst v63  }
0x1f: {  	_ = 	snop  }
0x20: {  	[tilespmem:s17], [sflag:$0x1] =	stream.indirect.gather [hbm4b:s4+s14], $0x80, s16, s14, $0xb8;
	[tilespmem:$0x1D000] =	vst v63  }
0x21: {  	_ =	swait.ge [sflag:s18], $0x2000  }
0x22: {  	[sflag:s18] =	ssyncset.done $0x0  }
0x23: {  	s22 =	simm.s32 $0x2800;
	[sflag:s18] =	ssyncadd.s32 $0xFFFFE000  }
0x24: {  	[spmem:s2] =	stream.indirect.scatter.add.f32 [tilespmem:s15], [sflag:$0x2], $0x80, s22, s14, $0xb8;
	[tilespmem:$0x1D000] =	vst v63  }
0x25: {  	_ =	swait.ge [sflag:s12], $0x2000  }
0x26: {  	[sflag:s12] =	ssyncset.done $0x0  }
0x27: {  	s30 =	simm.s32 $0x100;
	[sflag:s12] =	ssyncadd.s32 $0xFFFFE000  }
0x28: {  	[tilespmem:s15], [sflag:$0x1] =	stream.indirect.gather [hbm4b:s4+s14], $0x80, s30, s14, $0xb8;
	[tilespmem:$0x1D000] =	vst v63  }
0x29: {  	_ =	swait.ge [sflag:s18], $0x2000  }
0x2a: {  	[sflag:s18] =	ssyncset.done $0x0  }
0x2b: {  	s31 =	simm.s32 $0x2880;
	[sflag:s18] =	ssyncadd.s32 $0xFFFFE000  }
0x2c: {  	[spmem:s2] =	stream.indirect.scatter.add.f32 [tilespmem:s17], [sflag:$0x2], $0x80, s31, s14, $0xb8;
	[tilespmem:$0x1D000] =	vst v63  }
0x2d: {  	_ =	swait.ge [sflag:s12], $0x2000  }
0x2e: {  	[sflag:s12] =	ssyncset.done $0x0  }
0x2f: {  	s23 =	simm.s32 $0x180;
	s22 =	simm.s32 $0x400;
	[sflag:s12] =	ssyncadd.s32 $0xFFFFE000  }
.LBB2_2:
0x30: {  	[tilespmem:s17], [sflag:$0x1] =	stream.indirect.gather [hbm4b:s4+s14], $0x80, s23, s14, $0xb8;
	[tilespmem:$0x1D000] =	vst v63  }
0x31: {  	s23 =	smov.u32 s22  }
0x32: {  	p0 =	sne.s32 s22, $0x9800;
	s22 =	sadd.s32 $0x400, s22;
	_ =	swait.ge [sflag:s18], $0x2000  }
0x33: {  	s23 =	sshra.s32 s23, $0x2;
	[sflag:s18] =	ssyncset.done $0x0  }
0x34: {  	s24 =	sadd.s32 $0x2800, s23;
	[sflag:s18] =	ssyncadd.s32 $0xFFFFE000  }
0x35: {  	[spmem:s2] =	stream.indirect.scatter.add.f32 [tilespmem:s15], [sflag:$0x2], $0x80, s24, s14, $0xb8;
	[tilespmem:$0x1D000] =	vst v63  }
0x36: {  	_ =	swait.ge [sflag:s12], $0x2000  }
0x37: {  	[sflag:s12] =	ssyncset.done $0x0  }
0x38: {  	s24 =	sadd.s32 $0x100, s23;
	[sflag:s12] =	ssyncadd.s32 $0xFFFFE000  }
0x39: {  	[tilespmem:s15], [sflag:$0x1] =	stream.indirect.gather [hbm4b:s4+s14], $0x80, s24, s14, $0xb8;
	[tilespmem:$0x1D000] =	vst v63  }
0x3a: {  	_ =	swait.ge [sflag:s18], $0x2000  }
0x3b: {  	[sflag:s18] =	ssyncset.done $0x0  }
.Ltmp0:
0x3c: {  	s24 =	sadd.s32 $0x2880, s23;
	[sflag:s18] =	ssyncadd.s32 $0xFFFFE000;
	(pc) =	sbr.rel @p0 .LBB2_2-.Ltmp0, $4  }
0x3d: {  	[spmem:s2] =	stream.indirect.scatter.add.f32 [tilespmem:s17], [sflag:$0x2], $0x80, s24, s14, $0xb8;
	[tilespmem:$0x1D000] =	vst v63  }
0x3e: {  	_ =	swait.ge [sflag:s12], $0x2000  }
0x3f: {  	[sflag:s12] =	ssyncset.done $0x0  }
0x40: {  	s23 =	sadd.s32 $0x180, s23;
	[sflag:s12] =	ssyncadd.s32 $0xFFFFE000  }
0x41: {  	[tilespmem:s17], [sflag:$0x1] =	stream.indirect.gather [hbm4b:s4+s14], $0x80, s23, s14, $0xb8;
	[tilespmem:$0x1D000] =	vst v63  }
0x42: {  	_ =	swait.ge [sflag:s18], $0x2000  }
0x43: {  	[sflag:s18] =	ssyncset.done $0x0  }
0x44: {  	[sflag:s18] =	ssyncadd.s32 $0xFFFFE000  }
0x45: {  	[spmem:s2] =	stream.indirect.scatter.add.f32 [tilespmem:s15], [sflag:$0x2], $0x80, s19, s14, $0xb8;
	[tilespmem:$0x1D000] =	vst v63  }
0x46: {  	_ =	swait.ge [sflag:s12], $0x2000  }
0x47: {  	[sflag:s12] =	ssyncset.done $0x0  }
0x48: {  	[sflag:s12] =	ssyncadd.s32 $0xFFFFE000  }
0x49: {  	_ =	swait.ge [sflag:s18], $0x2000  }
0x4a: {  	[sflag:s18] =	ssyncset.done $0x0  }
0x4b: {  	[sflag:s18] =	ssyncadd.s32 $0xFFFFE000  }
0x4c: {  	[spmem:s2] =	stream.indirect.scatter.add.f32 [tilespmem:s17], [sflag:$0x2], $0x80, s20, s14, $0xb8;
	[tilespmem:$0x1D000] =	vst v63  }
0x4d: {  	_ =	swait.ge [sflag:s12], $0x2000  }
0x4e: {  	s21 =	sadd.s32 $0x1, s21;
	[sflag:s12] =	ssyncset.done $0x0  }
0x4f: {  	p0 =	sne.s32 s21, s10;
	[sflag:s12] =	ssyncadd.s32 $0xFFFFE000  }
.Ltmp1:
0x50: {  	[bflag:$0x0] =	sbarrier.arrive $0xFFFF;
	(pc) =	sbr.rel @p0 .LBB2_1-.Ltmp1, $4  }
0x51: {  	[hbm:s9], [sflag:s7] =	dma.local [spmem:s11], $0x2800  }
0x52: {  	_ =	swait.ge [sflag:s12], $0x2800  }
0x53: {  	[sflag:s12] =	ssyncset.done $0x0  }
0x54: {  	[sflag:s12] =	ssyncadd.s32 $0xFFFFD800  }
0x55: {  	_ =	sfence.sel $0x180000  }
0x56: {  	[bflag:$0x0] =	sbarrier.arrive $0xFFFF  }
0x57: {  	p0 =	sne.s32 s0, $0x0;
	_ =	strace $0x9000004D  }
0x58: {  	s0 =	sadd.s32 @!p0 $0x100000, s1;
	[bflag:$0x2] =	sbarrier.arrive $0xFFFF  }
0x59: {  	[sflag:s0] =	ssyncadd.tile.s32 @!p0 $0x1;
	_ =	shalt  }
.Lfunc_end2:
_tile_overlayer_lowered:
.L_overlay_start_2:
0x5a: {  	(tag) =	ssettag $0x2  }
0x5b: {  	s0 =	rddreg [dreg:$0x0];
	s2 =	stileid.u32  }
0x5c: {  	s1 =	rddreg [dreg:$0x1];
	p0 =	sne.s32 s2, $0x0  }
0x5d: {  	s3 =	rddreg [dreg:$0x2];
	[bflag:$0x3] =	sbarrier.arrive $0xFFFF;
	s2 =	simm.s32 @!p0 $0x1C02  }
0x5e: {  	[timem:s3], [sflag:s2] =	dma.local @!p0 [hbm:s0], s1  }
0x5f: {  	s0 =	simm.s32 @!p0 $0x2  }
0x60: {  	_ =	swait.ge @!p0 [sflag:s0], s1  }
0x61: {  	s1 =	ssub.s32 @!p0 $0x0, s1;
	[sflag:s0] =	ssyncset.done @!p0 $0x0  }
0x62: {  	[sflag:s0] =	ssyncadd.s32 @!p0 s1  }
0x63: {  	[bflag:$0x3] =	sbarrier.arrive $0xFFFF  }
0x64: {  	_ =	shalt  }

// kernel: kernel.19.cloned.1.call-start
scs
__scs_entry_jumppad:
0x0: {  	(pc) =	sbr.rel $0x88, $3  }
0x1: {  	(tag) =	ssettag $0x0;
	lr =	simm.s32 $0x1  }
0x2: {  	[smem:$0x3F90] =	sst lr;
	_ =	strace $0xD0000000  }
0x3: {  	_ = 	snop  }
0x4: {  	_ = 	snop  }
0x5: {  	_ = 	snop  }
0x6: {  	_ = 	snop  }
0x7: {  	_ = 	snop  }
__scs_overlays_trampoline_lowered:
0x8: {  	[smem:$0x3F9F] =	sst s0  }
0x9: {  	[smem:$0x3FA0] =	sst s1  }
0xa: {  	[smem:$0x3FA1] =	sst s2  }
0xb: {  	[smem:$0x3FA2] =	sst s3  }
0xc: {  	[smem:$0x3FA3] =	sst s4  }
0xd: {  	[smem:$0x3FA4] =	sst s5  }
0xe: {  	[smem:$0x3FA5] =	sst s6  }
0xf: {  	[smem:$0x3FA6] =	sst s7  }
0x10: {  	[smem:$0x3FA7] =	sst s8  }
0x11: {  	[smem:$0x3FA8] =	sst s9;
	s0 =	simm.s32 @!p0 $0x0  }
0x12: {  	s1 =	sld [smem:$0x3F8E];
	s0 =	simm.s32 @p0 $0x1  }
0x13: {  	[smem:$0x3FA9] =	sst s0;
	s0 =	simm.s32 @!p1 $0x0  }
0x14: {  	s2 =	sld [smem:$0x3F8D];
	s0 =	simm.s32 @p1 $0x1  }
0x15: {  	[smem:$0x3FAA] =	sst s0;
	s0 =	simm.s32 @!p2 $0x0  }
0x16: {  	s3 =	sld [smem:$0x3FDB];
	s0 =	simm.s32 @p2 $0x1  }
0x17: {  	s4 =	simm.s32 $0x1BF5;
	[smem:$0x3FAC] =	sst s0  }
0x18: {  	s0 =	sld [smem:$0x3F8F];
	_ =	swait.ge [sflag:s4], $0x0  }
0x19: {  	s7 =	sld [smem:$0x3F90]  }
0x1a: {  	s8 =	sadd.s32 $0xFFFFE003, lr  }
0x1b: {  	s9 =	sadd.s32 $0xFFFFFEF7, lr;
	s5 =	simm.s32 $0xFFFFFFFF;
	p2 =	slt.u32 s8, $0xFFFFF086  }
0x1c: {  	p1 =	slt.u32 s9, $0xF7A;
	s5 =	simm.s32 @!p2 $0x0  }
0x1d: {  	s5 =	simm.s32 @p1 $0x1;
	p0 =	seq.s32 s7, s2  }
0x1e: {  	s7 =	smul.u32 @!p0 $0xF7A, s2;
	p2 =	seq.s32 @!p0 s5, $0x0  }
0x1f: {  	s9 =	smul.u32 $0xF7A, s1;
	s8 =	simm.s32 @!p0 $0x1BF5;
	p2 =	por !p2, p0  }
0x20: {  	[sflag:s8] =	ssyncset.s32 @!p0 $0xFFFFF086;
	s6 =	sadd.s32 @!p0 s3, s7;
	s7 =	simm.s32 @!p0 $0x108  }
0x21: {  	s3 =	sadd.s32 s3, s9;
	s6 =	sadd.s32 @!p0 $0x88, s6;
	s7 =	simm.s32 @p2 $0x1082  }
0x22: {  	[simem:s7], [sflag:s8] =	dma.local @!p0 [hbm:s6], $0xF7A  }
0x23: {  	s9 =	sor.u32 $0xD0000000, s2;
	s6 =	simm.s32 $0x108;
	_ =	swait.ge @!p0 [sflag:s8], $0x0  }
0x24: {  	s3 =	sadd.s32 $0x88, s3;
	s6 =	simm.s32 @!p1 $0x1082;
	[sflag:s4] =	ssyncset.s32 $0xFFFFF086  }
0x25: {  	[simem:s6], [sflag:s4] =	dma.local [hbm:s3], $0xF7A  }
0x26: {  	[smem:$0x3F90] =	sst s1;
	(tag) =	ssettag s2;
	_ =	strace s9  }
0x27: {  	s1 =	sld [smem:$0x3FA0]  }
0x28: {  	s2 =	sld [smem:$0x3FA1]  }
0x29: {  	s4 =	sld [smem:$0x3FA3]  }
0x2a: {  	p0 =	seq.s32 s5, $0x0;
	s5 =	sld [smem:$0x3FA4]  }
0x2b: {  	s6 =	sld [smem:$0x3FA5]  }
0x2c: {  	s7 =	sld [smem:$0x3FA6]  }
0x2d: {  	s3 =	simm.s32 $0x108;
	s8 =	sld [smem:$0x3FA7]  }
0x2e: {  	s3 =	simm.s32 @!p0 $0x1082;
	s9 =	sld [smem:$0x3FA8]  }
0x2f: {  	lr =	sadd.s32 s0, s3;
	s0 =	sld [smem:$0x3F9F]  }
0x30: {  	s3 =	sld [smem:$0x3FA2]  }
0x31: {  	[smem:$0x3FAB] =	sst s10  }
0x32: {  	s10 =	sld [smem:$0x3FA9];
	_ =	sdelay $0x3  }
0x33: {  	p0 =	seq.s32 s10, $0x1;
	s10 =	sld [smem:$0x3FAB];
	_ =	sdelay $0x3  }
0x34: {  	[smem:$0x3FAB] =	sst s10  }
0x35: {  	s10 =	sld [smem:$0x3FAA];
	_ =	sdelay $0x3  }
0x36: {  	p1 =	seq.s32 s10, $0x1;
	s10 =	sld [smem:$0x3FAB];
	_ =	sdelay $0x3  }
0x37: {  	[smem:$0x3FAB] =	sst s10  }
0x38: {  	s10 =	sld [smem:$0x3FAC]  }
0x39: {  	_ = 	snop;
	(pc) =	sbr.ind lr, $3  }
0x3a: {  	_ = 	snop  }
0x3b: {  	_ = 	snop  }
0x3c: {  	p2 =	seq.s32 s10, $0x1;
	s10 =	sld [smem:$0x3FAB]  }
0x3d: {  	_ =	shalt  }
0x3e: {  	_ =	shalt  }
0x3f: {  	_ =	shalt  }
0x40: {  	_ =	shalt  }
0x41: {  	_ =	shalt  }
0x42: {  	_ =	shalt  }
0x43: {  	_ =	shalt  }
0x44: {  	_ =	shalt  }
0x45: {  	_ =	shalt  }
0x46: {  	_ =	shalt  }
0x47: {  	_ =	shalt  }
0x48: {  	_ =	shalt  }
0x49: {  	_ =	shalt  }
0x4a: {  	_ =	shalt  }
0x4b: {  	_ =	shalt  }
0x4c: {  	_ =	shalt  }
0x4d: {  	_ =	shalt  }
0x4e: {  	_ =	shalt  }
0x4f: {  	_ =	shalt  }
0x50: {  	_ =	shalt  }
0x51: {  	_ =	shalt  }
0x52: {  	_ =	shalt  }
0x53: {  	_ =	shalt  }
0x54: {  	_ =	shalt  }
0x55: {  	_ =	shalt  }
0x56: {  	_ =	shalt  }
0x57: {  	_ =	shalt  }
0x58: {  	_ =	shalt  }
0x59: {  	_ =	shalt  }
0x5a: {  	_ =	shalt  }
0x5b: {  	_ =	shalt  }
0x5c: {  	_ =	shalt  }
0x5d: {  	_ =	shalt  }
0x5e: {  	_ =	shalt  }
0x5f: {  	_ =	shalt  }
0x60: {  	_ =	shalt  }
0x61: {  	_ =	shalt  }
0x62: {  	_ =	shalt  }
0x63: {  	_ =	shalt  }
0x64: {  	_ =	shalt  }
0x65: {  	_ =	shalt  }
0x66: {  	_ =	shalt  }
0x67: {  	_ =	shalt  }
0x68: {  	_ =	shalt  }
0x69: {  	_ =	shalt  }
0x6a: {  	_ =	shalt  }
0x6b: {  	_ =	shalt  }
0x6c: {  	_ =	shalt  }
0x6d: {  	_ =	shalt  }
0x6e: {  	_ =	shalt  }
0x6f: {  	_ =	shalt  }
0x70: {  	_ =	shalt  }
0x71: {  	_ =	shalt  }
0x72: {  	_ =	shalt  }
0x73: {  	_ =	shalt  }
0x74: {  	_ =	shalt  }
0x75: {  	_ =	shalt  }
0x76: {  	_ =	shalt  }
0x77: {  	_ =	shalt  }
0x78: {  	_ =	shalt  }
0x79: {  	_ =	shalt  }
0x7a: {  	_ =	shalt  }
0x7b: {  	_ =	shalt  }
0x7c: {  	_ =	shalt  }
0x7d: {  	_ =	shalt  }
0x7e: {  	_ =	shalt  }
0x7f: {  	_ =	shalt  }
0x80: {  	_ =	shalt  }
0x81: {  	_ =	shalt  }
0x82: {  	_ =	shalt  }
0x83: {  	_ =	shalt  }
0x84: {  	_ =	shalt  }
0x85: {  	_ =	shalt  }
0x86: {  	_ =	shalt  }
0x87: {  	_ =	shalt  }
.Lfunc_end0:
.L_simem_size_0:
called_computation.3_lowered:
.L_overlay_start_0:
0x88: {  	s2 =	sld [smem:$0x3FD9]  }
0x89: {  	s3 =	sld [smem:$0x3FFE];
	_ =	sdelay $0x1  }
0x8a: {  	s1 =	srdreg.scid  }
0x8b: {  	s0 =	sand.u32 $0x1, s1  }
0x8c: {  	s16 =	sshll.u32 s0, $0xA;
	s2 =	sadd.s32 s3, s2  }
0x8d: {  	s2 =	sadd.s32 s2, s16  }
0x8e: {  	[smem:$0x3FB7] =	sst s2  }
0x8f: {  	_ = 	snop  }
0x90: {  	(tm) =	ssettm $0x1  }
0x91: {  	s17 =	sld [smem:$0x3FFB];
	_ =	sdelay $0x3  }
0x92: {  	_ =	strace s17  }
0x93: {  	s2 =	sld [smem:$0x3FFC];
	_ =	sdelay $0x3  }
0x94: {  	_ =	strace s2  }
0x95: {  	s2 =	sld [smem:$0x3FFD];
	_ =	sdelay $0x3  }
0x96: {  	_ =	strace s2  }
0x97: {  	_ =	strace $0x8FFFFFFF  }
0x98: {  	s18 =	sld [smem:$0x3FDB];
	_ =	sdelay $0x1  }
0x99: {  	s19 =	simm.s32 $_scs_section_size  }
0x9a: {  	s4 =	simm.s32 $_size__tile_overlayer_lowered;
	s5 =	simm.s32 $_tile_overlayer_lowered  }
0x9b: {  	s22 =	simm.s32 $0x1BFF;
	s21 =	sshll.u32 s5, $0x1;
	s2 =	sadd.s32 s19, s18  }
0x9c: {  	s6 =	simm.s32 $0x0;
	s20 =	sshll.u32 s4, $0x1;
	s4 =	sadd.s32 s21, s2  }
0x9d: {  	[timem:s6], [sflag:s22] =	dma.local [hbm:s4], s20  }
0x9e: {  	_ =	swait.ge [sflag:s22], s20  }
0x9f: {  	s3 =	ssub.s32 $0x0, s20;
	[sflag:s22] =	ssyncset.done $0x0  }
0xa0: {  	[sflag:s22] =	ssyncadd.s32 s3;
	_ =	sdelay $0x1  }
0xa1: {  	s23 =	simm.s32 $0x1B8B  }
0xa2: {  	_ =	swait.ge [sflag:s23], $0x1  }
0xa3: {  	[sflag:s23] =	ssyncset.done $0x0  }
0xa4: {  	s25 =	simm.s32 $0x1B8E;
	s24 =	sld [smem:$0x3FFE];
	[sflag:s23] =	ssyncadd.s32 $0xFFFFFFFF  }
0xa5: {  	s26 =	simm.s32 $execute0_lowered;
	[smem:$0x3FD2] =	sst s25  }
0xa6: {  	s4 =	sshll.u32 s26, $0x1;
	_ =	strace $0x8000004F;
	[dreg:$0x1] =	wrdreg $0xFFFFFFFF  }
0xa7: {  	s28 =	simm.s32 $_size_execute0_lowered;
	s2 =	sadd.s32 s2, s4;
	[dreg:$0x0] =	wrdreg $0x0  }
0xa8: {  	s4 =	sshll.u32 s28, $0x1;
	[dreg:$0x2] =	wrdreg s2  }
0xa9: {  	[dreg:$0x3] =	wrdreg s4  }
0xaa: {  	[dreg:$0x4] =	wrdreg $0xC0  }
0xab: {  	_ =	task [dreg:s6], $0x5FFFF  }
0xac: {  	[dreg:$0x1] =	wrdreg $0xFFFFFFFF  }
0xad: {  	[dreg:$0x0] =	wrdreg $0x60  }
0xae: {  	[dreg:$0x2] =	wrdreg s24  }
0xaf: {  	[dreg:$0x3] =	wrdreg $0x90000  }
0xb0: {  	[dreg:$0x4] =	wrdreg $0x9  }
0xb1: {  	_ =	task.clear_ibuf [dreg:s6], $0x5FFFF;
	_ =	strace $0x9000004F  }
0xb2: {  	s29 =	simm.s32 $0x9;
	_ =	strace $0x80000051  }
0xb3: {  	_ =	swait.ge [sflag:s29], $0x1  }
0xb4: {  	[sflag:s29] =	ssyncadd.s32 $0xFFFFFFFF  }
0xb5: {  	_ =	strace $0x90000051  }
0xb6: {  	_ =	sfence  }
0xb7: {  	s30 =	sld [smem:$0x0];
	_ =	sdelay $0x2  }
0xb8: {  	s31 =	sshll.u32 s1, $0xD;
	s1 =	sshrl.u32 s1, $0x2  }
0xb9: {  	s3 =	sand.u32 $0x4000, s31;
	s1 =	sadd.s32 s1, s30  }
0xba: {  	s0 =	sor.u32 s3, s0;
	s1 =	sshll.u32 s1, $0x11  }
0xbb: {  	s0 =	sor.u32 s1, s0  }
0xbc: {  	s0 =	sadd.s32 $0x8F2B, s0  }
0xbd: {  	[sflag:s0] =	ssyncadd.remote.s32 $0x1  }
0xbe: {  	_ =	sfence.sel $0xFFFF  }
0xbf: {  	[dreg:$0x0] =	wrdreg $0xFFFFFFFF;
	(pc) =	sbr.abs _section_cstart, $3  }
0xc0: {  	[dreg:$0x1] =	wrdreg $0xFFFFFFFF  }
0xc1: {  	_ =	task.clear_ibuf [dreg:s6], $0x2FFFF;
	_ =	strace $0x9FFFFFFF  }
0xc2: {  	(tm) =	ssettm $0x7FFFFFFF  }
0xc3: {  	_ =	shalt  }
tec
execute0_lowered:
.L_overlay_start_1:
0x0: {  	(tag) =	ssettag $0x1  }
0x1: {  	s5 =	rddreg [dreg:$0x0]  }
0x2: {  	s1 =	srdreg.scid;
	s0 =	stileid.u32  }
0x3: {  	s2 =	rddreg [dreg:$0x1];
	s3 =	simm.s32 $0x0;
	s14 =	simm.s32 $0x40  }
0x4: {  	s15 =	simm.s32 $0x5000;
	s16 =	simm.s32 $0x80;
	s17 =	simm.s32 $0x7000  }
0x5: {  	s18 =	simm.s32 $0x1;
	s19 =	simm.s32 $0x4F00;
	s20 =	simm.s32 $0x4F80  }
0x6: {  	s21 =	simm.s32 $0x0;
	s6 =	sand.u32 $0x1, s1;
	s1 =	rddreg [dreg:$0x2]  }
0x7: {  	s4 =	sshll.u32 s0, $0x1;
	[smem:$0x7FF] =	sst s3;
	s8 =	smul.u32 $0x14000, s0  }
0x8: {  	s11 =	smul.u32 $0x50000, s0;
	s31 =	sshll.u32 s0, $0x6;
	s4 =	sor.u32 s6, s4  }
0x9: {  	_ =	strace $0x80000050;
	s9 =	smul.u32 $0x140000, s6;
	s6 =	ssub.s32 $0x2, s6  }
0xa: {  	s7 =	smul.u32 $0x500, s4;
	s4 =	sadd.s32 $0x3AEC00, s5;
	s29 =	sshrl.u32 s8, $0x3  }
0xb: {  	s30 =	sshrl.u32 s6, $0x1;
	s11 =	sshrl.u32 s11, $0x2;
	s8 =	sadd.s32 s8, s9  }
0xc: {  	s13 =	ssub.s32 s6, s30;
	s11 =	sadd.s32 s11, s2;
	s10 =	sadd.s32 s7, s5  }
0xd: {  	s7 =	sadd.s32 s29, s5;
	s8 =	sshrl.u32 s8, $0x3;
	s11 =	sshrl.u32 s11, $0x3  }
0xe: {  	s12 =	sadd.s32 s8, s5;
	s5 =	sadd.s32 $0x4400, s7;
	s6 =	sadd.s32 $0x426C00, s10  }
0xf: {  	s7 =	sor.u32 $0x1C02, s31;
	s8 =	sadd.s32 $0x3A4C00, s10;
	s10 =	smax.u32 s13, $0x1  }
0x10: {  	s13 =	simm.s32 $0x2800;
	s9 =	sadd.s32 $0x2C400, s12;
	s12 =	simm.s32 $0x2  }
.LBB2_1:
0x11: {  	[spmem:s11], [sflag:s7] =	dma.local [hbm:s5], $0x2800  }
0x12: {  	_ =	swait.ge [sflag:s12], $0x2800  }
0x13: {  	[sflag:s12] =	ssyncset.done $0x0  }
0x14: {  	[sflag:s12] =	ssyncadd.s32 $0xFFFFD800  }
0x15: {  	[tilespmem:s3], [sflag:$0x2] =	stream.linear.gather [hbm4b:s6+s3], $0x2800, $0x38;
	[tilespmem:$0x1D000] =	vst v63  }
0x16: {  	_ =	swait.ge [sflag:s12], $0x2800  }
0x17: {  	[sflag:s12] =	ssyncset.done $0x0  }
0x18: {  	[sflag:s12] =	ssyncadd.s32 $0xFFFFD800  }
0x19: {  	[tilespmem:s13], [sflag:$0x2] =	stream.linear.gather [hbm4b:s8+s3], $0x2800, $0x38;
	[tilespmem:$0x1D000] =	vst v63  }
0x1a: {  	_ =	swait.ge [sflag:s12], $0x2800  }
0x1b: {  	[sflag:s12] =	ssyncset.done $0x0  }
0x1c: {  	[sflag:s12] =	ssyncadd.s32 $0xFFFFD800  }
0x1d: {  	[bflag:$0x0] =	sbarrier.arrive $0xFFFF  }
0x1e: {  	[tilespmem:s15], [sflag:$0x1] =	stream.indirect.gather [hbm4b:s4+s14], $0x80, s3, s14, $0xb8;
	[tilespmem:$0x1D000] =	vst v63  }
0x1f: {  	_ = 	snop  }
0x20: {  	[tilespmem:s17], [sflag:$0x1] =	stream.indirect.gather [hbm4b:s4+s14], $0x80, s16, s14, $0xb8;
	[tilespmem:$0x1D000] =	vst v63  }
0x21: {  	_ =	swait.ge [sflag:s18], $0x2000  }
0x22: {  	[sflag:s18] =	ssyncset.done $0x0  }
0x23: {  	s22 =	simm.s32 $0x2800;
	[sflag:s18] =	ssyncadd.s32 $0xFFFFE000  }
0x24: {  	[spmem:s2] =	stream.indirect.scatter.add.f32 [tilespmem:s15], [sflag:$0x2], $0x80, s22, s14, $0xb8;
	[tilespmem:$0x1D000] =	vst v63  }
0x25: {  	_ =	swait.ge [sflag:s12], $0x2000  }
0x26: {  	[sflag:s12] =	ssyncset.done $0x0  }
0x27: {  	s30 =	simm.s32 $0x100;
	[sflag:s12] =	ssyncadd.s32 $0xFFFFE000  }
0x28: {  	[tilespmem:s15], [sflag:$0x1] =	stream.indirect.gather [hbm4b:s4+s14], $0x80, s30, s14, $0xb8;
	[tilespmem:$0x1D000] =	vst v63  }
0x29: {  	_ =	swait.ge [sflag:s18], $0x2000  }
0x2a: {  	[sflag:s18] =	ssyncset.done $0x0  }
0x2b: {  	s31 =	simm.s32 $0x2880;
	[sflag:s18] =	ssyncadd.s32 $0xFFFFE000  }
0x2c: {  	[spmem:s2] =	stream.indirect.scatter.add.f32 [tilespmem:s17], [sflag:$0x2], $0x80, s31, s14, $0xb8;
	[tilespmem:$0x1D000] =	vst v63  }
0x2d: {  	_ =	swait.ge [sflag:s12], $0x2000  }
0x2e: {  	[sflag:s12] =	ssyncset.done $0x0  }
0x2f: {  	s23 =	simm.s32 $0x180;
	s22 =	simm.s32 $0x400;
	[sflag:s12] =	ssyncadd.s32 $0xFFFFE000  }
.LBB2_2:
0x30: {  	[tilespmem:s17], [sflag:$0x1] =	stream.indirect.gather [hbm4b:s4+s14], $0x80, s23, s14, $0xb8;
	[tilespmem:$0x1D000] =	vst v63  }
0x31: {  	s23 =	smov.u32 s22  }
0x32: {  	p0 =	sne.s32 s22, $0x9800;
	s22 =	sadd.s32 $0x400, s22;
	_ =	swait.ge [sflag:s18], $0x2000  }
0x33: {  	s23 =	sshra.s32 s23, $0x2;
	[sflag:s18] =	ssyncset.done $0x0  }
0x34: {  	s24 =	sadd.s32 $0x2800, s23;
	[sflag:s18] =	ssyncadd.s32 $0xFFFFE000  }
0x35: {  	[spmem:s2] =	stream.indirect.scatter.add.f32 [tilespmem:s15], [sflag:$0x2], $0x80, s24, s14, $0xb8;
	[tilespmem:$0x1D000] =	vst v63  }
0x36: {  	_ =	swait.ge [sflag:s12], $0x2000  }
0x37: {  	[sflag:s12] =	ssyncset.done $0x0  }
0x38: {  	s24 =	sadd.s32 $0x100, s23;
	[sflag:s12] =	ssyncadd.s32 $0xFFFFE000  }
0x39: {  	[tilespmem:s15], [sflag:$0x1] =	stream.indirect.gather [hbm4b:s4+s14], $0x80, s24, s14, $0xb8;
	[tilespmem:$0x1D000] =	vst v63  }
0x3a: {  	_ =	swait.ge [sflag:s18], $0x2000  }
0x3b: {  	[sflag:s18] =	ssyncset.done $0x0  }
.Ltmp0:
0x3c: {  	s24 =	sadd.s32 $0x2880, s23;
	[sflag:s18] =	ssyncadd.s32 $0xFFFFE000;
	(pc) =	sbr.rel @p0 .LBB2_2-.Ltmp0, $4  }
0x3d: {  	[spmem:s2] =	stream.indirect.scatter.add.f32 [tilespmem:s17], [sflag:$0x2], $0x80, s24, s14, $0xb8;
	[tilespmem:$0x1D000] =	vst v63  }
0x3e: {  	_ =	swait.ge [sflag:s12], $0x2000  }
0x3f: {  	[sflag:s12] =	ssyncset.done $0x0  }
0x40: {  	s23 =	sadd.s32 $0x180, s23;
	[sflag:s12] =	ssyncadd.s32 $0xFFFFE000  }
0x41: {  	[tilespmem:s17], [sflag:$0x1] =	stream.indirect.gather [hbm4b:s4+s14], $0x80, s23, s14, $0xb8;
	[tilespmem:$0x1D000] =	vst v63  }
0x42: {  	_ =	swait.ge [sflag:s18], $0x2000  }
0x43: {  	[sflag:s18] =	ssyncset.done $0x0  }
0x44: {  	[sflag:s18] =	ssyncadd.s32 $0xFFFFE000  }
0x45: {  	[spmem:s2] =	stream.indirect.scatter.add.f32 [tilespmem:s15], [sflag:$0x2], $0x80, s19, s14, $0xb8;
	[tilespmem:$0x1D000] =	vst v63  }
0x46: {  	_ =	swait.ge [sflag:s12], $0x2000  }
0x47: {  	[sflag:s12] =	ssyncset.done $0x0  }
0x48: {  	[sflag:s12] =	ssyncadd.s32 $0xFFFFE000  }
0x49: {  	_ =	swait.ge [sflag:s18], $0x2000  }
0x4a: {  	[sflag:s18] =	ssyncset.done $0x0  }
0x4b: {  	[sflag:s18] =	ssyncadd.s32 $0xFFFFE000  }
0x4c: {  	[spmem:s2] =	stream.indirect.scatter.add.f32 [tilespmem:s17], [sflag:$0x2], $0x80, s20, s14, $0xb8;
	[tilespmem:$0x1D000] =	vst v63  }
0x4d: {  	_ =	swait.ge [sflag:s12], $0x2000  }
0x4e: {  	s21 =	sadd.s32 $0x1, s21;
	[sflag:s12] =	ssyncset.done $0x0  }
0x4f: {  	p0 =	sne.s32 s21, s10;
	[sflag:s12] =	ssyncadd.s32 $0xFFFFE000  }
.Ltmp1:
0x50: {  	[bflag:$0x0] =	sbarrier.arrive $0xFFFF;
	(pc) =	sbr.rel @p0 .LBB2_1-.Ltmp1, $4  }
0x51: {  	[hbm:s9], [sflag:s7] =	dma.local [spmem:s11], $0x2800  }
0x52: {  	_ =	swait.ge [sflag:s12], $0x2800  }
0x53: {  	[sflag:s12] =	ssyncset.done $0x0  }
0x54: {  	[sflag:s12] =	ssyncadd.s32 $0xFFFFD800  }
0x55: {  	_ =	sfence.sel $0x180000  }
0x56: {  	[bflag:$0x0] =	sbarrier.arrive $0xFFFF  }
0x57: {  	p0 =	sne.s32 s0, $0x0;
	_ =	strace $0x90000050  }
0x58: {  	s0 =	sadd.s32 @!p0 $0x100000, s1;
	[bflag:$0x2] =	sbarrier.arrive $0xFFFF  }
0x59: {  	[sflag:s0] =	ssyncadd.tile.s32 @!p0 $0x1;
	_ =	shalt  }
.Lfunc_end2:
_tile_overlayer_lowered:
.L_overlay_start_2:
0x5a: {  	(tag) =	ssettag $0x2  }
0x5b: {  	s0 =	rddreg [dreg:$0x0];
	s2 =	stileid.u32  }
0x5c: {  	s1 =	rddreg [dreg:$0x1];
	p0 =	sne.s32 s2, $0x0  }
0x5d: {  	s3 =	rddreg [dreg:$0x2];
	[bflag:$0x3] =	sbarrier.arrive $0xFFFF;
	s2 =	simm.s32 @!p0 $0x1C02  }
0x5e: {  	[timem:s3], [sflag:s2] =	dma.local @!p0 [hbm:s0], s1  }
0x5f: {  	s0 =	simm.s32 @!p0 $0x2  }
0x60: {  	_ =	swait.ge @!p0 [sflag:s0], s1  }
0x61: {  	s1 =	ssub.s32 @!p0 $0x0, s1;
	[sflag:s0] =	ssyncset.done @!p0 $0x0  }
0x62: {  	[sflag:s0] =	ssyncadd.s32 @!p0 s1  }
0x63: {  	[bflag:$0x3] =	sbarrier.arrive $0xFFFF  }
0x64: {  	_ =	shalt  }

</sc_bundles>
